<compile_context>
chip_gen: v7x
topology: tpu7x:2x2x1
jax: 0.10.2.dev20260603
libtpu: 0.0.44.dev20260713+nightly
codegen_flags: <defaults>
</compile_context>

<pallas_src>
import functools

import jax
import jax.numpy as jnp
from jax import lax
from jax.experimental import pallas as pl
from jax.experimental.pallas import tpu as pltpu
from jax.experimental.pallas import tpu_sc as plsc

D_MODEL = 64
D_PAD = 128
NUM_CORES = 2
NUM_SUBCORES = 16
NUM_WORKERS = NUM_CORES * NUM_SUBCORES
SG = 512
CHUNK = 2048
SPC = CHUNK // SG
JG = SG // 128


@functools.cache
def _make_embed(B: int):
    assert B % (NUM_WORKERS * 2 * CHUNK) == 0
    assert SPC % 2 == 0
    per_worker = B // NUM_WORKERS
    n_chunks = per_worker // CHUNK
    mesh = plsc.VectorSubcoreMesh(core_axis_name="c", subcore_axis_name="s")

    @functools.partial(
        pl.kernel,
        out_type=jax.ShapeDtypeStruct((B, D_PAD), jnp.float32),
        mesh=mesh,
        scratch_types=[
            pltpu.VMEM((2, CHUNK // 128, 128), jnp.int32),
            pltpu.VMEM((2, SG, D_MODEL), jnp.float32),
            [pltpu.SemaphoreType.DMA] * 2,
            [pltpu.SemaphoreType.DMA] * 2,
            [pltpu.SemaphoreType.DMA] * 2,
        ],
        compiler_params=pltpu.CompilerParams(use_tc_tiling_on_sc=False),
    )
    def embed(idx_hbm, table_hbm, out_hbm, idx_v, rows_v, isem, gsem, ssem):
        wid = lax.axis_index("s") * NUM_CORES + lax.axis_index("c")
        base = wid * per_worker

        def idx_copy(c, cb):
            row0 = pl.multiple_of((base + c * CHUNK) // 128, 8)
            return pltpu.make_async_copy(
                idx_hbm.at[pl.ds(row0, CHUNK // 128), :], idx_v.at[cb], isem[cb])

        def gather_copy(cb, q, j, rs):
            return pltpu.make_async_copy(
                table_hbm.at[idx_v.at[cb, JG * q + j]],
                rows_v.at[rs, pl.ds(j * 128, 128), :],
                gsem[rs],
            )

        def store_copy(sg, rs):
            off = pl.multiple_of(base + sg * SG, SG)
            return pltpu.make_async_copy(
                rows_v.at[rs],
                out_hbm.at[pl.ds(off, SG), pl.ds(0, D_MODEL)], ssem[rs])

        idx_copy(0, 0).start()
        idx_copy(1, 1).start()
        idx_copy(0, 0).wait()

        @pl.loop(0, n_chunks, step=2)
        def sup(t):
            for cb in (0, 1):
                c = t + cb

                @pl.when(c >= 1)
                def _():
                    idx_copy(c, cb).wait()

                for q in range(SPC):
                    sg = SPC * c + q
                    rs = q % 2

                    @pl.when(sg >= 2)
                    def _():
                        store_copy(sg - 2, rs).wait()

                    for j in range(JG):
                        gather_copy(cb, q, j, rs).start()

                    @pl.when(sg >= 1)
                    def _():
                        for j in range(JG):
                            gather_copy(1 - cb if q == 0 else cb,
                                        SPC - 1 if q == 0 else q - 1, j, 1 - rs).wait()
                        store_copy(sg - 1, 1 - rs).start()

                    if q == 0:
                        @pl.when((c >= 1) & (c + 1 < n_chunks))
                        def _():
                            idx_copy(c + 1, 1 - cb).start()

        last = SPC * n_chunks - 1
        for j in range(JG):
            gather_copy(1, SPC - 1, j, 1).wait()
        store_copy(last, 1).start()
        store_copy(last - 1, 0).wait()
        store_copy(last, 1).wait()

    return embed


def kernel(x, table):
    B = x.size
    idx2 = x.reshape(B // 128, 128)
    out2d = _make_embed(B)(idx2, table)
    return out2d[:, :D_MODEL].reshape(x.shape + (D_MODEL,))

# --- scband reference (transcript-rebuilt; emitter-appended) ---
"""Pipeline reference for scband-embedder-5557687681197 (READ-ONLY COPY).

The authoritative reference and input builder live on the scoring server;
editing this copy changes nothing except your own understanding.
"""

import jax, jax.numpy as jnp
import numpy as np

VOCAB = 1000000
D_MODEL = 64

def setup_inputs(seed: int = 0) -> dict:
    key = jax.random.key(seed)
    k_idx, k_tab = jax.random.split(key)
    x = jax.random.randint(k_idx, (16384, 200), 0, VOCAB, dtype=jnp.int64 if jax.config.jax_enable_x64 else jnp.int32)
    # kaiming normal fan_in init: std = sqrt(2 / fan_in), fan_in = d_model
    std = float(np.sqrt(2.0 / D_MODEL))
    table = jax.random.normal(k_tab, (VOCAB, D_MODEL), dtype=jnp.float32) * std
    return {"x": x, "table": table}

def reference(x, table):
    # nn.Embedding forward: gather rows of table by index
    return jnp.take(table, x, axis=0)

if __name__ == "__main__":
    import jax
    _d = setup_inputs()
    print(jax.jit(kernel)(*tuple(_d.values())))

</pallas_src>

<mosaic_0001>
#map = affine_map<(d0, d1) -> (0, 0)>
module attributes {stable_mosaic.version = 14 : i64} {
  func.func @embed(%arg0: i32, %arg1: i32, %arg2: memref<25600x128xi32, #tpu.memory_space<hbm>>, %arg3: memref<1000000x64xf32, #tpu.memory_space<hbm>>, %arg4: memref<3276800x128xf32, #tpu.memory_space<hbm>>, %arg5: memref<2x16x128xi32, #tpu.memory_space<vmem>>, %arg6: memref<2x512x64xf32, #tpu.memory_space<vmem>>, %arg7: memref<!tpu.dma_semaphore, #tpu.memory_space<semaphore_mem>>, %arg8: memref<!tpu.dma_semaphore, #tpu.memory_space<semaphore_mem>>, %arg9: memref<!tpu.dma_semaphore, #tpu.memory_space<semaphore_mem>>, %arg10: memref<!tpu.dma_semaphore, #tpu.memory_space<semaphore_mem>>, %arg11: memref<!tpu.dma_semaphore, #tpu.memory_space<semaphore_mem>>, %arg12: memref<!tpu.dma_semaphore, #tpu.memory_space<semaphore_mem>>) attributes {dimension_semantics = [#tpu.dimension_semantics<core_parallel>, #tpu.dimension_semantics<subcore_parallel>], iteration_bounds = array<i64: 2, 16>, scalar_prefetch = 0 : i64, scratch_operands = 8 : i64, tpu.core_type = #tpu.core_type<sc_vector_subcore>, window_params = [{transform_indices = #map}, {transform_indices = #map}, {transform_indices = #map}]} {
    %mul3A = arith.constant 2 : i32
    %mul3A_0 = arith.muli %arg1, %mul3A : i32
    %add3A = arith.addi %mul3A_0, %arg0 : i32
    %mul3A_1 = arith.constant 102400 : i32
    %mul3A_2 = arith.muli %add3A, %mul3A_1 : i32
    %add3A_3 = arith.constant 0 : i32
    %add3A_4 = arith.addi %mul3A_2, %add3A_3 : i32
    %jit3A = arith.constant 128 : i32
    %div3A = arith.divsi %add3A_4, %jit3A : i32
    %sign3A = arith.constant 0 : i32
    %sign3A_5 = arith.cmpi sgt, %add3A_4, %sign3A : i32
    %sign3A_6 = arith.extui %sign3A_5 : i1 to i32
    %sign3A_7 = arith.constant 0 : i32
    %sign3A_8 = arith.cmpi slt, %add3A_4, %sign3A_7 : i32
    %sign3A_9 = arith.extui %sign3A_8 : i1 to i32
    %sign3A_10 = arith.subi %sign3A_6, %sign3A_9 : i32
    %sign3A_11 = arith.constant 0 : i32
    %sign3A_12 = arith.cmpi sgt, %jit3A, %sign3A_11 : i32
    %sign3A_13 = arith.extui %sign3A_12 : i1 to i32
    %sign3A_14 = arith.constant 0 : i32
    %sign3A_15 = arith.cmpi slt, %jit3A, %sign3A_14 : i32
    %sign3A_16 = arith.extui %sign3A_15 : i1 to i32
    %sign3A_17 = arith.subi %sign3A_13, %sign3A_16 : i32
    %ne3A = arith.cmpi ne, %sign3A_10, %sign3A_17 : i32
    %rem3A = arith.remsi %add3A_4, %jit3A : i32
    %ne3A_18 = arith.constant 0 : i32
    %ne3A_19 = arith.cmpi ne, %rem3A, %ne3A_18 : i32
    %and3A = arith.andi %ne3A, %ne3A_19 : i1
    %sub3A = arith.constant 1 : i32
    %sub3A_20 = arith.subi %div3A, %sub3A : i32
    %select_n3A = arith.select %and3A, %sub3A_20, %div3A : i32
    %multiple_of3A = tpu.assume_multiple %select_n3A, 8 : i32
    %dma_start3A = arith.constant 0 : i32
    %dma_start3A_21 = arith.constant 0 : i32
    %dma_start3A_22 = arith.constant 0 : i32
    %dma_start3A_23 = tpu.memref_slice %arg5[%dma_start3A, %dma_start3A_21, %dma_start3A_22] : memref<2x16x128xi32, #tpu.memory_space<vmem>> -> memref<1x16x128xi32, #tpu.memory_space<vmem>>
    %dma_start3A_24 = tpu.memref_squeeze %dma_start3A_23 : memref<1x16x128xi32, #tpu.memory_space<vmem>> -> memref<16x128xi32, #tpu.memory_space<vmem>>
    %dma_start3A_25 = arith.constant 0 : i32
    %dma_start3A_26 = tpu.memref_slice %arg2[%multiple_of3A, %dma_start3A_25] : memref<25600x128xi32, #tpu.memory_space<hbm>> -> memref<16x128xi32, #tpu.memory_space<hbm>>
    %dma_start3A_27 = arith.constant 0 : i32
    %dma_start3A_28 = arith.constant 0 : i32
    %dma_start3A_29 = tpu.memref_slice %arg5[%dma_start3A, %dma_start3A_27, %dma_start3A_28] : memref<2x16x128xi32, #tpu.memory_space<vmem>> -> memref<1x16x128xi32, #tpu.memory_space<vmem>>
    %dma_start3A_30 = tpu.memref_squeeze %dma_start3A_29 : memref<1x16x128xi32, #tpu.memory_space<vmem>> -> memref<16x128xi32, #tpu.memory_space<vmem>>
    %dma_start3A_31 = arith.constant 0 : i32
    %dma_start3A_32 = tpu.memref_slice %arg2[%multiple_of3A, %dma_start3A_31] : memref<25600x128xi32, #tpu.memory_space<hbm>> -> memref<16x128xi32, #tpu.memory_space<hbm>>
    tpu.enqueue_dma source(%dma_start3A_32 : memref<16x128xi32, #tpu.memory_space<hbm>>) target(%dma_start3A_30 : memref<16x128xi32, #tpu.memory_space<vmem>>) target_semaphore(%arg7 : memref<!tpu.dma_semaphore, #tpu.memory_space<semaphore_mem>>)
    %add3A_33 = arith.constant 2048 : i32
    %add3A_34 = arith.addi %mul3A_2, %add3A_33 : i32
    %jit3A_35 = arith.constant 128 : i32
    %div3A_36 = arith.divsi %add3A_34, %jit3A_35 : i32
    %sign3A_37 = arith.constant 0 : i32
    %sign3A_38 = arith.cmpi sgt, %add3A_34, %sign3A_37 : i32
    %sign3A_39 = arith.extui %sign3A_38 : i1 to i32
    %sign3A_40 = arith.constant 0 : i32
    %sign3A_41 = arith.cmpi slt, %add3A_34, %sign3A_40 : i32
    %sign3A_42 = arith.extui %sign3A_41 : i1 to i32
    %sign3A_43 = arith.subi %sign3A_39, %sign3A_42 : i32
    %sign3A_44 = arith.constant 0 : i32
    %sign3A_45 = arith.cmpi sgt, %jit3A_35, %sign3A_44 : i32
    %sign3A_46 = arith.extui %sign3A_45 : i1 to i32
    %sign3A_47 = arith.constant 0 : i32
    %sign3A_48 = arith.cmpi slt, %jit3A_35, %sign3A_47 : i32
    %sign3A_49 = arith.extui %sign3A_48 : i1 to i32
    %sign3A_50 = arith.subi %sign3A_46, %sign3A_49 : i32
    %ne3A_51 = arith.cmpi ne, %sign3A_43, %sign3A_50 : i32
    %rem3A_52 = arith.remsi %add3A_34, %jit3A_35 : i32
    %ne3A_53 = arith.constant 0 : i32
    %ne3A_54 = arith.cmpi ne, %rem3A_52, %ne3A_53 : i32
    %and3A_55 = arith.andi %ne3A_51, %ne3A_54 : i1
    %sub3A_56 = arith.constant 1 : i32
    %sub3A_57 = arith.subi %div3A_36, %sub3A_56 : i32
    %select_n3A_58 = arith.select %and3A_55, %sub3A_57, %div3A_36 : i32
    %multiple_of3A_59 = tpu.assume_multiple %select_n3A_58, 8 : i32
    %dma_start3A_60 = arith.constant 1 : i32
    %dma_start3A_61 = arith.constant 0 : i32
    %dma_start3A_62 = arith.constant 0 : i32
    %dma_start3A_63 = tpu.memref_slice %arg5[%dma_start3A_60, %dma_start3A_61, %dma_start3A_62] : memref<2x16x128xi32, #tpu.memory_space<vmem>> -> memref<1x16x128xi32, #tpu.memory_space<vmem>>
    %dma_start3A_64 = tpu.memref_squeeze %dma_start3A_63 : memref<1x16x128xi32, #tpu.memory_space<vmem>> -> memref<16x128xi32, #tpu.memory_space<vmem>>
    %dma_start3A_65 = arith.constant 0 : i32
    %dma_start3A_66 = tpu.memref_slice %arg2[%multiple_of3A_59, %dma_start3A_65] : memref<25600x128xi32, #tpu.memory_space<hbm>> -> memref<16x128xi32, #tpu.memory_space<hbm>>
    %dma_start3A_67 = arith.constant 0 : i32
    %dma_start3A_68 = arith.constant 0 : i32
    %dma_start3A_69 = tpu.memref_slice %arg5[%dma_start3A_60, %dma_start3A_67, %dma_start3A_68] : memref<2x16x128xi32, #tpu.memory_space<vmem>> -> memref<1x16x128xi32, #tpu.memory_space<vmem>>
    %dma_start3A_70 = tpu.memref_squeeze %dma_start3A_69 : memref<1x16x128xi32, #tpu.memory_space<vmem>> -> memref<16x128xi32, #tpu.memory_space<vmem>>
    %dma_start3A_71 = arith.constant 0 : i32
    %dma_start3A_72 = tpu.memref_slice %arg2[%multiple_of3A_59, %dma_start3A_71] : memref<25600x128xi32, #tpu.memory_space<hbm>> -> memref<16x128xi32, #tpu.memory_space<hbm>>
    tpu.enqueue_dma source(%dma_start3A_72 : memref<16x128xi32, #tpu.memory_space<hbm>>) target(%dma_start3A_70 : memref<16x128xi32, #tpu.memory_space<vmem>>) target_semaphore(%arg8 : memref<!tpu.dma_semaphore, #tpu.memory_space<semaphore_mem>>)
    %add3A_73 = arith.constant 0 : i32
    %add3A_74 = arith.addi %mul3A_2, %add3A_73 : i32
    %jit3A_75 = arith.constant 128 : i32
    %div3A_76 = arith.divsi %add3A_74, %jit3A_75 : i32
    %sign3A_77 = arith.constant 0 : i32
    %sign3A_78 = arith.cmpi sgt, %add3A_74, %sign3A_77 : i32
    %sign3A_79 = arith.extui %sign3A_78 : i1 to i32
    %sign3A_80 = arith.constant 0 : i32
    %sign3A_81 = arith.cmpi slt, %add3A_74, %sign3A_80 : i32
    %sign3A_82 = arith.extui %sign3A_81 : i1 to i32
    %sign3A_83 = arith.subi %sign3A_79, %sign3A_82 : i32
    %sign3A_84 = arith.constant 0 : i32
    %sign3A_85 = arith.cmpi sgt, %jit3A_75, %sign3A_84 : i32
    %sign3A_86 = arith.extui %sign3A_85 : i1 to i32
    %sign3A_87 = arith.constant 0 : i32
    %sign3A_88 = arith.cmpi slt, %jit3A_75, %sign3A_87 : i32
    %sign3A_89 = arith.extui %sign3A_88 : i1 to i32
    %sign3A_90 = arith.subi %sign3A_86, %sign3A_89 : i32
    %ne3A_91 = arith.cmpi ne, %sign3A_83, %sign3A_90 : i32
    %rem3A_92 = arith.remsi %add3A_74, %jit3A_75 : i32
    %ne3A_93 = arith.constant 0 : i32
    %ne3A_94 = arith.cmpi ne, %rem3A_92, %ne3A_93 : i32
    %and3A_95 = arith.andi %ne3A_91, %ne3A_94 : i1
    %sub3A_96 = arith.constant 1 : i32
    %sub3A_97 = arith.subi %div3A_76, %sub3A_96 : i32
    %select_n3A_98 = arith.select %and3A_95, %sub3A_97, %div3A_76 : i32
    %multiple_of3A_99 = tpu.assume_multiple %select_n3A_98, 8 : i32
    %dma_wait3A = arith.constant 0 : i32
    %dma_wait3A_100 = arith.constant 0 : i32
    %dma_wait3A_101 = arith.constant 0 : i32
    %dma_wait3A_102 = tpu.memref_slice %arg5[%dma_wait3A, %dma_wait3A_100, %dma_wait3A_101] : memref<2x16x128xi32, #tpu.memory_space<vmem>> -> memref<1x16x128xi32, #tpu.memory_space<vmem>>
    %dma_wait3A_103 = tpu.memref_squeeze %dma_wait3A_102 : memref<1x16x128xi32, #tpu.memory_space<vmem>> -> memref<16x128xi32, #tpu.memory_space<vmem>>
    %dma_wait3A_104 = arith.constant 0 : i32
    %dma_wait3A_105 = tpu.memref_slice %arg2[%multiple_of3A_99, %dma_wait3A_104] : memref<25600x128xi32, #tpu.memory_space<hbm>> -> memref<16x128xi32, #tpu.memory_space<hbm>>
    %dma_wait3A_106 = arith.constant 0 : i32
    %dma_wait3A_107 = arith.constant 0 : i32
    %dma_wait3A_108 = tpu.memref_slice %arg5[%dma_wait3A, %dma_wait3A_106, %dma_wait3A_107] : memref<2x16x128xi32, #tpu.memory_space<vmem>> -> memref<1x16x128xi32, #tpu.memory_space<vmem>>
    %dma_wait3A_109 = tpu.memref_squeeze %dma_wait3A_108 : memref<1x16x128xi32, #tpu.memory_space<vmem>> -> memref<16x128xi32, #tpu.memory_space<vmem>>
    %dma_wait3A_110 = arith.constant 0 : i32
    %dma_wait3A_111 = tpu.memref_slice %arg2[%multiple_of3A_99, %dma_wait3A_110] : memref<25600x128xi32, #tpu.memory_space<hbm>> -> memref<16x128xi32, #tpu.memory_space<hbm>>
    tpu.wait_dma2 semaphore(%arg7 : memref<!tpu.dma_semaphore, #tpu.memory_space<semaphore_mem>>) src(%dma_wait3A_111 : memref<16x128xi32, #tpu.memory_space<hbm>>) dst(%dma_wait3A_109 : memref<16x128xi32, #tpu.memory_space<vmem>>)
    %scan3A = arith.constant 0 : i32
    %scan3A_112 = arith.constant 25 : i32
    %scan3A_113 = arith.addi %scan3A, %scan3A_112 : i32
    %scan3A_114 = arith.constant 1 : i32
    scf.for %scan3A_216 = %scan3A to %scan3A_113 step %scan3A_114  : i32 {
      %mul3A_217 = arith.constant 2 : i32
      %mul3A_218 = arith.muli %scan3A_216, %mul3A_217 : i32
      %add3A_219 = arith.constant 0 : i32
      %add3A_220 = arith.addi %add3A_219, %mul3A_218 : i32
      %add3A_221 = arith.constant 0 : i32
      %add3A_222 = arith.addi %add3A_220, %add3A_221 : i32
      %ge3A = arith.constant 1 : i32
      %ge3A_223 = arith.cmpi sge, %add3A_222, %ge3A : i32
      %convert_element_type3A = arith.extui %ge3A_223 : i1 to i32
      %cond3A = arith.constant 0 : i32
      %cond3A_224 = arith.cmpi ne, %convert_element_type3A, %cond3A : i32
      scf.if %cond3A_224 {
        %mul3A_779 = arith.constant 2048 : i32
        %mul3A_780 = arith.muli %add3A_222, %mul3A_779 : i32
        %add3A_781 = arith.addi %mul3A_2, %mul3A_780 : i32
        %jit3A_782 = arith.constant 128 : i32
        %div3A_783 = arith.divsi %add3A_781, %jit3A_782 : i32
        %sign3A_784 = arith.constant 0 : i32
        %sign3A_785 = arith.cmpi sgt, %add3A_781, %sign3A_784 : i32
        %sign3A_786 = arith.extui %sign3A_785 : i1 to i32
        %sign3A_787 = arith.constant 0 : i32
        %sign3A_788 = arith.cmpi slt, %add3A_781, %sign3A_787 : i32
        %sign3A_789 = arith.extui %sign3A_788 : i1 to i32
        %sign3A_790 = arith.subi %sign3A_786, %sign3A_789 : i32
        %sign3A_791 = arith.constant 0 : i32
        %sign3A_792 = arith.cmpi sgt, %jit3A_782, %sign3A_791 : i32
        %sign3A_793 = arith.extui %sign3A_792 : i1 to i32
        %sign3A_794 = arith.constant 0 : i32
        %sign3A_795 = arith.cmpi slt, %jit3A_782, %sign3A_794 : i32
        %sign3A_796 = arith.extui %sign3A_795 : i1 to i32
        %sign3A_797 = arith.subi %sign3A_793, %sign3A_796 : i32
        %ne3A_798 = arith.cmpi ne, %sign3A_790, %sign3A_797 : i32
        %rem3A_799 = arith.remsi %add3A_781, %jit3A_782 : i32
        %ne3A_800 = arith.constant 0 : i32
        %ne3A_801 = arith.cmpi ne, %rem3A_799, %ne3A_800 : i32
        %and3A_802 = arith.andi %ne3A_798, %ne3A_801 : i1
        %sub3A_803 = arith.constant 1 : i32
        %sub3A_804 = arith.subi %div3A_783, %sub3A_803 : i32
        %select_n3A_805 = arith.select %and3A_802, %sub3A_804, %div3A_783 : i32
        %multiple_of3A_806 = tpu.assume_multiple %select_n3A_805, 8 : i32
        %dma_wait3A_807 = arith.constant 0 : i32
        %dma_wait3A_808 = arith.constant 0 : i32
        %dma_wait3A_809 = arith.constant 0 : i32
        %dma_wait3A_810 = tpu.memref_slice %arg5[%dma_wait3A_807, %dma_wait3A_808, %dma_wait3A_809] : memref<2x16x128xi32, #tpu.memory_space<vmem>> -> memref<1x16x128xi32, #tpu.memory_space<vmem>>
        %dma_wait3A_811 = tpu.memref_squeeze %dma_wait3A_810 : memref<1x16x128xi32, #tpu.memory_space<vmem>> -> memref<16x128xi32, #tpu.memory_space<vmem>>
        %dma_wait3A_812 = arith.constant 0 : i32
        %dma_wait3A_813 = tpu.memref_slice %arg2[%multiple_of3A_806, %dma_wait3A_812] : memref<25600x128xi32, #tpu.memory_space<hbm>> -> memref<16x128xi32, #tpu.memory_space<hbm>>
        %dma_wait3A_814 = arith.constant 0 : i32
        %dma_wait3A_815 = arith.constant 0 : i32
        %dma_wait3A_816 = tpu.memref_slice %arg5[%dma_wait3A_807, %dma_wait3A_814, %dma_wait3A_815] : memref<2x16x128xi32, #tpu.memory_space<vmem>> -> memref<1x16x128xi32, #tpu.memory_space<vmem>>
        %dma_wait3A_817 = tpu.memref_squeeze %dma_wait3A_816 : memref<1x16x128xi32, #tpu.memory_space<vmem>> -> memref<16x128xi32, #tpu.memory_space<vmem>>
        %dma_wait3A_818 = arith.constant 0 : i32
        %dma_wait3A_819 = tpu.memref_slice %arg2[%multiple_of3A_806, %dma_wait3A_818] : memref<25600x128xi32, #tpu.memory_space<hbm>> -> memref<16x128xi32, #tpu.memory_space<hbm>>
        tpu.wait_dma2 semaphore(%arg7 : memref<!tpu.dma_semaphore, #tpu.memory_space<semaphore_mem>>) src(%dma_wait3A_819 : memref<16x128xi32, #tpu.memory_space<hbm>>) dst(%dma_wait3A_817 : memref<16x128xi32, #tpu.memory_space<vmem>>)
      } else {
      }
      %mul3A_225 = arith.constant 4 : i32
      %mul3A_226 = arith.muli %mul3A_225, %add3A_222 : i32
      %add3A_227 = arith.constant 0 : i32
      %add3A_228 = arith.addi %mul3A_226, %add3A_227 : i32
      %ge3A_229 = arith.constant 2 : i32
      %ge3A_230 = arith.cmpi sge, %add3A_228, %ge3A_229 : i32
      %convert_element_type3A_231 = arith.extui %ge3A_230 : i1 to i32
      %cond3A_232 = arith.constant 0 : i32
      %cond3A_233 = arith.cmpi ne, %convert_element_type3A_231, %cond3A_232 : i32
      scf.if %cond3A_233 {
        %sub3A_779 = arith.constant 2 : i32
        %sub3A_780 = arith.subi %add3A_228, %sub3A_779 : i32
        %mul3A_781 = arith.constant 512 : i32
        %mul3A_782 = arith.muli %sub3A_780, %mul3A_781 : i32
        %add3A_783 = arith.addi %mul3A_2, %mul3A_782 : i32
        %multiple_of3A_784 = tpu.assume_multiple %add3A_783, 512 : i32
        %dma_wait3A_785 = arith.constant 0 : i32
        %dma_wait3A_786 = arith.constant 0 : i32
        %dma_wait3A_787 = arith.constant 0 : i32
        %dma_wait3A_788 = tpu.memref_slice %arg6[%dma_wait3A_785, %dma_wait3A_786, %dma_wait3A_787] : memref<2x512x64xf32, #tpu.memory_space<vmem>> -> memref<1x512x64xf32, #tpu.memory_space<vmem>>
        %dma_wait3A_789 = tpu.memref_squeeze %dma_wait3A_788 : memref<1x512x64xf32, #tpu.memory_space<vmem>> -> memref<512x64xf32, #tpu.memory_space<vmem>>
        %dma_wait3A_790 = arith.constant 0 : i32
        %dma_wait3A_791 = tpu.memref_slice %arg4[%multiple_of3A_784, %dma_wait3A_790] : memref<3276800x128xf32, #tpu.memory_space<hbm>> -> memref<512x64xf32, #tpu.memory_space<hbm>>
        %dma_wait3A_792 = arith.constant 0 : i32
        %dma_wait3A_793 = tpu.memref_slice %arg4[%multiple_of3A_784, %dma_wait3A_792] : memref<3276800x128xf32, #tpu.memory_space<hbm>> -> memref<512x64xf32, #tpu.memory_space<hbm>>
        %dma_wait3A_794 = arith.constant 0 : i32
        %dma_wait3A_795 = arith.constant 0 : i32
        %dma_wait3A_796 = tpu.memref_slice %arg6[%dma_wait3A_785, %dma_wait3A_794, %dma_wait3A_795] : memref<2x512x64xf32, #tpu.memory_space<vmem>> -> memref<1x512x64xf32, #tpu.memory_space<vmem>>
        %dma_wait3A_797 = tpu.memref_squeeze %dma_wait3A_796 : memref<1x512x64xf32, #tpu.memory_space<vmem>> -> memref<512x64xf32, #tpu.memory_space<vmem>>
        tpu.wait_dma2 semaphore(%arg11 : memref<!tpu.dma_semaphore, #tpu.memory_space<semaphore_mem>>) src(%dma_wait3A_797 : memref<512x64xf32, #tpu.memory_space<vmem>>) dst(%dma_wait3A_793 : memref<512x64xf32, #tpu.memory_space<hbm>>)
      } else {
      }
      %dma_start3A_234 = arith.constant 0 : i32
      %dma_start3A_235 = arith.constant 0 : i32
      %dma_start3A_236 = arith.constant 0 : i32
      %dma_start3A_237 = arith.constant 0 : i32
      %dma_start3A_238 = arith.constant 0 : i32
      %dma_start3A_239 = tpu.memref_slice %arg6[%dma_start3A_236, %dma_start3A_237, %dma_start3A_238] : memref<2x512x64xf32, #tpu.memory_space<vmem>> -> memref<1x128x64xf32, #tpu.memory_space<vmem>>
      %dma_start3A_240 = tpu.memref_squeeze %dma_start3A_239 : memref<1x128x64xf32, #tpu.memory_space<vmem>> -> memref<128x64xf32, #tpu.memory_space<vmem>>
      %dma_start3A_241 = arith.constant 0 : i32
      %dma_start3A_242 = tpu.memref_slice %arg5[%dma_start3A_234, %dma_start3A_235, %dma_start3A_241] : memref<2x16x128xi32, #tpu.memory_space<vmem>> -> memref<1x1x128xi32, #tpu.memory_space<vmem>>
      %dma_start3A_243 = tpu.memref_squeeze %dma_start3A_242 : memref<1x1x128xi32, #tpu.memory_space<vmem>> -> memref<128xi32, #tpu.memory_space<vmem>>
      %dma_start3A_244 = arith.constant 0 : i32
      %dma_start3A_245 = arith.constant 0 : i32
      %dma_start3A_246 = tpu.memref_slice %arg3[%dma_start3A_244, %dma_start3A_245] : memref<1000000x64xf32, #tpu.memory_space<hbm>> -> memref<1000000x64xf32, #tpu.memory_space<hbm>>
      tpu.enqueue_indirect_dma source(%dma_start3A_246 : memref<1000000x64xf32, #tpu.memory_space<hbm>>) target(%dma_start3A_240 : memref<128x64xf32, #tpu.memory_space<vmem>>) offsets(%dma_start3A_243 : memref<128xi32, #tpu.memory_space<vmem>>) semaphore(%arg9 : memref<!tpu.dma_semaphore, #tpu.memory_space<semaphore_mem>>)
      %dma_start3A_247 = arith.constant 0 : i32
      %dma_start3A_248 = arith.constant 1 : i32
      %dma_start3A_249 = arith.constant 0 : i32
      %dma_start3A_250 = arith.constant 128 : i32
      %dma_start3A_251 = arith.constant 0 : i32
      %dma_start3A_252 = tpu.memref_slice %arg6[%dma_start3A_249, %dma_start3A_250, %dma_start3A_251] : memref<2x512x64xf32, #tpu.memory_space<vmem>> -> memref<1x128x64xf32, #tpu.memory_space<vmem>>
      %dma_start3A_253 = tpu.memref_squeeze %dma_start3A_252 : memref<1x128x64xf32, #tpu.memory_space<vmem>> -> memref<128x64xf32, #tpu.memory_space<vmem>>
      %dma_start3A_254 = arith.constant 0 : i32
      %dma_start3A_255 = tpu.memref_slice %arg5[%dma_start3A_247, %dma_start3A_248, %dma_start3A_254] : memref<2x16x128xi32, #tpu.memory_space<vmem>> -> memref<1x1x128xi32, #tpu.memory_space<vmem>>
      %dma_start3A_256 = tpu.memref_squeeze %dma_start3A_255 : memref<1x1x128xi32, #tpu.memory_space<vmem>> -> memref<128xi32, #tpu.memory_space<vmem>>
      %dma_start3A_257 = arith.constant 0 : i32
      %dma_start3A_258 = arith.constant 0 : i32
      %dma_start3A_259 = tpu.memref_slice %arg3[%dma_start3A_257, %dma_start3A_258] : memref<1000000x64xf32, #tpu.memory_space<hbm>> -> memref<1000000x64xf32, #tpu.memory_space<hbm>>
      tpu.enqueue_indirect_dma source(%dma_start3A_259 : memref<1000000x64xf32, #tpu.memory_space<hbm>>) target(%dma_start3A_253 : memref<128x64xf32, #tpu.memory_space<vmem>>) offsets(%dma_start3A_256 : memref<128xi32, #tpu.memory_space<vmem>>) semaphore(%arg9 : memref<!tpu.dma_semaphore, #tpu.memory_space<semaphore_mem>>)
      %dma_start3A_260 = arith.constant 0 : i32
      %dma_start3A_261 = arith.constant 2 : i32
      %dma_start3A_262 = arith.constant 0 : i32
      %dma_start3A_263 = arith.constant 256 : i32
      %dma_start3A_264 = arith.constant 0 : i32
      %dma_start3A_265 = tpu.memref_slice %arg6[%dma_start3A_262, %dma_start3A_263, %dma_start3A_264] : memref<2x512x64xf32, #tpu.memory_space<vmem>> -> memref<1x128x64xf32, #tpu.memory_space<vmem>>
      %dma_start3A_266 = tpu.memref_squeeze %dma_start3A_265 : memref<1x128x64xf32, #tpu.memory_space<vmem>> -> memref<128x64xf32, #tpu.memory_space<vmem>>
      %dma_start3A_267 = arith.constant 0 : i32
      %dma_start3A_268 = tpu.memref_slice %arg5[%dma_start3A_260, %dma_start3A_261, %dma_start3A_267] : memref<2x16x128xi32, #tpu.memory_space<vmem>> -> memref<1x1x128xi32, #tpu.memory_space<vmem>>
      %dma_start3A_269 = tpu.memref_squeeze %dma_start3A_268 : memref<1x1x128xi32, #tpu.memory_space<vmem>> -> memref<128xi32, #tpu.memory_space<vmem>>
      %dma_start3A_270 = arith.constant 0 : i32
      %dma_start3A_271 = arith.constant 0 : i32
      %dma_start3A_272 = tpu.memref_slice %arg3[%dma_start3A_270, %dma_start3A_271] : memref<1000000x64xf32, #tpu.memory_space<hbm>> -> memref<1000000x64xf32, #tpu.memory_space<hbm>>
      tpu.enqueue_indirect_dma source(%dma_start3A_272 : memref<1000000x64xf32, #tpu.memory_space<hbm>>) target(%dma_start3A_266 : memref<128x64xf32, #tpu.memory_space<vmem>>) offsets(%dma_start3A_269 : memref<128xi32, #tpu.memory_space<vmem>>) semaphore(%arg9 : memref<!tpu.dma_semaphore, #tpu.memory_space<semaphore_mem>>)
      %dma_start3A_273 = arith.constant 0 : i32
      %dma_start3A_274 = arith.constant 3 : i32
      %dma_start3A_275 = arith.constant 0 : i32
      %dma_start3A_276 = arith.constant 384 : i32
      %dma_start3A_277 = arith.constant 0 : i32
      %dma_start3A_278 = tpu.memref_slice %arg6[%dma_start3A_275, %dma_start3A_276, %dma_start3A_277] : memref<2x512x64xf32, #tpu.memory_space<vmem>> -> memref<1x128x64xf32, #tpu.memory_space<vmem>>
      %dma_start3A_279 = tpu.memref_squeeze %dma_start3A_278 : memref<1x128x64xf32, #tpu.memory_space<vmem>> -> memref<128x64xf32, #tpu.memory_space<vmem>>
      %dma_start3A_280 = arith.constant 0 : i32
      %dma_start3A_281 = tpu.memref_slice %arg5[%dma_start3A_273, %dma_start3A_274, %dma_start3A_280] : memref<2x16x128xi32, #tpu.memory_space<vmem>> -> memref<1x1x128xi32, #tpu.memory_space<vmem>>
      %dma_start3A_282 = tpu.memref_squeeze %dma_start3A_281 : memref<1x1x128xi32, #tpu.memory_space<vmem>> -> memref<128xi32, #tpu.memory_space<vmem>>
      %dma_start3A_283 = arith.constant 0 : i32
      %dma_start3A_284 = arith.constant 0 : i32
      %dma_start3A_285 = tpu.memref_slice %arg3[%dma_start3A_283, %dma_start3A_284] : memref<1000000x64xf32, #tpu.memory_space<hbm>> -> memref<1000000x64xf32, #tpu.memory_space<hbm>>
      tpu.enqueue_indirect_dma source(%dma_start3A_285 : memref<1000000x64xf32, #tpu.memory_space<hbm>>) target(%dma_start3A_279 : memref<128x64xf32, #tpu.memory_space<vmem>>) offsets(%dma_start3A_282 : memref<128xi32, #tpu.memory_space<vmem>>) semaphore(%arg9 : memref<!tpu.dma_semaphore, #tpu.memory_space<semaphore_mem>>)
      %ge3A_286 = arith.constant 1 : i32
      %ge3A_287 = arith.cmpi sge, %add3A_228, %ge3A_286 : i32
      %convert_element_type3A_288 = arith.extui %ge3A_287 : i1 to i32
      %cond3A_289 = arith.constant 0 : i32
      %cond3A_290 = arith.cmpi ne, %convert_element_type3A_288, %cond3A_289 : i32
      scf.if %cond3A_290 {
        %dma_wait3A_779 = arith.constant 1 : i32
        %dma_wait3A_780 = arith.constant 12 : i32
        %dma_wait3A_781 = arith.constant 1 : i32
        %dma_wait3A_782 = arith.constant 0 : i32
        %dma_wait3A_783 = arith.constant 0 : i32
        %dma_wait3A_784 = tpu.memref_slice %arg6[%dma_wait3A_781, %dma_wait3A_782, %dma_wait3A_783] : memref<2x512x64xf32, #tpu.memory_space<vmem>> -> memref<1x128x64xf32, #tpu.memory_space<vmem>>
        %dma_wait3A_785 = tpu.memref_squeeze %dma_wait3A_784 : memref<1x128x64xf32, #tpu.memory_space<vmem>> -> memref<128x64xf32, #tpu.memory_space<vmem>>
        %dma_wait3A_786 = arith.constant 0 : i32
        %dma_wait3A_787 = tpu.memref_slice %arg5[%dma_wait3A_779, %dma_wait3A_780, %dma_wait3A_786] : memref<2x16x128xi32, #tpu.memory_space<vmem>> -> memref<1x1x128xi32, #tpu.memory_space<vmem>>
        %dma_wait3A_788 = tpu.memref_squeeze %dma_wait3A_787 : memref<1x1x128xi32, #tpu.memory_space<vmem>> -> memref<128xi32, #tpu.memory_space<vmem>>
        %dma_wait3A_789 = arith.constant 0 : i32
        %dma_wait3A_790 = arith.constant 0 : i32
        %dma_wait3A_791 = tpu.memref_slice %arg3[%dma_wait3A_789, %dma_wait3A_790] : memref<1000000x64xf32, #tpu.memory_space<hbm>> -> memref<1000000x64xf32, #tpu.memory_space<hbm>>
        tpu.wait_indirect_dma semaphore(%arg10 : memref<!tpu.dma_semaphore, #tpu.memory_space<semaphore_mem>>) src(%dma_wait3A_791 : memref<1000000x64xf32, #tpu.memory_space<hbm>>) dst(%dma_wait3A_785 : memref<128x64xf32, #tpu.memory_space<vmem>>)
        %dma_wait3A_792 = arith.constant 1 : i32
        %dma_wait3A_793 = arith.constant 13 : i32
        %dma_wait3A_794 = arith.constant 1 : i32
        %dma_wait3A_795 = arith.constant 128 : i32
        %dma_wait3A_796 = arith.constant 0 : i32
        %dma_wait3A_797 = tpu.memref_slice %arg6[%dma_wait3A_794, %dma_wait3A_795, %dma_wait3A_796] : memref<2x512x64xf32, #tpu.memory_space<vmem>> -> memref<1x128x64xf32, #tpu.memory_space<vmem>>
        %dma_wait3A_798 = tpu.memref_squeeze %dma_wait3A_797 : memref<1x128x64xf32, #tpu.memory_space<vmem>> -> memref<128x64xf32, #tpu.memory_space<vmem>>
        %dma_wait3A_799 = arith.constant 0 : i32
        %dma_wait3A_800 = tpu.memref_slice %arg5[%dma_wait3A_792, %dma_wait3A_793, %dma_wait3A_799] : memref<2x16x128xi32, #tpu.memory_space<vmem>> -> memref<1x1x128xi32, #tpu.memory_space<vmem>>
        %dma_wait3A_801 = tpu.memref_squeeze %dma_wait3A_800 : memref<1x1x128xi32, #tpu.memory_space<vmem>> -> memref<128xi32, #tpu.memory_space<vmem>>
        %dma_wait3A_802 = arith.constant 0 : i32
        %dma_wait3A_803 = arith.constant 0 : i32
        %dma_wait3A_804 = tpu.memref_slice %arg3[%dma_wait3A_802, %dma_wait3A_803] : memref<1000000x64xf32, #tpu.memory_space<hbm>> -> memref<1000000x64xf32, #tpu.memory_space<hbm>>
        tpu.wait_indirect_dma semaphore(%arg10 : memref<!tpu.dma_semaphore, #tpu.memory_space<semaphore_mem>>) src(%dma_wait3A_804 : memref<1000000x64xf32, #tpu.memory_space<hbm>>) dst(%dma_wait3A_798 : memref<128x64xf32, #tpu.memory_space<vmem>>)
        %dma_wait3A_805 = arith.constant 1 : i32
        %dma_wait3A_806 = arith.constant 14 : i32
        %dma_wait3A_807 = arith.constant 1 : i32
        %dma_wait3A_808 = arith.constant 256 : i32
        %dma_wait3A_809 = arith.constant 0 : i32
        %dma_wait3A_810 = tpu.memref_slice %arg6[%dma_wait3A_807, %dma_wait3A_808, %dma_wait3A_809] : memref<2x512x64xf32, #tpu.memory_space<vmem>> -> memref<1x128x64xf32, #tpu.memory_space<vmem>>
        %dma_wait3A_811 = tpu.memref_squeeze %dma_wait3A_810 : memref<1x128x64xf32, #tpu.memory_space<vmem>> -> memref<128x64xf32, #tpu.memory_space<vmem>>
        %dma_wait3A_812 = arith.constant 0 : i32
        %dma_wait3A_813 = tpu.memref_slice %arg5[%dma_wait3A_805, %dma_wait3A_806, %dma_wait3A_812] : memref<2x16x128xi32, #tpu.memory_space<vmem>> -> memref<1x1x128xi32, #tpu.memory_space<vmem>>
        %dma_wait3A_814 = tpu.memref_squeeze %dma_wait3A_813 : memref<1x1x128xi32, #tpu.memory_space<vmem>> -> memref<128xi32, #tpu.memory_space<vmem>>
        %dma_wait3A_815 = arith.constant 0 : i32
        %dma_wait3A_816 = arith.constant 0 : i32
        %dma_wait3A_817 = tpu.memref_slice %arg3[%dma_wait3A_815, %dma_wait3A_816] : memref<1000000x64xf32, #tpu.memory_space<hbm>> -> memref<1000000x64xf32, #tpu.memory_space<hbm>>
        tpu.wait_indirect_dma semaphore(%arg10 : memref<!tpu.dma_semaphore, #tpu.memory_space<semaphore_mem>>) src(%dma_wait3A_817 : memref<1000000x64xf32, #tpu.memory_space<hbm>>) dst(%dma_wait3A_811 : memref<128x64xf32, #tpu.memory_space<vmem>>)
        %dma_wait3A_818 = arith.constant 1 : i32
        %dma_wait3A_819 = arith.constant 15 : i32
        %dma_wait3A_820 = arith.constant 1 : i32
        %dma_wait3A_821 = arith.constant 384 : i32
        %dma_wait3A_822 = arith.constant 0 : i32
        %dma_wait3A_823 = tpu.memref_slice %arg6[%dma_wait3A_820, %dma_wait3A_821, %dma_wait3A_822] : memref<2x512x64xf32, #tpu.memory_space<vmem>> -> memref<1x128x64xf32, #tpu.memory_space<vmem>>
        %dma_wait3A_824 = tpu.memref_squeeze %dma_wait3A_823 : memref<1x128x64xf32, #tpu.memory_space<vmem>> -> memref<128x64xf32, #tpu.memory_space<vmem>>
        %dma_wait3A_825 = arith.constant 0 : i32
        %dma_wait3A_826 = tpu.memref_slice %arg5[%dma_wait3A_818, %dma_wait3A_819, %dma_wait3A_825] : memref<2x16x128xi32, #tpu.memory_space<vmem>> -> memref<1x1x128xi32, #tpu.memory_space<vmem>>
        %dma_wait3A_827 = tpu.memref_squeeze %dma_wait3A_826 : memref<1x1x128xi32, #tpu.memory_space<vmem>> -> memref<128xi32, #tpu.memory_space<vmem>>
        %dma_wait3A_828 = arith.constant 0 : i32
        %dma_wait3A_829 = arith.constant 0 : i32
        %dma_wait3A_830 = tpu.memref_slice %arg3[%dma_wait3A_828, %dma_wait3A_829] : memref<1000000x64xf32, #tpu.memory_space<hbm>> -> memref<1000000x64xf32, #tpu.memory_space<hbm>>
        tpu.wait_indirect_dma semaphore(%arg10 : memref<!tpu.dma_semaphore, #tpu.memory_space<semaphore_mem>>) src(%dma_wait3A_830 : memref<1000000x64xf32, #tpu.memory_space<hbm>>) dst(%dma_wait3A_824 : memref<128x64xf32, #tpu.memory_space<vmem>>)
        %sub3A_831 = arith.constant 1 : i32
        %sub3A_832 = arith.subi %add3A_228, %sub3A_831 : i32
        %mul3A_833 = arith.constant 512 : i32
        %mul3A_834 = arith.muli %sub3A_832, %mul3A_833 : i32
        %add3A_835 = arith.addi %mul3A_2, %mul3A_834 : i32
        %multiple_of3A_836 = tpu.assume_multiple %add3A_835, 512 : i32
        %dma_start3A_837 = arith.constant 1 : i32
        %dma_start3A_838 = arith.constant 0 : i32
        %dma_start3A_839 = arith.constant 0 : i32
        %dma_start3A_840 = tpu.memref_slice %arg6[%dma_start3A_837, %dma_start3A_838, %dma_start3A_839] : memref<2x512x64xf32, #tpu.memory_space<vmem>> -> memref<1x512x64xf32, #tpu.memory_space<vmem>>
        %dma_start3A_841 = tpu.memref_squeeze %dma_start3A_840 : memref<1x512x64xf32, #tpu.memory_space<vmem>> -> memref<512x64xf32, #tpu.memory_space<vmem>>
        %dma_start3A_842 = arith.constant 0 : i32
        %dma_start3A_843 = tpu.memref_slice %arg4[%multiple_of3A_836, %dma_start3A_842] : memref<3276800x128xf32, #tpu.memory_space<hbm>> -> memref<512x64xf32, #tpu.memory_space<hbm>>
        %dma_start3A_844 = arith.constant 0 : i32
        %dma_start3A_845 = tpu.memref_slice %arg4[%multiple_of3A_836, %dma_start3A_844] : memref<3276800x128xf32, #tpu.memory_space<hbm>> -> memref<512x64xf32, #tpu.memory_space<hbm>>
        %dma_start3A_846 = arith.constant 0 : i32
        %dma_start3A_847 = arith.constant 0 : i32
        %dma_start3A_848 = tpu.memref_slice %arg6[%dma_start3A_837, %dma_start3A_846, %dma_start3A_847] : memref<2x512x64xf32, #tpu.memory_space<vmem>> -> memref<1x512x64xf32, #tpu.memory_space<vmem>>
        %dma_start3A_849 = tpu.memref_squeeze %dma_start3A_848 : memref<1x512x64xf32, #tpu.memory_space<vmem>> -> memref<512x64xf32, #tpu.memory_space<vmem>>
        tpu.enqueue_dma source(%dma_start3A_849 : memref<512x64xf32, #tpu.memory_space<vmem>>) target(%dma_start3A_845 : memref<512x64xf32, #tpu.memory_space<hbm>>) target_semaphore(%arg12 : memref<!tpu.dma_semaphore, #tpu.memory_space<semaphore_mem>>)
      } else {
      }
      %ge3A_291 = arith.constant 1 : i32
      %ge3A_292 = arith.cmpi sge, %add3A_222, %ge3A_291 : i32
      %add3A_293 = arith.constant 1 : i32
      %add3A_294 = arith.addi %add3A_222, %add3A_293 : i32
      %lt3A = arith.constant 50 : i32
      %lt3A_295 = arith.cmpi slt, %add3A_294, %lt3A : i32
      %and3A_296 = arith.andi %ge3A_292, %lt3A_295 : i1
      %convert_element_type3A_297 = arith.extui %and3A_296 : i1 to i32
      %cond3A_298 = arith.constant 0 : i32
      %cond3A_299 = arith.cmpi ne, %convert_element_type3A_297, %cond3A_298 : i32
      scf.if %cond3A_299 {
        %add3A_779 = arith.constant 1 : i32
        %add3A_780 = arith.addi %add3A_222, %add3A_779 : i32
        %mul3A_781 = arith.constant 2048 : i32
        %mul3A_782 = arith.muli %add3A_780, %mul3A_781 : i32
        %add3A_783 = arith.addi %mul3A_2, %mul3A_782 : i32
        %jit3A_784 = arith.constant 128 : i32
        %div3A_785 = arith.divsi %add3A_783, %jit3A_784 : i32
        %sign3A_786 = arith.constant 0 : i32
        %sign3A_787 = arith.cmpi sgt, %add3A_783, %sign3A_786 : i32
        %sign3A_788 = arith.extui %sign3A_787 : i1 to i32
        %sign3A_789 = arith.constant 0 : i32
        %sign3A_790 = arith.cmpi slt, %add3A_783, %sign3A_789 : i32
        %sign3A_791 = arith.extui %sign3A_790 : i1 to i32
        %sign3A_792 = arith.subi %sign3A_788, %sign3A_791 : i32
        %sign3A_793 = arith.constant 0 : i32
        %sign3A_794 = arith.cmpi sgt, %jit3A_784, %sign3A_793 : i32
        %sign3A_795 = arith.extui %sign3A_794 : i1 to i32
        %sign3A_796 = arith.constant 0 : i32
        %sign3A_797 = arith.cmpi slt, %jit3A_784, %sign3A_796 : i32
        %sign3A_798 = arith.extui %sign3A_797 : i1 to i32
        %sign3A_799 = arith.subi %sign3A_795, %sign3A_798 : i32
        %ne3A_800 = arith.cmpi ne, %sign3A_792, %sign3A_799 : i32
        %rem3A_801 = arith.remsi %add3A_783, %jit3A_784 : i32
        %ne3A_802 = arith.constant 0 : i32
        %ne3A_803 = arith.cmpi ne, %rem3A_801, %ne3A_802 : i32
        %and3A_804 = arith.andi %ne3A_800, %ne3A_803 : i1
        %sub3A_805 = arith.constant 1 : i32
        %sub3A_806 = arith.subi %div3A_785, %sub3A_805 : i32
        %select_n3A_807 = arith.select %and3A_804, %sub3A_806, %div3A_785 : i32
        %multiple_of3A_808 = tpu.assume_multiple %select_n3A_807, 8 : i32
        %dma_start3A_809 = arith.constant 1 : i32
        %dma_start3A_810 = arith.constant 0 : i32
        %dma_start3A_811 = arith.constant 0 : i32
        %dma_start3A_812 = tpu.memref_slice %arg5[%dma_start3A_809, %dma_start3A_810, %dma_start3A_811] : memref<2x16x128xi32, #tpu.memory_space<vmem>> -> memref<1x16x128xi32, #tpu.memory_space<vmem>>
        %dma_start3A_813 = tpu.memref_squeeze %dma_start3A_812 : memref<1x16x128xi32, #tpu.memory_space<vmem>> -> memref<16x128xi32, #tpu.memory_space<vmem>>
        %dma_start3A_814 = arith.constant 0 : i32
        %dma_start3A_815 = tpu.memref_slice %arg2[%multiple_of3A_808, %dma_start3A_814] : memref<25600x128xi32, #tpu.memory_space<hbm>> -> memref<16x128xi32, #tpu.memory_space<hbm>>
        %dma_start3A_816 = arith.constant 0 : i32
        %dma_start3A_817 = arith.constant 0 : i32
        %dma_start3A_818 = tpu.memref_slice %arg5[%dma_start3A_809, %dma_start3A_816, %dma_start3A_817] : memref<2x16x128xi32, #tpu.memory_space<vmem>> -> memref<1x16x128xi32, #tpu.memory_space<vmem>>
        %dma_start3A_819 = tpu.memref_squeeze %dma_start3A_818 : memref<1x16x128xi32, #tpu.memory_space<vmem>> -> memref<16x128xi32, #tpu.memory_space<vmem>>
        %dma_start3A_820 = arith.constant 0 : i32
        %dma_start3A_821 = tpu.memref_slice %arg2[%multiple_of3A_808, %dma_start3A_820] : memref<25600x128xi32, #tpu.memory_space<hbm>> -> memref<16x128xi32, #tpu.memory_space<hbm>>
        tpu.enqueue_dma source(%dma_start3A_821 : memref<16x128xi32, #tpu.memory_space<hbm>>) target(%dma_start3A_819 : memref<16x128xi32, #tpu.memory_space<vmem>>) target_semaphore(%arg8 : memref<!tpu.dma_semaphore, #tpu.memory_space<semaphore_mem>>)
      } else {
      }
      %mul3A_300 = arith.constant 4 : i32
      %mul3A_301 = arith.muli %mul3A_300, %add3A_222 : i32
      %add3A_302 = arith.constant 1 : i32
      %add3A_303 = arith.addi %mul3A_301, %add3A_302 : i32
      %ge3A_304 = arith.constant 2 : i32
      %ge3A_305 = arith.cmpi sge, %add3A_303, %ge3A_304 : i32
      %convert_element_type3A_306 = arith.extui %ge3A_305 : i1 to i32
      %cond3A_307 = arith.constant 0 : i32
      %cond3A_308 = arith.cmpi ne, %convert_element_type3A_306, %cond3A_307 : i32
      scf.if %cond3A_308 {
        %sub3A_779 = arith.constant 2 : i32
        %sub3A_780 = arith.subi %add3A_303, %sub3A_779 : i32
        %mul3A_781 = arith.constant 512 : i32
        %mul3A_782 = arith.muli %sub3A_780, %mul3A_781 : i32
        %add3A_783 = arith.addi %mul3A_2, %mul3A_782 : i32
        %multiple_of3A_784 = tpu.assume_multiple %add3A_783, 512 : i32
        %dma_wait3A_785 = arith.constant 1 : i32
        %dma_wait3A_786 = arith.constant 0 : i32
        %dma_wait3A_787 = arith.constant 0 : i32
        %dma_wait3A_788 = tpu.memref_slice %arg6[%dma_wait3A_785, %dma_wait3A_786, %dma_wait3A_787] : memref<2x512x64xf32, #tpu.memory_space<vmem>> -> memref<1x512x64xf32, #tpu.memory_space<vmem>>
        %dma_wait3A_789 = tpu.memref_squeeze %dma_wait3A_788 : memref<1x512x64xf32, #tpu.memory_space<vmem>> -> memref<512x64xf32, #tpu.memory_space<vmem>>
        %dma_wait3A_790 = arith.constant 0 : i32
        %dma_wait3A_791 = tpu.memref_slice %arg4[%multiple_of3A_784, %dma_wait3A_790] : memref<3276800x128xf32, #tpu.memory_space<hbm>> -> memref<512x64xf32, #tpu.memory_space<hbm>>
        %dma_wait3A_792 = arith.constant 0 : i32
        %dma_wait3A_793 = tpu.memref_slice %arg4[%multiple_of3A_784, %dma_wait3A_792] : memref<3276800x128xf32, #tpu.memory_space<hbm>> -> memref<512x64xf32, #tpu.memory_space<hbm>>
        %dma_wait3A_794 = arith.constant 0 : i32
        %dma_wait3A_795 = arith.constant 0 : i32
        %dma_wait3A_796 = tpu.memref_slice %arg6[%dma_wait3A_785, %dma_wait3A_794, %dma_wait3A_795] : memref<2x512x64xf32, #tpu.memory_space<vmem>> -> memref<1x512x64xf32, #tpu.memory_space<vmem>>
        %dma_wait3A_797 = tpu.memref_squeeze %dma_wait3A_796 : memref<1x512x64xf32, #tpu.memory_space<vmem>> -> memref<512x64xf32, #tpu.memory_space<vmem>>
        tpu.wait_dma2 semaphore(%arg12 : memref<!tpu.dma_semaphore, #tpu.memory_space<semaphore_mem>>) src(%dma_wait3A_797 : memref<512x64xf32, #tpu.memory_space<vmem>>) dst(%dma_wait3A_793 : memref<512x64xf32, #tpu.memory_space<hbm>>)
      } else {
      }
      %dma_start3A_309 = arith.constant 0 : i32
      %dma_start3A_310 = arith.constant 4 : i32
      %dma_start3A_311 = arith.constant 1 : i32
      %dma_start3A_312 = arith.constant 0 : i32
      %dma_start3A_313 = arith.constant 0 : i32
      %dma_start3A_314 = tpu.memref_slice %arg6[%dma_start3A_311, %dma_start3A_312, %dma_start3A_313] : memref<2x512x64xf32, #tpu.memory_space<vmem>> -> memref<1x128x64xf32, #tpu.memory_space<vmem>>
      %dma_start3A_315 = tpu.memref_squeeze %dma_start3A_314 : memref<1x128x64xf32, #tpu.memory_space<vmem>> -> memref<128x64xf32, #tpu.memory_space<vmem>>
      %dma_start3A_316 = arith.constant 0 : i32
      %dma_start3A_317 = tpu.memref_slice %arg5[%dma_start3A_309, %dma_start3A_310, %dma_start3A_316] : memref<2x16x128xi32, #tpu.memory_space<vmem>> -> memref<1x1x128xi32, #tpu.memory_space<vmem>>
      %dma_start3A_318 = tpu.memref_squeeze %dma_start3A_317 : memref<1x1x128xi32, #tpu.memory_space<vmem>> -> memref<128xi32, #tpu.memory_space<vmem>>
      %dma_start3A_319 = arith.constant 0 : i32
      %dma_start3A_320 = arith.constant 0 : i32
      %dma_start3A_321 = tpu.memref_slice %arg3[%dma_start3A_319, %dma_start3A_320] : memref<1000000x64xf32, #tpu.memory_space<hbm>> -> memref<1000000x64xf32, #tpu.memory_space<hbm>>
      tpu.enqueue_indirect_dma source(%dma_start3A_321 : memref<1000000x64xf32, #tpu.memory_space<hbm>>) target(%dma_start3A_315 : memref<128x64xf32, #tpu.memory_space<vmem>>) offsets(%dma_start3A_318 : memref<128xi32, #tpu.memory_space<vmem>>) semaphore(%arg10 : memref<!tpu.dma_semaphore, #tpu.memory_space<semaphore_mem>>)
      %dma_start3A_322 = arith.constant 0 : i32
      %dma_start3A_323 = arith.constant 5 : i32
      %dma_start3A_324 = arith.constant 1 : i32
      %dma_start3A_325 = arith.constant 128 : i32
      %dma_start3A_326 = arith.constant 0 : i32
      %dma_start3A_327 = tpu.memref_slice %arg6[%dma_start3A_324, %dma_start3A_325, %dma_start3A_326] : memref<2x512x64xf32, #tpu.memory_space<vmem>> -> memref<1x128x64xf32, #tpu.memory_space<vmem>>
      %dma_start3A_328 = tpu.memref_squeeze %dma_start3A_327 : memref<1x128x64xf32, #tpu.memory_space<vmem>> -> memref<128x64xf32, #tpu.memory_space<vmem>>
      %dma_start3A_329 = arith.constant 0 : i32
      %dma_start3A_330 = tpu.memref_slice %arg5[%dma_start3A_322, %dma_start3A_323, %dma_start3A_329] : memref<2x16x128xi32, #tpu.memory_space<vmem>> -> memref<1x1x128xi32, #tpu.memory_space<vmem>>
      %dma_start3A_331 = tpu.memref_squeeze %dma_start3A_330 : memref<1x1x128xi32, #tpu.memory_space<vmem>> -> memref<128xi32, #tpu.memory_space<vmem>>
      %dma_start3A_332 = arith.constant 0 : i32
      %dma_start3A_333 = arith.constant 0 : i32
      %dma_start3A_334 = tpu.memref_slice %arg3[%dma_start3A_332, %dma_start3A_333] : memref<1000000x64xf32, #tpu.memory_space<hbm>> -> memref<1000000x64xf32, #tpu.memory_space<hbm>>
      tpu.enqueue_indirect_dma source(%dma_start3A_334 : memref<1000000x64xf32, #tpu.memory_space<hbm>>) target(%dma_start3A_328 : memref<128x64xf32, #tpu.memory_space<vmem>>) offsets(%dma_start3A_331 : memref<128xi32, #tpu.memory_space<vmem>>) semaphore(%arg10 : memref<!tpu.dma_semaphore, #tpu.memory_space<semaphore_mem>>)
      %dma_start3A_335 = arith.constant 0 : i32
      %dma_start3A_336 = arith.constant 6 : i32
      %dma_start3A_337 = arith.constant 1 : i32
      %dma_start3A_338 = arith.constant 256 : i32
      %dma_start3A_339 = arith.constant 0 : i32
      %dma_start3A_340 = tpu.memref_slice %arg6[%dma_start3A_337, %dma_start3A_338, %dma_start3A_339] : memref<2x512x64xf32, #tpu.memory_space<vmem>> -> memref<1x128x64xf32, #tpu.memory_space<vmem>>
      %dma_start3A_341 = tpu.memref_squeeze %dma_start3A_340 : memref<1x128x64xf32, #tpu.memory_space<vmem>> -> memref<128x64xf32, #tpu.memory_space<vmem>>
      %dma_start3A_342 = arith.constant 0 : i32
      %dma_start3A_343 = tpu.memref_slice %arg5[%dma_start3A_335, %dma_start3A_336, %dma_start3A_342] : memref<2x16x128xi32, #tpu.memory_space<vmem>> -> memref<1x1x128xi32, #tpu.memory_space<vmem>>
      %dma_start3A_344 = tpu.memref_squeeze %dma_start3A_343 : memref<1x1x128xi32, #tpu.memory_space<vmem>> -> memref<128xi32, #tpu.memory_space<vmem>>
      %dma_start3A_345 = arith.constant 0 : i32
      %dma_start3A_346 = arith.constant 0 : i32
      %dma_start3A_347 = tpu.memref_slice %arg3[%dma_start3A_345, %dma_start3A_346] : memref<1000000x64xf32, #tpu.memory_space<hbm>> -> memref<1000000x64xf32, #tpu.memory_space<hbm>>
      tpu.enqueue_indirect_dma source(%dma_start3A_347 : memref<1000000x64xf32, #tpu.memory_space<hbm>>) target(%dma_start3A_341 : memref<128x64xf32, #tpu.memory_space<vmem>>) offsets(%dma_start3A_344 : memref<128xi32, #tpu.memory_space<vmem>>) semaphore(%arg10 : memref<!tpu.dma_semaphore, #tpu.memory_space<semaphore_mem>>)
      %dma_start3A_348 = arith.constant 0 : i32
      %dma_start3A_349 = arith.constant 7 : i32
      %dma_start3A_350 = arith.constant 1 : i32
      %dma_start3A_351 = arith.constant 384 : i32
      %dma_start3A_352 = arith.constant 0 : i32
      %dma_start3A_353 = tpu.memref_slice %arg6[%dma_start3A_350, %dma_start3A_351, %dma_start3A_352] : memref<2x512x64xf32, #tpu.memory_space<vmem>> -> memref<1x128x64xf32, #tpu.memory_space<vmem>>
      %dma_start3A_354 = tpu.memref_squeeze %dma_start3A_353 : memref<1x128x64xf32, #tpu.memory_space<vmem>> -> memref<128x64xf32, #tpu.memory_space<vmem>>
      %dma_start3A_355 = arith.constant 0 : i32
      %dma_start3A_356 = tpu.memref_slice %arg5[%dma_start3A_348, %dma_start3A_349, %dma_start3A_355] : memref<2x16x128xi32, #tpu.memory_space<vmem>> -> memref<1x1x128xi32, #tpu.memory_space<vmem>>
      %dma_start3A_357 = tpu.memref_squeeze %dma_start3A_356 : memref<1x1x128xi32, #tpu.memory_space<vmem>> -> memref<128xi32, #tpu.memory_space<vmem>>
      %dma_start3A_358 = arith.constant 0 : i32
      %dma_start3A_359 = arith.constant 0 : i32
      %dma_start3A_360 = tpu.memref_slice %arg3[%dma_start3A_358, %dma_start3A_359] : memref<1000000x64xf32, #tpu.memory_space<hbm>> -> memref<1000000x64xf32, #tpu.memory_space<hbm>>
      tpu.enqueue_indirect_dma source(%dma_start3A_360 : memref<1000000x64xf32, #tpu.memory_space<hbm>>) target(%dma_start3A_354 : memref<128x64xf32, #tpu.memory_space<vmem>>) offsets(%dma_start3A_357 : memref<128xi32, #tpu.memory_space<vmem>>) semaphore(%arg10 : memref<!tpu.dma_semaphore, #tpu.memory_space<semaphore_mem>>)
      %ge3A_361 = arith.constant 1 : i32
      %ge3A_362 = arith.cmpi sge, %add3A_303, %ge3A_361 : i32
      %convert_element_type3A_363 = arith.extui %ge3A_362 : i1 to i32
      %cond3A_364 = arith.constant 0 : i32
      %cond3A_365 = arith.cmpi ne, %convert_element_type3A_363, %cond3A_364 : i32
      scf.if %cond3A_365 {
        %dma_wait3A_779 = arith.constant 0 : i32
        %dma_wait3A_780 = arith.constant 0 : i32
        %dma_wait3A_781 = arith.constant 0 : i32
        %dma_wait3A_782 = arith.constant 0 : i32
        %dma_wait3A_783 = arith.constant 0 : i32
        %dma_wait3A_784 = tpu.memref_slice %arg6[%dma_wait3A_781, %dma_wait3A_782, %dma_wait3A_783] : memref<2x512x64xf32, #tpu.memory_space<vmem>> -> memref<1x128x64xf32, #tpu.memory_space<vmem>>
        %dma_wait3A_785 = tpu.memref_squeeze %dma_wait3A_784 : memref<1x128x64xf32, #tpu.memory_space<vmem>> -> memref<128x64xf32, #tpu.memory_space<vmem>>
        %dma_wait3A_786 = arith.constant 0 : i32
        %dma_wait3A_787 = tpu.memref_slice %arg5[%dma_wait3A_779, %dma_wait3A_780, %dma_wait3A_786] : memref<2x16x128xi32, #tpu.memory_space<vmem>> -> memref<1x1x128xi32, #tpu.memory_space<vmem>>
        %dma_wait3A_788 = tpu.memref_squeeze %dma_wait3A_787 : memref<1x1x128xi32, #tpu.memory_space<vmem>> -> memref<128xi32, #tpu.memory_space<vmem>>
        %dma_wait3A_789 = arith.constant 0 : i32
        %dma_wait3A_790 = arith.constant 0 : i32
        %dma_wait3A_791 = tpu.memref_slice %arg3[%dma_wait3A_789, %dma_wait3A_790] : memref<1000000x64xf32, #tpu.memory_space<hbm>> -> memref<1000000x64xf32, #tpu.memory_space<hbm>>
        tpu.wait_indirect_dma semaphore(%arg9 : memref<!tpu.dma_semaphore, #tpu.memory_space<semaphore_mem>>) src(%dma_wait3A_791 : memref<1000000x64xf32, #tpu.memory_space<hbm>>) dst(%dma_wait3A_785 : memref<128x64xf32, #tpu.memory_space<vmem>>)
        %dma_wait3A_792 = arith.constant 0 : i32
        %dma_wait3A_793 = arith.constant 1 : i32
        %dma_wait3A_794 = arith.constant 0 : i32
        %dma_wait3A_795 = arith.constant 128 : i32
        %dma_wait3A_796 = arith.constant 0 : i32
        %dma_wait3A_797 = tpu.memref_slice %arg6[%dma_wait3A_794, %dma_wait3A_795, %dma_wait3A_796] : memref<2x512x64xf32, #tpu.memory_space<vmem>> -> memref<1x128x64xf32, #tpu.memory_space<vmem>>
        %dma_wait3A_798 = tpu.memref_squeeze %dma_wait3A_797 : memref<1x128x64xf32, #tpu.memory_space<vmem>> -> memref<128x64xf32, #tpu.memory_space<vmem>>
        %dma_wait3A_799 = arith.constant 0 : i32
        %dma_wait3A_800 = tpu.memref_slice %arg5[%dma_wait3A_792, %dma_wait3A_793, %dma_wait3A_799] : memref<2x16x128xi32, #tpu.memory_space<vmem>> -> memref<1x1x128xi32, #tpu.memory_space<vmem>>
        %dma_wait3A_801 = tpu.memref_squeeze %dma_wait3A_800 : memref<1x1x128xi32, #tpu.memory_space<vmem>> -> memref<128xi32, #tpu.memory_space<vmem>>
        %dma_wait3A_802 = arith.constant 0 : i32
        %dma_wait3A_803 = arith.constant 0 : i32
        %dma_wait3A_804 = tpu.memref_slice %arg3[%dma_wait3A_802, %dma_wait3A_803] : memref<1000000x64xf32, #tpu.memory_space<hbm>> -> memref<1000000x64xf32, #tpu.memory_space<hbm>>
        tpu.wait_indirect_dma semaphore(%arg9 : memref<!tpu.dma_semaphore, #tpu.memory_space<semaphore_mem>>) src(%dma_wait3A_804 : memref<1000000x64xf32, #tpu.memory_space<hbm>>) dst(%dma_wait3A_798 : memref<128x64xf32, #tpu.memory_space<vmem>>)
        %dma_wait3A_805 = arith.constant 0 : i32
        %dma_wait3A_806 = arith.constant 2 : i32
        %dma_wait3A_807 = arith.constant 0 : i32
        %dma_wait3A_808 = arith.constant 256 : i32
        %dma_wait3A_809 = arith.constant 0 : i32
        %dma_wait3A_810 = tpu.memref_slice %arg6[%dma_wait3A_807, %dma_wait3A_808, %dma_wait3A_809] : memref<2x512x64xf32, #tpu.memory_space<vmem>> -> memref<1x128x64xf32, #tpu.memory_space<vmem>>
        %dma_wait3A_811 = tpu.memref_squeeze %dma_wait3A_810 : memref<1x128x64xf32, #tpu.memory_space<vmem>> -> memref<128x64xf32, #tpu.memory_space<vmem>>
        %dma_wait3A_812 = arith.constant 0 : i32
        %dma_wait3A_813 = tpu.memref_slice %arg5[%dma_wait3A_805, %dma_wait3A_806, %dma_wait3A_812] : memref<2x16x128xi32, #tpu.memory_space<vmem>> -> memref<1x1x128xi32, #tpu.memory_space<vmem>>
        %dma_wait3A_814 = tpu.memref_squeeze %dma_wait3A_813 : memref<1x1x128xi32, #tpu.memory_space<vmem>> -> memref<128xi32, #tpu.memory_space<vmem>>
        %dma_wait3A_815 = arith.constant 0 : i32
        %dma_wait3A_816 = arith.constant 0 : i32
        %dma_wait3A_817 = tpu.memref_slice %arg3[%dma_wait3A_815, %dma_wait3A_816] : memref<1000000x64xf32, #tpu.memory_space<hbm>> -> memref<1000000x64xf32, #tpu.memory_space<hbm>>
        tpu.wait_indirect_dma semaphore(%arg9 : memref<!tpu.dma_semaphore, #tpu.memory_space<semaphore_mem>>) src(%dma_wait3A_817 : memref<1000000x64xf32, #tpu.memory_space<hbm>>) dst(%dma_wait3A_811 : memref<128x64xf32, #tpu.memory_space<vmem>>)
        %dma_wait3A_818 = arith.constant 0 : i32
        %dma_wait3A_819 = arith.constant 3 : i32
        %dma_wait3A_820 = arith.constant 0 : i32
        %dma_wait3A_821 = arith.constant 384 : i32
        %dma_wait3A_822 = arith.constant 0 : i32
        %dma_wait3A_823 = tpu.memref_slice %arg6[%dma_wait3A_820, %dma_wait3A_821, %dma_wait3A_822] : memref<2x512x64xf32, #tpu.memory_space<vmem>> -> memref<1x128x64xf32, #tpu.memory_space<vmem>>
        %dma_wait3A_824 = tpu.memref_squeeze %dma_wait3A_823 : memref<1x128x64xf32, #tpu.memory_space<vmem>> -> memref<128x64xf32, #tpu.memory_space<vmem>>
        %dma_wait3A_825 = arith.constant 0 : i32
        %dma_wait3A_826 = tpu.memref_slice %arg5[%dma_wait3A_818, %dma_wait3A_819, %dma_wait3A_825] : memref<2x16x128xi32, #tpu.memory_space<vmem>> -> memref<1x1x128xi32, #tpu.memory_space<vmem>>
        %dma_wait3A_827 = tpu.memref_squeeze %dma_wait3A_826 : memref<1x1x128xi32, #tpu.memory_space<vmem>> -> memref<128xi32, #tpu.memory_space<vmem>>
        %dma_wait3A_828 = arith.constant 0 : i32
        %dma_wait3A_829 = arith.constant 0 : i32
        %dma_wait3A_830 = tpu.memref_slice %arg3[%dma_wait3A_828, %dma_wait3A_829] : memref<1000000x64xf32, #tpu.memory_space<hbm>> -> memref<1000000x64xf32, #tpu.memory_space<hbm>>
        tpu.wait_indirect_dma semaphore(%arg9 : memref<!tpu.dma_semaphore, #tpu.memory_space<semaphore_mem>>) src(%dma_wait3A_830 : memref<1000000x64xf32, #tpu.memory_space<hbm>>) dst(%dma_wait3A_824 : memref<128x64xf32, #tpu.memory_space<vmem>>)
        %sub3A_831 = arith.constant 1 : i32
        %sub3A_832 = arith.subi %add3A_303, %sub3A_831 : i32
        %mul3A_833 = arith.constant 512 : i32
        %mul3A_834 = arith.muli %sub3A_832, %mul3A_833 : i32
        %add3A_835 = arith.addi %mul3A_2, %mul3A_834 : i32
        %multiple_of3A_836 = tpu.assume_multiple %add3A_835, 512 : i32
        %dma_start3A_837 = arith.constant 0 : i32
        %dma_start3A_838 = arith.constant 0 : i32
        %dma_start3A_839 = arith.constant 0 : i32
        %dma_start3A_840 = tpu.memref_slice %arg6[%dma_start3A_837, %dma_start3A_838, %dma_start3A_839] : memref<2x512x64xf32, #tpu.memory_space<vmem>> -> memref<1x512x64xf32, #tpu.memory_space<vmem>>
        %dma_start3A_841 = tpu.memref_squeeze %dma_start3A_840 : memref<1x512x64xf32, #tpu.memory_space<vmem>> -> memref<512x64xf32, #tpu.memory_space<vmem>>
        %dma_start3A_842 = arith.constant 0 : i32
        %dma_start3A_843 = tpu.memref_slice %arg4[%multiple_of3A_836, %dma_start3A_842] : memref<3276800x128xf32, #tpu.memory_space<hbm>> -> memref<512x64xf32, #tpu.memory_space<hbm>>
        %dma_start3A_844 = arith.constant 0 : i32
        %dma_start3A_845 = tpu.memref_slice %arg4[%multiple_of3A_836, %dma_start3A_844] : memref<3276800x128xf32, #tpu.memory_space<hbm>> -> memref<512x64xf32, #tpu.memory_space<hbm>>
        %dma_start3A_846 = arith.constant 0 : i32
        %dma_start3A_847 = arith.constant 0 : i32
        %dma_start3A_848 = tpu.memref_slice %arg6[%dma_start3A_837, %dma_start3A_846, %dma_start3A_847] : memref<2x512x64xf32, #tpu.memory_space<vmem>> -> memref<1x512x64xf32, #tpu.memory_space<vmem>>
        %dma_start3A_849 = tpu.memref_squeeze %dma_start3A_848 : memref<1x512x64xf32, #tpu.memory_space<vmem>> -> memref<512x64xf32, #tpu.memory_space<vmem>>
        tpu.enqueue_dma source(%dma_start3A_849 : memref<512x64xf32, #tpu.memory_space<vmem>>) target(%dma_start3A_845 : memref<512x64xf32, #tpu.memory_space<hbm>>) target_semaphore(%arg11 : memref<!tpu.dma_semaphore, #tpu.memory_space<semaphore_mem>>)
      } else {
      }
      %mul3A_366 = arith.constant 4 : i32
      %mul3A_367 = arith.muli %mul3A_366, %add3A_222 : i32
      %add3A_368 = arith.constant 2 : i32
      %add3A_369 = arith.addi %mul3A_367, %add3A_368 : i32
      %ge3A_370 = arith.constant 2 : i32
      %ge3A_371 = arith.cmpi sge, %add3A_369, %ge3A_370 : i32
      %convert_element_type3A_372 = arith.extui %ge3A_371 : i1 to i32
      %cond3A_373 = arith.constant 0 : i32
      %cond3A_374 = arith.cmpi ne, %convert_element_type3A_372, %cond3A_373 : i32
      scf.if %cond3A_374 {
        %sub3A_779 = arith.constant 2 : i32
        %sub3A_780 = arith.subi %add3A_369, %sub3A_779 : i32
        %mul3A_781 = arith.constant 512 : i32
        %mul3A_782 = arith.muli %sub3A_780, %mul3A_781 : i32
        %add3A_783 = arith.addi %mul3A_2, %mul3A_782 : i32
        %multiple_of3A_784 = tpu.assume_multiple %add3A_783, 512 : i32
        %dma_wait3A_785 = arith.constant 0 : i32
        %dma_wait3A_786 = arith.constant 0 : i32
        %dma_wait3A_787 = arith.constant 0 : i32
        %dma_wait3A_788 = tpu.memref_slice %arg6[%dma_wait3A_785, %dma_wait3A_786, %dma_wait3A_787] : memref<2x512x64xf32, #tpu.memory_space<vmem>> -> memref<1x512x64xf32, #tpu.memory_space<vmem>>
        %dma_wait3A_789 = tpu.memref_squeeze %dma_wait3A_788 : memref<1x512x64xf32, #tpu.memory_space<vmem>> -> memref<512x64xf32, #tpu.memory_space<vmem>>
        %dma_wait3A_790 = arith.constant 0 : i32
        %dma_wait3A_791 = tpu.memref_slice %arg4[%multiple_of3A_784, %dma_wait3A_790] : memref<3276800x128xf32, #tpu.memory_space<hbm>> -> memref<512x64xf32, #tpu.memory_space<hbm>>
        %dma_wait3A_792 = arith.constant 0 : i32
        %dma_wait3A_793 = tpu.memref_slice %arg4[%multiple_of3A_784, %dma_wait3A_792] : memref<3276800x128xf32, #tpu.memory_space<hbm>> -> memref<512x64xf32, #tpu.memory_space<hbm>>
        %dma_wait3A_794 = arith.constant 0 : i32
        %dma_wait3A_795 = arith.constant 0 : i32
        %dma_wait3A_796 = tpu.memref_slice %arg6[%dma_wait3A_785, %dma_wait3A_794, %dma_wait3A_795] : memref<2x512x64xf32, #tpu.memory_space<vmem>> -> memref<1x512x64xf32, #tpu.memory_space<vmem>>
        %dma_wait3A_797 = tpu.memref_squeeze %dma_wait3A_796 : memref<1x512x64xf32, #tpu.memory_space<vmem>> -> memref<512x64xf32, #tpu.memory_space<vmem>>
        tpu.wait_dma2 semaphore(%arg11 : memref<!tpu.dma_semaphore, #tpu.memory_space<semaphore_mem>>) src(%dma_wait3A_797 : memref<512x64xf32, #tpu.memory_space<vmem>>) dst(%dma_wait3A_793 : memref<512x64xf32, #tpu.memory_space<hbm>>)
      } else {
      }
      %dma_start3A_375 = arith.constant 0 : i32
      %dma_start3A_376 = arith.constant 8 : i32
      %dma_start3A_377 = arith.constant 0 : i32
      %dma_start3A_378 = arith.constant 0 : i32
      %dma_start3A_379 = arith.constant 0 : i32
      %dma_start3A_380 = tpu.memref_slice %arg6[%dma_start3A_377, %dma_start3A_378, %dma_start3A_379] : memref<2x512x64xf32, #tpu.memory_space<vmem>> -> memref<1x128x64xf32, #tpu.memory_space<vmem>>
      %dma_start3A_381 = tpu.memref_squeeze %dma_start3A_380 : memref<1x128x64xf32, #tpu.memory_space<vmem>> -> memref<128x64xf32, #tpu.memory_space<vmem>>
      %dma_start3A_382 = arith.constant 0 : i32
      %dma_start3A_383 = tpu.memref_slice %arg5[%dma_start3A_375, %dma_start3A_376, %dma_start3A_382] : memref<2x16x128xi32, #tpu.memory_space<vmem>> -> memref<1x1x128xi32, #tpu.memory_space<vmem>>
      %dma_start3A_384 = tpu.memref_squeeze %dma_start3A_383 : memref<1x1x128xi32, #tpu.memory_space<vmem>> -> memref<128xi32, #tpu.memory_space<vmem>>
      %dma_start3A_385 = arith.constant 0 : i32
      %dma_start3A_386 = arith.constant 0 : i32
      %dma_start3A_387 = tpu.memref_slice %arg3[%dma_start3A_385, %dma_start3A_386] : memref<1000000x64xf32, #tpu.memory_space<hbm>> -> memref<1000000x64xf32, #tpu.memory_space<hbm>>
      tpu.enqueue_indirect_dma source(%dma_start3A_387 : memref<1000000x64xf32, #tpu.memory_space<hbm>>) target(%dma_start3A_381 : memref<128x64xf32, #tpu.memory_space<vmem>>) offsets(%dma_start3A_384 : memref<128xi32, #tpu.memory_space<vmem>>) semaphore(%arg9 : memref<!tpu.dma_semaphore, #tpu.memory_space<semaphore_mem>>)
      %dma_start3A_388 = arith.constant 0 : i32
      %dma_start3A_389 = arith.constant 9 : i32
      %dma_start3A_390 = arith.constant 0 : i32
      %dma_start3A_391 = arith.constant 128 : i32
      %dma_start3A_392 = arith.constant 0 : i32
      %dma_start3A_393 = tpu.memref_slice %arg6[%dma_start3A_390, %dma_start3A_391, %dma_start3A_392] : memref<2x512x64xf32, #tpu.memory_space<vmem>> -> memref<1x128x64xf32, #tpu.memory_space<vmem>>
      %dma_start3A_394 = tpu.memref_squeeze %dma_start3A_393 : memref<1x128x64xf32, #tpu.memory_space<vmem>> -> memref<128x64xf32, #tpu.memory_space<vmem>>
      %dma_start3A_395 = arith.constant 0 : i32
      %dma_start3A_396 = tpu.memref_slice %arg5[%dma_start3A_388, %dma_start3A_389, %dma_start3A_395] : memref<2x16x128xi32, #tpu.memory_space<vmem>> -> memref<1x1x128xi32, #tpu.memory_space<vmem>>
      %dma_start3A_397 = tpu.memref_squeeze %dma_start3A_396 : memref<1x1x128xi32, #tpu.memory_space<vmem>> -> memref<128xi32, #tpu.memory_space<vmem>>
      %dma_start3A_398 = arith.constant 0 : i32
      %dma_start3A_399 = arith.constant 0 : i32
      %dma_start3A_400 = tpu.memref_slice %arg3[%dma_start3A_398, %dma_start3A_399] : memref<1000000x64xf32, #tpu.memory_space<hbm>> -> memref<1000000x64xf32, #tpu.memory_space<hbm>>
      tpu.enqueue_indirect_dma source(%dma_start3A_400 : memref<1000000x64xf32, #tpu.memory_space<hbm>>) target(%dma_start3A_394 : memref<128x64xf32, #tpu.memory_space<vmem>>) offsets(%dma_start3A_397 : memref<128xi32, #tpu.memory_space<vmem>>) semaphore(%arg9 : memref<!tpu.dma_semaphore, #tpu.memory_space<semaphore_mem>>)
      %dma_start3A_401 = arith.constant 0 : i32
      %dma_start3A_402 = arith.constant 10 : i32
      %dma_start3A_403 = arith.constant 0 : i32
      %dma_start3A_404 = arith.constant 256 : i32
      %dma_start3A_405 = arith.constant 0 : i32
      %dma_start3A_406 = tpu.memref_slice %arg6[%dma_start3A_403, %dma_start3A_404, %dma_start3A_405] : memref<2x512x64xf32, #tpu.memory_space<vmem>> -> memref<1x128x64xf32, #tpu.memory_space<vmem>>
      %dma_start3A_407 = tpu.memref_squeeze %dma_start3A_406 : memref<1x128x64xf32, #tpu.memory_space<vmem>> -> memref<128x64xf32, #tpu.memory_space<vmem>>
      %dma_start3A_408 = arith.constant 0 : i32
      %dma_start3A_409 = tpu.memref_slice %arg5[%dma_start3A_401, %dma_start3A_402, %dma_start3A_408] : memref<2x16x128xi32, #tpu.memory_space<vmem>> -> memref<1x1x128xi32, #tpu.memory_space<vmem>>
      %dma_start3A_410 = tpu.memref_squeeze %dma_start3A_409 : memref<1x1x128xi32, #tpu.memory_space<vmem>> -> memref<128xi32, #tpu.memory_space<vmem>>
      %dma_start3A_411 = arith.constant 0 : i32
      %dma_start3A_412 = arith.constant 0 : i32
      %dma_start3A_413 = tpu.memref_slice %arg3[%dma_start3A_411, %dma_start3A_412] : memref<1000000x64xf32, #tpu.memory_space<hbm>> -> memref<1000000x64xf32, #tpu.memory_space<hbm>>
      tpu.enqueue_indirect_dma source(%dma_start3A_413 : memref<1000000x64xf32, #tpu.memory_space<hbm>>) target(%dma_start3A_407 : memref<128x64xf32, #tpu.memory_space<vmem>>) offsets(%dma_start3A_410 : memref<128xi32, #tpu.memory_space<vmem>>) semaphore(%arg9 : memref<!tpu.dma_semaphore, #tpu.memory_space<semaphore_mem>>)
      %dma_start3A_414 = arith.constant 0 : i32
      %dma_start3A_415 = arith.constant 11 : i32
      %dma_start3A_416 = arith.constant 0 : i32
      %dma_start3A_417 = arith.constant 384 : i32
      %dma_start3A_418 = arith.constant 0 : i32
      %dma_start3A_419 = tpu.memref_slice %arg6[%dma_start3A_416, %dma_start3A_417, %dma_start3A_418] : memref<2x512x64xf32, #tpu.memory_space<vmem>> -> memref<1x128x64xf32, #tpu.memory_space<vmem>>
      %dma_start3A_420 = tpu.memref_squeeze %dma_start3A_419 : memref<1x128x64xf32, #tpu.memory_space<vmem>> -> memref<128x64xf32, #tpu.memory_space<vmem>>
      %dma_start3A_421 = arith.constant 0 : i32
      %dma_start3A_422 = tpu.memref_slice %arg5[%dma_start3A_414, %dma_start3A_415, %dma_start3A_421] : memref<2x16x128xi32, #tpu.memory_space<vmem>> -> memref<1x1x128xi32, #tpu.memory_space<vmem>>
      %dma_start3A_423 = tpu.memref_squeeze %dma_start3A_422 : memref<1x1x128xi32, #tpu.memory_space<vmem>> -> memref<128xi32, #tpu.memory_space<vmem>>
      %dma_start3A_424 = arith.constant 0 : i32
      %dma_start3A_425 = arith.constant 0 : i32
      %dma_start3A_426 = tpu.memref_slice %arg3[%dma_start3A_424, %dma_start3A_425] : memref<1000000x64xf32, #tpu.memory_space<hbm>> -> memref<1000000x64xf32, #tpu.memory_space<hbm>>
      tpu.enqueue_indirect_dma source(%dma_start3A_426 : memref<1000000x64xf32, #tpu.memory_space<hbm>>) target(%dma_start3A_420 : memref<128x64xf32, #tpu.memory_space<vmem>>) offsets(%dma_start3A_423 : memref<128xi32, #tpu.memory_space<vmem>>) semaphore(%arg9 : memref<!tpu.dma_semaphore, #tpu.memory_space<semaphore_mem>>)
      %ge3A_427 = arith.constant 1 : i32
      %ge3A_428 = arith.cmpi sge, %add3A_369, %ge3A_427 : i32
      %convert_element_type3A_429 = arith.extui %ge3A_428 : i1 to i32
      %cond3A_430 = arith.constant 0 : i32
      %cond3A_431 = arith.cmpi ne, %convert_element_type3A_429, %cond3A_430 : i32
      scf.if %cond3A_431 {
        %dma_wait3A_779 = arith.constant 0 : i32
        %dma_wait3A_780 = arith.constant 4 : i32
        %dma_wait3A_781 = arith.constant 1 : i32
        %dma_wait3A_782 = arith.constant 0 : i32
        %dma_wait3A_783 = arith.constant 0 : i32
        %dma_wait3A_784 = tpu.memref_slice %arg6[%dma_wait3A_781, %dma_wait3A_782, %dma_wait3A_783] : memref<2x512x64xf32, #tpu.memory_space<vmem>> -> memref<1x128x64xf32, #tpu.memory_space<vmem>>
        %dma_wait3A_785 = tpu.memref_squeeze %dma_wait3A_784 : memref<1x128x64xf32, #tpu.memory_space<vmem>> -> memref<128x64xf32, #tpu.memory_space<vmem>>
        %dma_wait3A_786 = arith.constant 0 : i32
        %dma_wait3A_787 = tpu.memref_slice %arg5[%dma_wait3A_779, %dma_wait3A_780, %dma_wait3A_786] : memref<2x16x128xi32, #tpu.memory_space<vmem>> -> memref<1x1x128xi32, #tpu.memory_space<vmem>>
        %dma_wait3A_788 = tpu.memref_squeeze %dma_wait3A_787 : memref<1x1x128xi32, #tpu.memory_space<vmem>> -> memref<128xi32, #tpu.memory_space<vmem>>
        %dma_wait3A_789 = arith.constant 0 : i32
        %dma_wait3A_790 = arith.constant 0 : i32
        %dma_wait3A_791 = tpu.memref_slice %arg3[%dma_wait3A_789, %dma_wait3A_790] : memref<1000000x64xf32, #tpu.memory_space<hbm>> -> memref<1000000x64xf32, #tpu.memory_space<hbm>>
        tpu.wait_indirect_dma semaphore(%arg10 : memref<!tpu.dma_semaphore, #tpu.memory_space<semaphore_mem>>) src(%dma_wait3A_791 : memref<1000000x64xf32, #tpu.memory_space<hbm>>) dst(%dma_wait3A_785 : memref<128x64xf32, #tpu.memory_space<vmem>>)
        %dma_wait3A_792 = arith.constant 0 : i32
        %dma_wait3A_793 = arith.constant 5 : i32
        %dma_wait3A_794 = arith.constant 1 : i32
        %dma_wait3A_795 = arith.constant 128 : i32
        %dma_wait3A_796 = arith.constant 0 : i32
        %dma_wait3A_797 = tpu.memref_slice %arg6[%dma_wait3A_794, %dma_wait3A_795, %dma_wait3A_796] : memref<2x512x64xf32, #tpu.memory_space<vmem>> -> memref<1x128x64xf32, #tpu.memory_space<vmem>>
        %dma_wait3A_798 = tpu.memref_squeeze %dma_wait3A_797 : memref<1x128x64xf32, #tpu.memory_space<vmem>> -> memref<128x64xf32, #tpu.memory_space<vmem>>
        %dma_wait3A_799 = arith.constant 0 : i32
        %dma_wait3A_800 = tpu.memref_slice %arg5[%dma_wait3A_792, %dma_wait3A_793, %dma_wait3A_799] : memref<2x16x128xi32, #tpu.memory_space<vmem>> -> memref<1x1x128xi32, #tpu.memory_space<vmem>>
        %dma_wait3A_801 = tpu.memref_squeeze %dma_wait3A_800 : memref<1x1x128xi32, #tpu.memory_space<vmem>> -> memref<128xi32, #tpu.memory_space<vmem>>
        %dma_wait3A_802 = arith.constant 0 : i32
        %dma_wait3A_803 = arith.constant 0 : i32
        %dma_wait3A_804 = tpu.memref_slice %arg3[%dma_wait3A_802, %dma_wait3A_803] : memref<1000000x64xf32, #tpu.memory_space<hbm>> -> memref<1000000x64xf32, #tpu.memory_space<hbm>>
        tpu.wait_indirect_dma semaphore(%arg10 : memref<!tpu.dma_semaphore, #tpu.memory_space<semaphore_mem>>) src(%dma_wait3A_804 : memref<1000000x64xf32, #tpu.memory_space<hbm>>) dst(%dma_wait3A_798 : memref<128x64xf32, #tpu.memory_space<vmem>>)
        %dma_wait3A_805 = arith.constant 0 : i32
        %dma_wait3A_806 = arith.constant 6 : i32
        %dma_wait3A_807 = arith.constant 1 : i32
        %dma_wait3A_808 = arith.constant 256 : i32
        %dma_wait3A_809 = arith.constant 0 : i32
        %dma_wait3A_810 = tpu.memref_slice %arg6[%dma_wait3A_807, %dma_wait3A_808, %dma_wait3A_809] : memref<2x512x64xf32, #tpu.memory_space<vmem>> -> memref<1x128x64xf32, #tpu.memory_space<vmem>>
        %dma_wait3A_811 = tpu.memref_squeeze %dma_wait3A_810 : memref<1x128x64xf32, #tpu.memory_space<vmem>> -> memref<128x64xf32, #tpu.memory_space<vmem>>
        %dma_wait3A_812 = arith.constant 0 : i32
        %dma_wait3A_813 = tpu.memref_slice %arg5[%dma_wait3A_805, %dma_wait3A_806, %dma_wait3A_812] : memref<2x16x128xi32, #tpu.memory_space<vmem>> -> memref<1x1x128xi32, #tpu.memory_space<vmem>>
        %dma_wait3A_814 = tpu.memref_squeeze %dma_wait3A_813 : memref<1x1x128xi32, #tpu.memory_space<vmem>> -> memref<128xi32, #tpu.memory_space<vmem>>
        %dma_wait3A_815 = arith.constant 0 : i32
        %dma_wait3A_816 = arith.constant 0 : i32
        %dma_wait3A_817 = tpu.memref_slice %arg3[%dma_wait3A_815, %dma_wait3A_816] : memref<1000000x64xf32, #tpu.memory_space<hbm>> -> memref<1000000x64xf32, #tpu.memory_space<hbm>>
        tpu.wait_indirect_dma semaphore(%arg10 : memref<!tpu.dma_semaphore, #tpu.memory_space<semaphore_mem>>) src(%dma_wait3A_817 : memref<1000000x64xf32, #tpu.memory_space<hbm>>) dst(%dma_wait3A_811 : memref<128x64xf32, #tpu.memory_space<vmem>>)
        %dma_wait3A_818 = arith.constant 0 : i32
        %dma_wait3A_819 = arith.constant 7 : i32
        %dma_wait3A_820 = arith.constant 1 : i32
        %dma_wait3A_821 = arith.constant 384 : i32
        %dma_wait3A_822 = arith.constant 0 : i32
        %dma_wait3A_823 = tpu.memref_slice %arg6[%dma_wait3A_820, %dma_wait3A_821, %dma_wait3A_822] : memref<2x512x64xf32, #tpu.memory_space<vmem>> -> memref<1x128x64xf32, #tpu.memory_space<vmem>>
        %dma_wait3A_824 = tpu.memref_squeeze %dma_wait3A_823 : memref<1x128x64xf32, #tpu.memory_space<vmem>> -> memref<128x64xf32, #tpu.memory_space<vmem>>
        %dma_wait3A_825 = arith.constant 0 : i32
        %dma_wait3A_826 = tpu.memref_slice %arg5[%dma_wait3A_818, %dma_wait3A_819, %dma_wait3A_825] : memref<2x16x128xi32, #tpu.memory_space<vmem>> -> memref<1x1x128xi32, #tpu.memory_space<vmem>>
        %dma_wait3A_827 = tpu.memref_squeeze %dma_wait3A_826 : memref<1x1x128xi32, #tpu.memory_space<vmem>> -> memref<128xi32, #tpu.memory_space<vmem>>
        %dma_wait3A_828 = arith.constant 0 : i32
        %dma_wait3A_829 = arith.constant 0 : i32
        %dma_wait3A_830 = tpu.memref_slice %arg3[%dma_wait3A_828, %dma_wait3A_829] : memref<1000000x64xf32, #tpu.memory_space<hbm>> -> memref<1000000x64xf32, #tpu.memory_space<hbm>>
        tpu.wait_indirect_dma semaphore(%arg10 : memref<!tpu.dma_semaphore, #tpu.memory_space<semaphore_mem>>) src(%dma_wait3A_830 : memref<1000000x64xf32, #tpu.memory_space<hbm>>) dst(%dma_wait3A_824 : memref<128x64xf32, #tpu.memory_space<vmem>>)
        %sub3A_831 = arith.constant 1 : i32
        %sub3A_832 = arith.subi %add3A_369, %sub3A_831 : i32
        %mul3A_833 = arith.constant 512 : i32
        %mul3A_834 = arith.muli %sub3A_832, %mul3A_833 : i32
        %add3A_835 = arith.addi %mul3A_2, %mul3A_834 : i32
        %multiple_of3A_836 = tpu.assume_multiple %add3A_835, 512 : i32
        %dma_start3A_837 = arith.constant 1 : i32
        %dma_start3A_838 = arith.constant 0 : i32
        %dma_start3A_839 = arith.constant 0 : i32
        %dma_start3A_840 = tpu.memref_slice %arg6[%dma_start3A_837, %dma_start3A_838, %dma_start3A_839] : memref<2x512x64xf32, #tpu.memory_space<vmem>> -> memref<1x512x64xf32, #tpu.memory_space<vmem>>
        %dma_start3A_841 = tpu.memref_squeeze %dma_start3A_840 : memref<1x512x64xf32, #tpu.memory_space<vmem>> -> memref<512x64xf32, #tpu.memory_space<vmem>>
        %dma_start3A_842 = arith.constant 0 : i32
        %dma_start3A_843 = tpu.memref_slice %arg4[%multiple_of3A_836, %dma_start3A_842] : memref<3276800x128xf32, #tpu.memory_space<hbm>> -> memref<512x64xf32, #tpu.memory_space<hbm>>
        %dma_start3A_844 = arith.constant 0 : i32
        %dma_start3A_845 = tpu.memref_slice %arg4[%multiple_of3A_836, %dma_start3A_844] : memref<3276800x128xf32, #tpu.memory_space<hbm>> -> memref<512x64xf32, #tpu.memory_space<hbm>>
        %dma_start3A_846 = arith.constant 0 : i32
        %dma_start3A_847 = arith.constant 0 : i32
        %dma_start3A_848 = tpu.memref_slice %arg6[%dma_start3A_837, %dma_start3A_846, %dma_start3A_847] : memref<2x512x64xf32, #tpu.memory_space<vmem>> -> memref<1x512x64xf32, #tpu.memory_space<vmem>>
        %dma_start3A_849 = tpu.memref_squeeze %dma_start3A_848 : memref<1x512x64xf32, #tpu.memory_space<vmem>> -> memref<512x64xf32, #tpu.memory_space<vmem>>
        tpu.enqueue_dma source(%dma_start3A_849 : memref<512x64xf32, #tpu.memory_space<vmem>>) target(%dma_start3A_845 : memref<512x64xf32, #tpu.memory_space<hbm>>) target_semaphore(%arg12 : memref<!tpu.dma_semaphore, #tpu.memory_space<semaphore_mem>>)
      } else {
      }
      %mul3A_432 = arith.constant 4 : i32
      %mul3A_433 = arith.muli %mul3A_432, %add3A_222 : i32
      %add3A_434 = arith.constant 3 : i32
      %add3A_435 = arith.addi %mul3A_433, %add3A_434 : i32
      %ge3A_436 = arith.constant 2 : i32
      %ge3A_437 = arith.cmpi sge, %add3A_435, %ge3A_436 : i32
      %convert_element_type3A_438 = arith.extui %ge3A_437 : i1 to i32
      %cond3A_439 = arith.constant 0 : i32
      %cond3A_440 = arith.cmpi ne, %convert_element_type3A_438, %cond3A_439 : i32
      scf.if %cond3A_440 {
        %sub3A_779 = arith.constant 2 : i32
        %sub3A_780 = arith.subi %add3A_435, %sub3A_779 : i32
        %mul3A_781 = arith.constant 512 : i32
        %mul3A_782 = arith.muli %sub3A_780, %mul3A_781 : i32
        %add3A_783 = arith.addi %mul3A_2, %mul3A_782 : i32
        %multiple_of3A_784 = tpu.assume_multiple %add3A_783, 512 : i32
        %dma_wait3A_785 = arith.constant 1 : i32
        %dma_wait3A_786 = arith.constant 0 : i32
        %dma_wait3A_787 = arith.constant 0 : i32
        %dma_wait3A_788 = tpu.memref_slice %arg6[%dma_wait3A_785, %dma_wait3A_786, %dma_wait3A_787] : memref<2x512x64xf32, #tpu.memory_space<vmem>> -> memref<1x512x64xf32, #tpu.memory_space<vmem>>
        %dma_wait3A_789 = tpu.memref_squeeze %dma_wait3A_788 : memref<1x512x64xf32, #tpu.memory_space<vmem>> -> memref<512x64xf32, #tpu.memory_space<vmem>>
        %dma_wait3A_790 = arith.constant 0 : i32
        %dma_wait3A_791 = tpu.memref_slice %arg4[%multiple_of3A_784, %dma_wait3A_790] : memref<3276800x128xf32, #tpu.memory_space<hbm>> -> memref<512x64xf32, #tpu.memory_space<hbm>>
        %dma_wait3A_792 = arith.constant 0 : i32
        %dma_wait3A_793 = tpu.memref_slice %arg4[%multiple_of3A_784, %dma_wait3A_792] : memref<3276800x128xf32, #tpu.memory_space<hbm>> -> memref<512x64xf32, #tpu.memory_space<hbm>>
        %dma_wait3A_794 = arith.constant 0 : i32
        %dma_wait3A_795 = arith.constant 0 : i32
        %dma_wait3A_796 = tpu.memref_slice %arg6[%dma_wait3A_785, %dma_wait3A_794, %dma_wait3A_795] : memref<2x512x64xf32, #tpu.memory_space<vmem>> -> memref<1x512x64xf32, #tpu.memory_space<vmem>>
        %dma_wait3A_797 = tpu.memref_squeeze %dma_wait3A_796 : memref<1x512x64xf32, #tpu.memory_space<vmem>> -> memref<512x64xf32, #tpu.memory_space<vmem>>
        tpu.wait_dma2 semaphore(%arg12 : memref<!tpu.dma_semaphore, #tpu.memory_space<semaphore_mem>>) src(%dma_wait3A_797 : memref<512x64xf32, #tpu.memory_space<vmem>>) dst(%dma_wait3A_793 : memref<512x64xf32, #tpu.memory_space<hbm>>)
      } else {
      }
      %dma_start3A_441 = arith.constant 0 : i32
      %dma_start3A_442 = arith.constant 12 : i32
      %dma_start3A_443 = arith.constant 1 : i32
      %dma_start3A_444 = arith.constant 0 : i32
      %dma_start3A_445 = arith.constant 0 : i32
      %dma_start3A_446 = tpu.memref_slice %arg6[%dma_start3A_443, %dma_start3A_444, %dma_start3A_445] : memref<2x512x64xf32, #tpu.memory_space<vmem>> -> memref<1x128x64xf32, #tpu.memory_space<vmem>>
      %dma_start3A_447 = tpu.memref_squeeze %dma_start3A_446 : memref<1x128x64xf32, #tpu.memory_space<vmem>> -> memref<128x64xf32, #tpu.memory_space<vmem>>
      %dma_start3A_448 = arith.constant 0 : i32
      %dma_start3A_449 = tpu.memref_slice %arg5[%dma_start3A_441, %dma_start3A_442, %dma_start3A_448] : memref<2x16x128xi32, #tpu.memory_space<vmem>> -> memref<1x1x128xi32, #tpu.memory_space<vmem>>
      %dma_start3A_450 = tpu.memref_squeeze %dma_start3A_449 : memref<1x1x128xi32, #tpu.memory_space<vmem>> -> memref<128xi32, #tpu.memory_space<vmem>>
      %dma_start3A_451 = arith.constant 0 : i32
      %dma_start3A_452 = arith.constant 0 : i32
      %dma_start3A_453 = tpu.memref_slice %arg3[%dma_start3A_451, %dma_start3A_452] : memref<1000000x64xf32, #tpu.memory_space<hbm>> -> memref<1000000x64xf32, #tpu.memory_space<hbm>>
      tpu.enqueue_indirect_dma source(%dma_start3A_453 : memref<1000000x64xf32, #tpu.memory_space<hbm>>) target(%dma_start3A_447 : memref<128x64xf32, #tpu.memory_space<vmem>>) offsets(%dma_start3A_450 : memref<128xi32, #tpu.memory_space<vmem>>) semaphore(%arg10 : memref<!tpu.dma_semaphore, #tpu.memory_space<semaphore_mem>>)
      %dma_start3A_454 = arith.constant 0 : i32
      %dma_start3A_455 = arith.constant 13 : i32
      %dma_start3A_456 = arith.constant 1 : i32
      %dma_start3A_457 = arith.constant 128 : i32
      %dma_start3A_458 = arith.constant 0 : i32
      %dma_start3A_459 = tpu.memref_slice %arg6[%dma_start3A_456, %dma_start3A_457, %dma_start3A_458] : memref<2x512x64xf32, #tpu.memory_space<vmem>> -> memref<1x128x64xf32, #tpu.memory_space<vmem>>
      %dma_start3A_460 = tpu.memref_squeeze %dma_start3A_459 : memref<1x128x64xf32, #tpu.memory_space<vmem>> -> memref<128x64xf32, #tpu.memory_space<vmem>>
      %dma_start3A_461 = arith.constant 0 : i32
      %dma_start3A_462 = tpu.memref_slice %arg5[%dma_start3A_454, %dma_start3A_455, %dma_start3A_461] : memref<2x16x128xi32, #tpu.memory_space<vmem>> -> memref<1x1x128xi32, #tpu.memory_space<vmem>>
      %dma_start3A_463 = tpu.memref_squeeze %dma_start3A_462 : memref<1x1x128xi32, #tpu.memory_space<vmem>> -> memref<128xi32, #tpu.memory_space<vmem>>
      %dma_start3A_464 = arith.constant 0 : i32
      %dma_start3A_465 = arith.constant 0 : i32
      %dma_start3A_466 = tpu.memref_slice %arg3[%dma_start3A_464, %dma_start3A_465] : memref<1000000x64xf32, #tpu.memory_space<hbm>> -> memref<1000000x64xf32, #tpu.memory_space<hbm>>
      tpu.enqueue_indirect_dma source(%dma_start3A_466 : memref<1000000x64xf32, #tpu.memory_space<hbm>>) target(%dma_start3A_460 : memref<128x64xf32, #tpu.memory_space<vmem>>) offsets(%dma_start3A_463 : memref<128xi32, #tpu.memory_space<vmem>>) semaphore(%arg10 : memref<!tpu.dma_semaphore, #tpu.memory_space<semaphore_mem>>)
      %dma_start3A_467 = arith.constant 0 : i32
      %dma_start3A_468 = arith.constant 14 : i32
      %dma_start3A_469 = arith.constant 1 : i32
      %dma_start3A_470 = arith.constant 256 : i32
      %dma_start3A_471 = arith.constant 0 : i32
      %dma_start3A_472 = tpu.memref_slice %arg6[%dma_start3A_469, %dma_start3A_470, %dma_start3A_471] : memref<2x512x64xf32, #tpu.memory_space<vmem>> -> memref<1x128x64xf32, #tpu.memory_space<vmem>>
      %dma_start3A_473 = tpu.memref_squeeze %dma_start3A_472 : memref<1x128x64xf32, #tpu.memory_space<vmem>> -> memref<128x64xf32, #tpu.memory_space<vmem>>
      %dma_start3A_474 = arith.constant 0 : i32
      %dma_start3A_475 = tpu.memref_slice %arg5[%dma_start3A_467, %dma_start3A_468, %dma_start3A_474] : memref<2x16x128xi32, #tpu.memory_space<vmem>> -> memref<1x1x128xi32, #tpu.memory_space<vmem>>
      %dma_start3A_476 = tpu.memref_squeeze %dma_start3A_475 : memref<1x1x128xi32, #tpu.memory_space<vmem>> -> memref<128xi32, #tpu.memory_space<vmem>>
      %dma_start3A_477 = arith.constant 0 : i32
      %dma_start3A_478 = arith.constant 0 : i32
      %dma_start3A_479 = tpu.memref_slice %arg3[%dma_start3A_477, %dma_start3A_478] : memref<1000000x64xf32, #tpu.memory_space<hbm>> -> memref<1000000x64xf32, #tpu.memory_space<hbm>>
      tpu.enqueue_indirect_dma source(%dma_start3A_479 : memref<1000000x64xf32, #tpu.memory_space<hbm>>) target(%dma_start3A_473 : memref<128x64xf32, #tpu.memory_space<vmem>>) offsets(%dma_start3A_476 : memref<128xi32, #tpu.memory_space<vmem>>) semaphore(%arg10 : memref<!tpu.dma_semaphore, #tpu.memory_space<semaphore_mem>>)
      %dma_start3A_480 = arith.constant 0 : i32
      %dma_start3A_481 = arith.constant 15 : i32
      %dma_start3A_482 = arith.constant 1 : i32
      %dma_start3A_483 = arith.constant 384 : i32
      %dma_start3A_484 = arith.constant 0 : i32
      %dma_start3A_485 = tpu.memref_slice %arg6[%dma_start3A_482, %dma_start3A_483, %dma_start3A_484] : memref<2x512x64xf32, #tpu.memory_space<vmem>> -> memref<1x128x64xf32, #tpu.memory_space<vmem>>
      %dma_start3A_486 = tpu.memref_squeeze %dma_start3A_485 : memref<1x128x64xf32, #tpu.memory_space<vmem>> -> memref<128x64xf32, #tpu.memory_space<vmem>>
      %dma_start3A_487 = arith.constant 0 : i32
      %dma_start3A_488 = tpu.memref_slice %arg5[%dma_start3A_480, %dma_start3A_481, %dma_start3A_487] : memref<2x16x128xi32, #tpu.memory_space<vmem>> -> memref<1x1x128xi32, #tpu.memory_space<vmem>>
      %dma_start3A_489 = tpu.memref_squeeze %dma_start3A_488 : memref<1x1x128xi32, #tpu.memory_space<vmem>> -> memref<128xi32, #tpu.memory_space<vmem>>
      %dma_start3A_490 = arith.constant 0 : i32
      %dma_start3A_491 = arith.constant 0 : i32
      %dma_start3A_492 = tpu.memref_slice %arg3[%dma_start3A_490, %dma_start3A_491] : memref<1000000x64xf32, #tpu.memory_space<hbm>> -> memref<1000000x64xf32, #tpu.memory_space<hbm>>
      tpu.enqueue_indirect_dma source(%dma_start3A_492 : memref<1000000x64xf32, #tpu.memory_space<hbm>>) target(%dma_start3A_486 : memref<128x64xf32, #tpu.memory_space<vmem>>) offsets(%dma_start3A_489 : memref<128xi32, #tpu.memory_space<vmem>>) semaphore(%arg10 : memref<!tpu.dma_semaphore, #tpu.memory_space<semaphore_mem>>)
      %ge3A_493 = arith.constant 1 : i32
      %ge3A_494 = arith.cmpi sge, %add3A_435, %ge3A_493 : i32
      %convert_element_type3A_495 = arith.extui %ge3A_494 : i1 to i32
      %cond3A_496 = arith.constant 0 : i32
      %cond3A_497 = arith.cmpi ne, %convert_element_type3A_495, %cond3A_496 : i32
      scf.if %cond3A_497 {
        %dma_wait3A_779 = arith.constant 0 : i32
        %dma_wait3A_780 = arith.constant 8 : i32
        %dma_wait3A_781 = arith.constant 0 : i32
        %dma_wait3A_782 = arith.constant 0 : i32
        %dma_wait3A_783 = arith.constant 0 : i32
        %dma_wait3A_784 = tpu.memref_slice %arg6[%dma_wait3A_781, %dma_wait3A_782, %dma_wait3A_783] : memref<2x512x64xf32, #tpu.memory_space<vmem>> -> memref<1x128x64xf32, #tpu.memory_space<vmem>>
        %dma_wait3A_785 = tpu.memref_squeeze %dma_wait3A_784 : memref<1x128x64xf32, #tpu.memory_space<vmem>> -> memref<128x64xf32, #tpu.memory_space<vmem>>
        %dma_wait3A_786 = arith.constant 0 : i32
        %dma_wait3A_787 = tpu.memref_slice %arg5[%dma_wait3A_779, %dma_wait3A_780, %dma_wait3A_786] : memref<2x16x128xi32, #tpu.memory_space<vmem>> -> memref<1x1x128xi32, #tpu.memory_space<vmem>>
        %dma_wait3A_788 = tpu.memref_squeeze %dma_wait3A_787 : memref<1x1x128xi32, #tpu.memory_space<vmem>> -> memref<128xi32, #tpu.memory_space<vmem>>
        %dma_wait3A_789 = arith.constant 0 : i32
        %dma_wait3A_790 = arith.constant 0 : i32
        %dma_wait3A_791 = tpu.memref_slice %arg3[%dma_wait3A_789, %dma_wait3A_790] : memref<1000000x64xf32, #tpu.memory_space<hbm>> -> memref<1000000x64xf32, #tpu.memory_space<hbm>>
        tpu.wait_indirect_dma semaphore(%arg9 : memref<!tpu.dma_semaphore, #tpu.memory_space<semaphore_mem>>) src(%dma_wait3A_791 : memref<1000000x64xf32, #tpu.memory_space<hbm>>) dst(%dma_wait3A_785 : memref<128x64xf32, #tpu.memory_space<vmem>>)
        %dma_wait3A_792 = arith.constant 0 : i32
        %dma_wait3A_793 = arith.constant 9 : i32
        %dma_wait3A_794 = arith.constant 0 : i32
        %dma_wait3A_795 = arith.constant 128 : i32
        %dma_wait3A_796 = arith.constant 0 : i32
        %dma_wait3A_797 = tpu.memref_slice %arg6[%dma_wait3A_794, %dma_wait3A_795, %dma_wait3A_796] : memref<2x512x64xf32, #tpu.memory_space<vmem>> -> memref<1x128x64xf32, #tpu.memory_space<vmem>>
        %dma_wait3A_798 = tpu.memref_squeeze %dma_wait3A_797 : memref<1x128x64xf32, #tpu.memory_space<vmem>> -> memref<128x64xf32, #tpu.memory_space<vmem>>
        %dma_wait3A_799 = arith.constant 0 : i32
        %dma_wait3A_800 = tpu.memref_slice %arg5[%dma_wait3A_792, %dma_wait3A_793, %dma_wait3A_799] : memref<2x16x128xi32, #tpu.memory_space<vmem>> -> memref<1x1x128xi32, #tpu.memory_space<vmem>>
        %dma_wait3A_801 = tpu.memref_squeeze %dma_wait3A_800 : memref<1x1x128xi32, #tpu.memory_space<vmem>> -> memref<128xi32, #tpu.memory_space<vmem>>
        %dma_wait3A_802 = arith.constant 0 : i32
        %dma_wait3A_803 = arith.constant 0 : i32
        %dma_wait3A_804 = tpu.memref_slice %arg3[%dma_wait3A_802, %dma_wait3A_803] : memref<1000000x64xf32, #tpu.memory_space<hbm>> -> memref<1000000x64xf32, #tpu.memory_space<hbm>>
        tpu.wait_indirect_dma semaphore(%arg9 : memref<!tpu.dma_semaphore, #tpu.memory_space<semaphore_mem>>) src(%dma_wait3A_804 : memref<1000000x64xf32, #tpu.memory_space<hbm>>) dst(%dma_wait3A_798 : memref<128x64xf32, #tpu.memory_space<vmem>>)
        %dma_wait3A_805 = arith.constant 0 : i32
        %dma_wait3A_806 = arith.constant 10 : i32
        %dma_wait3A_807 = arith.constant 0 : i32
        %dma_wait3A_808 = arith.constant 256 : i32
        %dma_wait3A_809 = arith.constant 0 : i32
        %dma_wait3A_810 = tpu.memref_slice %arg6[%dma_wait3A_807, %dma_wait3A_808, %dma_wait3A_809] : memref<2x512x64xf32, #tpu.memory_space<vmem>> -> memref<1x128x64xf32, #tpu.memory_space<vmem>>
        %dma_wait3A_811 = tpu.memref_squeeze %dma_wait3A_810 : memref<1x128x64xf32, #tpu.memory_space<vmem>> -> memref<128x64xf32, #tpu.memory_space<vmem>>
        %dma_wait3A_812 = arith.constant 0 : i32
        %dma_wait3A_813 = tpu.memref_slice %arg5[%dma_wait3A_805, %dma_wait3A_806, %dma_wait3A_812] : memref<2x16x128xi32, #tpu.memory_space<vmem>> -> memref<1x1x128xi32, #tpu.memory_space<vmem>>
        %dma_wait3A_814 = tpu.memref_squeeze %dma_wait3A_813 : memref<1x1x128xi32, #tpu.memory_space<vmem>> -> memref<128xi32, #tpu.memory_space<vmem>>
        %dma_wait3A_815 = arith.constant 0 : i32
        %dma_wait3A_816 = arith.constant 0 : i32
        %dma_wait3A_817 = tpu.memref_slice %arg3[%dma_wait3A_815, %dma_wait3A_816] : memref<1000000x64xf32, #tpu.memory_space<hbm>> -> memref<1000000x64xf32, #tpu.memory_space<hbm>>
        tpu.wait_indirect_dma semaphore(%arg9 : memref<!tpu.dma_semaphore, #tpu.memory_space<semaphore_mem>>) src(%dma_wait3A_817 : memref<1000000x64xf32, #tpu.memory_space<hbm>>) dst(%dma_wait3A_811 : memref<128x64xf32, #tpu.memory_space<vmem>>)
        %dma_wait3A_818 = arith.constant 0 : i32
        %dma_wait3A_819 = arith.constant 11 : i32
        %dma_wait3A_820 = arith.constant 0 : i32
        %dma_wait3A_821 = arith.constant 384 : i32
        %dma_wait3A_822 = arith.constant 0 : i32
        %dma_wait3A_823 = tpu.memref_slice %arg6[%dma_wait3A_820, %dma_wait3A_821, %dma_wait3A_822] : memref<2x512x64xf32, #tpu.memory_space<vmem>> -> memref<1x128x64xf32, #tpu.memory_space<vmem>>
        %dma_wait3A_824 = tpu.memref_squeeze %dma_wait3A_823 : memref<1x128x64xf32, #tpu.memory_space<vmem>> -> memref<128x64xf32, #tpu.memory_space<vmem>>
        %dma_wait3A_825 = arith.constant 0 : i32
        %dma_wait3A_826 = tpu.memref_slice %arg5[%dma_wait3A_818, %dma_wait3A_819, %dma_wait3A_825] : memref<2x16x128xi32, #tpu.memory_space<vmem>> -> memref<1x1x128xi32, #tpu.memory_space<vmem>>
        %dma_wait3A_827 = tpu.memref_squeeze %dma_wait3A_826 : memref<1x1x128xi32, #tpu.memory_space<vmem>> -> memref<128xi32, #tpu.memory_space<vmem>>
        %dma_wait3A_828 = arith.constant 0 : i32
        %dma_wait3A_829 = arith.constant 0 : i32
        %dma_wait3A_830 = tpu.memref_slice %arg3[%dma_wait3A_828, %dma_wait3A_829] : memref<1000000x64xf32, #tpu.memory_space<hbm>> -> memref<1000000x64xf32, #tpu.memory_space<hbm>>
        tpu.wait_indirect_dma semaphore(%arg9 : memref<!tpu.dma_semaphore, #tpu.memory_space<semaphore_mem>>) src(%dma_wait3A_830 : memref<1000000x64xf32, #tpu.memory_space<hbm>>) dst(%dma_wait3A_824 : memref<128x64xf32, #tpu.memory_space<vmem>>)
        %sub3A_831 = arith.constant 1 : i32
        %sub3A_832 = arith.subi %add3A_435, %sub3A_831 : i32
        %mul3A_833 = arith.constant 512 : i32
        %mul3A_834 = arith.muli %sub3A_832, %mul3A_833 : i32
        %add3A_835 = arith.addi %mul3A_2, %mul3A_834 : i32
        %multiple_of3A_836 = tpu.assume_multiple %add3A_835, 512 : i32
        %dma_start3A_837 = arith.constant 0 : i32
        %dma_start3A_838 = arith.constant 0 : i32
        %dma_start3A_839 = arith.constant 0 : i32
        %dma_start3A_840 = tpu.memref_slice %arg6[%dma_start3A_837, %dma_start3A_838, %dma_start3A_839] : memref<2x512x64xf32, #tpu.memory_space<vmem>> -> memref<1x512x64xf32, #tpu.memory_space<vmem>>
        %dma_start3A_841 = tpu.memref_squeeze %dma_start3A_840 : memref<1x512x64xf32, #tpu.memory_space<vmem>> -> memref<512x64xf32, #tpu.memory_space<vmem>>
        %dma_start3A_842 = arith.constant 0 : i32
        %dma_start3A_843 = tpu.memref_slice %arg4[%multiple_of3A_836, %dma_start3A_842] : memref<3276800x128xf32, #tpu.memory_space<hbm>> -> memref<512x64xf32, #tpu.memory_space<hbm>>
        %dma_start3A_844 = arith.constant 0 : i32
        %dma_start3A_845 = tpu.memref_slice %arg4[%multiple_of3A_836, %dma_start3A_844] : memref<3276800x128xf32, #tpu.memory_space<hbm>> -> memref<512x64xf32, #tpu.memory_space<hbm>>
        %dma_start3A_846 = arith.constant 0 : i32
        %dma_start3A_847 = arith.constant 0 : i32
        %dma_start3A_848 = tpu.memref_slice %arg6[%dma_start3A_837, %dma_start3A_846, %dma_start3A_847] : memref<2x512x64xf32, #tpu.memory_space<vmem>> -> memref<1x512x64xf32, #tpu.memory_space<vmem>>
        %dma_start3A_849 = tpu.memref_squeeze %dma_start3A_848 : memref<1x512x64xf32, #tpu.memory_space<vmem>> -> memref<512x64xf32, #tpu.memory_space<vmem>>
        tpu.enqueue_dma source(%dma_start3A_849 : memref<512x64xf32, #tpu.memory_space<vmem>>) target(%dma_start3A_845 : memref<512x64xf32, #tpu.memory_space<hbm>>) target_semaphore(%arg11 : memref<!tpu.dma_semaphore, #tpu.memory_space<semaphore_mem>>)
      } else {
      }
      %add3A_498 = arith.constant 1 : i32
      %add3A_499 = arith.addi %add3A_220, %add3A_498 : i32
      %ge3A_500 = arith.constant 1 : i32
      %ge3A_501 = arith.cmpi sge, %add3A_499, %ge3A_500 : i32
      %convert_element_type3A_502 = arith.extui %ge3A_501 : i1 to i32
      %cond3A_503 = arith.constant 0 : i32
      %cond3A_504 = arith.cmpi ne, %convert_element_type3A_502, %cond3A_503 : i32
      scf.if %cond3A_504 {
        %mul3A_779 = arith.constant 2048 : i32
        %mul3A_780 = arith.muli %add3A_499, %mul3A_779 : i32
        %add3A_781 = arith.addi %mul3A_2, %mul3A_780 : i32
        %jit3A_782 = arith.constant 128 : i32
        %div3A_783 = arith.divsi %add3A_781, %jit3A_782 : i32
        %sign3A_784 = arith.constant 0 : i32
        %sign3A_785 = arith.cmpi sgt, %add3A_781, %sign3A_784 : i32
        %sign3A_786 = arith.extui %sign3A_785 : i1 to i32
        %sign3A_787 = arith.constant 0 : i32
        %sign3A_788 = arith.cmpi slt, %add3A_781, %sign3A_787 : i32
        %sign3A_789 = arith.extui %sign3A_788 : i1 to i32
        %sign3A_790 = arith.subi %sign3A_786, %sign3A_789 : i32
        %sign3A_791 = arith.constant 0 : i32
        %sign3A_792 = arith.cmpi sgt, %jit3A_782, %sign3A_791 : i32
        %sign3A_793 = arith.extui %sign3A_792 : i1 to i32
        %sign3A_794 = arith.constant 0 : i32
        %sign3A_795 = arith.cmpi slt, %jit3A_782, %sign3A_794 : i32
        %sign3A_796 = arith.extui %sign3A_795 : i1 to i32
        %sign3A_797 = arith.subi %sign3A_793, %sign3A_796 : i32
        %ne3A_798 = arith.cmpi ne, %sign3A_790, %sign3A_797 : i32
        %rem3A_799 = arith.remsi %add3A_781, %jit3A_782 : i32
        %ne3A_800 = arith.constant 0 : i32
        %ne3A_801 = arith.cmpi ne, %rem3A_799, %ne3A_800 : i32
        %and3A_802 = arith.andi %ne3A_798, %ne3A_801 : i1
        %sub3A_803 = arith.constant 1 : i32
        %sub3A_804 = arith.subi %div3A_783, %sub3A_803 : i32
        %select_n3A_805 = arith.select %and3A_802, %sub3A_804, %div3A_783 : i32
        %multiple_of3A_806 = tpu.assume_multiple %select_n3A_805, 8 : i32
        %dma_wait3A_807 = arith.constant 1 : i32
        %dma_wait3A_808 = arith.constant 0 : i32
        %dma_wait3A_809 = arith.constant 0 : i32
        %dma_wait3A_810 = tpu.memref_slice %arg5[%dma_wait3A_807, %dma_wait3A_808, %dma_wait3A_809] : memref<2x16x128xi32, #tpu.memory_space<vmem>> -> memref<1x16x128xi32, #tpu.memory_space<vmem>>
        %dma_wait3A_811 = tpu.memref_squeeze %dma_wait3A_810 : memref<1x16x128xi32, #tpu.memory_space<vmem>> -> memref<16x128xi32, #tpu.memory_space<vmem>>
        %dma_wait3A_812 = arith.constant 0 : i32
        %dma_wait3A_813 = tpu.memref_slice %arg2[%multiple_of3A_806, %dma_wait3A_812] : memref<25600x128xi32, #tpu.memory_space<hbm>> -> memref<16x128xi32, #tpu.memory_space<hbm>>
        %dma_wait3A_814 = arith.constant 0 : i32
        %dma_wait3A_815 = arith.constant 0 : i32
        %dma_wait3A_816 = tpu.memref_slice %arg5[%dma_wait3A_807, %dma_wait3A_814, %dma_wait3A_815] : memref<2x16x128xi32, #tpu.memory_space<vmem>> -> memref<1x16x128xi32, #tpu.memory_space<vmem>>
        %dma_wait3A_817 = tpu.memref_squeeze %dma_wait3A_816 : memref<1x16x128xi32, #tpu.memory_space<vmem>> -> memref<16x128xi32, #tpu.memory_space<vmem>>
        %dma_wait3A_818 = arith.constant 0 : i32
        %dma_wait3A_819 = tpu.memref_slice %arg2[%multiple_of3A_806, %dma_wait3A_818] : memref<25600x128xi32, #tpu.memory_space<hbm>> -> memref<16x128xi32, #tpu.memory_space<hbm>>
        tpu.wait_dma2 semaphore(%arg8 : memref<!tpu.dma_semaphore, #tpu.memory_space<semaphore_mem>>) src(%dma_wait3A_819 : memref<16x128xi32, #tpu.memory_space<hbm>>) dst(%dma_wait3A_817 : memref<16x128xi32, #tpu.memory_space<vmem>>)
      } else {
      }
      %mul3A_505 = arith.constant 4 : i32
      %mul3A_506 = arith.muli %mul3A_505, %add3A_499 : i32
      %add3A_507 = arith.constant 0 : i32
      %add3A_508 = arith.addi %mul3A_506, %add3A_507 : i32
      %ge3A_509 = arith.constant 2 : i32
      %ge3A_510 = arith.cmpi sge, %add3A_508, %ge3A_509 : i32
      %convert_element_type3A_511 = arith.extui %ge3A_510 : i1 to i32
      %cond3A_512 = arith.constant 0 : i32
      %cond3A_513 = arith.cmpi ne, %convert_element_type3A_511, %cond3A_512 : i32
      scf.if %cond3A_513 {
        %sub3A_779 = arith.constant 2 : i32
        %sub3A_780 = arith.subi %add3A_508, %sub3A_779 : i32
        %mul3A_781 = arith.constant 512 : i32
        %mul3A_782 = arith.muli %sub3A_780, %mul3A_781 : i32
        %add3A_783 = arith.addi %mul3A_2, %mul3A_782 : i32
        %multiple_of3A_784 = tpu.assume_multiple %add3A_783, 512 : i32
        %dma_wait3A_785 = arith.constant 0 : i32
        %dma_wait3A_786 = arith.constant 0 : i32
        %dma_wait3A_787 = arith.constant 0 : i32
        %dma_wait3A_788 = tpu.memref_slice %arg6[%dma_wait3A_785, %dma_wait3A_786, %dma_wait3A_787] : memref<2x512x64xf32, #tpu.memory_space<vmem>> -> memref<1x512x64xf32, #tpu.memory_space<vmem>>
        %dma_wait3A_789 = tpu.memref_squeeze %dma_wait3A_788 : memref<1x512x64xf32, #tpu.memory_space<vmem>> -> memref<512x64xf32, #tpu.memory_space<vmem>>
        %dma_wait3A_790 = arith.constant 0 : i32
        %dma_wait3A_791 = tpu.memref_slice %arg4[%multiple_of3A_784, %dma_wait3A_790] : memref<3276800x128xf32, #tpu.memory_space<hbm>> -> memref<512x64xf32, #tpu.memory_space<hbm>>
        %dma_wait3A_792 = arith.constant 0 : i32
        %dma_wait3A_793 = tpu.memref_slice %arg4[%multiple_of3A_784, %dma_wait3A_792] : memref<3276800x128xf32, #tpu.memory_space<hbm>> -> memref<512x64xf32, #tpu.memory_space<hbm>>
        %dma_wait3A_794 = arith.constant 0 : i32
        %dma_wait3A_795 = arith.constant 0 : i32
        %dma_wait3A_796 = tpu.memref_slice %arg6[%dma_wait3A_785, %dma_wait3A_794, %dma_wait3A_795] : memref<2x512x64xf32, #tpu.memory_space<vmem>> -> memref<1x512x64xf32, #tpu.memory_space<vmem>>
        %dma_wait3A_797 = tpu.memref_squeeze %dma_wait3A_796 : memref<1x512x64xf32, #tpu.memory_space<vmem>> -> memref<512x64xf32, #tpu.memory_space<vmem>>
        tpu.wait_dma2 semaphore(%arg11 : memref<!tpu.dma_semaphore, #tpu.memory_space<semaphore_mem>>) src(%dma_wait3A_797 : memref<512x64xf32, #tpu.memory_space<vmem>>) dst(%dma_wait3A_793 : memref<512x64xf32, #tpu.memory_space<hbm>>)
      } else {
      }
      %dma_start3A_514 = arith.constant 1 : i32
      %dma_start3A_515 = arith.constant 0 : i32
      %dma_start3A_516 = arith.constant 0 : i32
      %dma_start3A_517 = arith.constant 0 : i32
      %dma_start3A_518 = arith.constant 0 : i32
      %dma_start3A_519 = tpu.memref_slice %arg6[%dma_start3A_516, %dma_start3A_517, %dma_start3A_518] : memref<2x512x64xf32, #tpu.memory_space<vmem>> -> memref<1x128x64xf32, #tpu.memory_space<vmem>>
      %dma_start3A_520 = tpu.memref_squeeze %dma_start3A_519 : memref<1x128x64xf32, #tpu.memory_space<vmem>> -> memref<128x64xf32, #tpu.memory_space<vmem>>
      %dma_start3A_521 = arith.constant 0 : i32
      %dma_start3A_522 = tpu.memref_slice %arg5[%dma_start3A_514, %dma_start3A_515, %dma_start3A_521] : memref<2x16x128xi32, #tpu.memory_space<vmem>> -> memref<1x1x128xi32, #tpu.memory_space<vmem>>
      %dma_start3A_523 = tpu.memref_squeeze %dma_start3A_522 : memref<1x1x128xi32, #tpu.memory_space<vmem>> -> memref<128xi32, #tpu.memory_space<vmem>>
      %dma_start3A_524 = arith.constant 0 : i32
      %dma_start3A_525 = arith.constant 0 : i32
      %dma_start3A_526 = tpu.memref_slice %arg3[%dma_start3A_524, %dma_start3A_525] : memref<1000000x64xf32, #tpu.memory_space<hbm>> -> memref<1000000x64xf32, #tpu.memory_space<hbm>>
      tpu.enqueue_indirect_dma source(%dma_start3A_526 : memref<1000000x64xf32, #tpu.memory_space<hbm>>) target(%dma_start3A_520 : memref<128x64xf32, #tpu.memory_space<vmem>>) offsets(%dma_start3A_523 : memref<128xi32, #tpu.memory_space<vmem>>) semaphore(%arg9 : memref<!tpu.dma_semaphore, #tpu.memory_space<semaphore_mem>>)
      %dma_start3A_527 = arith.constant 1 : i32
      %dma_start3A_528 = arith.constant 1 : i32
      %dma_start3A_529 = arith.constant 0 : i32
      %dma_start3A_530 = arith.constant 128 : i32
      %dma_start3A_531 = arith.constant 0 : i32
      %dma_start3A_532 = tpu.memref_slice %arg6[%dma_start3A_529, %dma_start3A_530, %dma_start3A_531] : memref<2x512x64xf32, #tpu.memory_space<vmem>> -> memref<1x128x64xf32, #tpu.memory_space<vmem>>
      %dma_start3A_533 = tpu.memref_squeeze %dma_start3A_532 : memref<1x128x64xf32, #tpu.memory_space<vmem>> -> memref<128x64xf32, #tpu.memory_space<vmem>>
      %dma_start3A_534 = arith.constant 0 : i32
      %dma_start3A_535 = tpu.memref_slice %arg5[%dma_start3A_527, %dma_start3A_528, %dma_start3A_534] : memref<2x16x128xi32, #tpu.memory_space<vmem>> -> memref<1x1x128xi32, #tpu.memory_space<vmem>>
      %dma_start3A_536 = tpu.memref_squeeze %dma_start3A_535 : memref<1x1x128xi32, #tpu.memory_space<vmem>> -> memref<128xi32, #tpu.memory_space<vmem>>
      %dma_start3A_537 = arith.constant 0 : i32
      %dma_start3A_538 = arith.constant 0 : i32
      %dma_start3A_539 = tpu.memref_slice %arg3[%dma_start3A_537, %dma_start3A_538] : memref<1000000x64xf32, #tpu.memory_space<hbm>> -> memref<1000000x64xf32, #tpu.memory_space<hbm>>
      tpu.enqueue_indirect_dma source(%dma_start3A_539 : memref<1000000x64xf32, #tpu.memory_space<hbm>>) target(%dma_start3A_533 : memref<128x64xf32, #tpu.memory_space<vmem>>) offsets(%dma_start3A_536 : memref<128xi32, #tpu.memory_space<vmem>>) semaphore(%arg9 : memref<!tpu.dma_semaphore, #tpu.memory_space<semaphore_mem>>)
      %dma_start3A_540 = arith.constant 1 : i32
      %dma_start3A_541 = arith.constant 2 : i32
      %dma_start3A_542 = arith.constant 0 : i32
      %dma_start3A_543 = arith.constant 256 : i32
      %dma_start3A_544 = arith.constant 0 : i32
      %dma_start3A_545 = tpu.memref_slice %arg6[%dma_start3A_542, %dma_start3A_543, %dma_start3A_544] : memref<2x512x64xf32, #tpu.memory_space<vmem>> -> memref<1x128x64xf32, #tpu.memory_space<vmem>>
      %dma_start3A_546 = tpu.memref_squeeze %dma_start3A_545 : memref<1x128x64xf32, #tpu.memory_space<vmem>> -> memref<128x64xf32, #tpu.memory_space<vmem>>
      %dma_start3A_547 = arith.constant 0 : i32
      %dma_start3A_548 = tpu.memref_slice %arg5[%dma_start3A_540, %dma_start3A_541, %dma_start3A_547] : memref<2x16x128xi32, #tpu.memory_space<vmem>> -> memref<1x1x128xi32, #tpu.memory_space<vmem>>
      %dma_start3A_549 = tpu.memref_squeeze %dma_start3A_548 : memref<1x1x128xi32, #tpu.memory_space<vmem>> -> memref<128xi32, #tpu.memory_space<vmem>>
      %dma_start3A_550 = arith.constant 0 : i32
      %dma_start3A_551 = arith.constant 0 : i32
      %dma_start3A_552 = tpu.memref_slice %arg3[%dma_start3A_550, %dma_start3A_551] : memref<1000000x64xf32, #tpu.memory_space<hbm>> -> memref<1000000x64xf32, #tpu.memory_space<hbm>>
      tpu.enqueue_indirect_dma source(%dma_start3A_552 : memref<1000000x64xf32, #tpu.memory_space<hbm>>) target(%dma_start3A_546 : memref<128x64xf32, #tpu.memory_space<vmem>>) offsets(%dma_start3A_549 : memref<128xi32, #tpu.memory_space<vmem>>) semaphore(%arg9 : memref<!tpu.dma_semaphore, #tpu.memory_space<semaphore_mem>>)
      %dma_start3A_553 = arith.constant 1 : i32
      %dma_start3A_554 = arith.constant 3 : i32
      %dma_start3A_555 = arith.constant 0 : i32
      %dma_start3A_556 = arith.constant 384 : i32
      %dma_start3A_557 = arith.constant 0 : i32
      %dma_start3A_558 = tpu.memref_slice %arg6[%dma_start3A_555, %dma_start3A_556, %dma_start3A_557] : memref<2x512x64xf32, #tpu.memory_space<vmem>> -> memref<1x128x64xf32, #tpu.memory_space<vmem>>
      %dma_start3A_559 = tpu.memref_squeeze %dma_start3A_558 : memref<1x128x64xf32, #tpu.memory_space<vmem>> -> memref<128x64xf32, #tpu.memory_space<vmem>>
      %dma_start3A_560 = arith.constant 0 : i32
      %dma_start3A_561 = tpu.memref_slice %arg5[%dma_start3A_553, %dma_start3A_554, %dma_start3A_560] : memref<2x16x128xi32, #tpu.memory_space<vmem>> -> memref<1x1x128xi32, #tpu.memory_space<vmem>>
      %dma_start3A_562 = tpu.memref_squeeze %dma_start3A_561 : memref<1x1x128xi32, #tpu.memory_space<vmem>> -> memref<128xi32, #tpu.memory_space<vmem>>
      %dma_start3A_563 = arith.constant 0 : i32
      %dma_start3A_564 = arith.constant 0 : i32
      %dma_start3A_565 = tpu.memref_slice %arg3[%dma_start3A_563, %dma_start3A_564] : memref<1000000x64xf32, #tpu.memory_space<hbm>> -> memref<1000000x64xf32, #tpu.memory_space<hbm>>
      tpu.enqueue_indirect_dma source(%dma_start3A_565 : memref<1000000x64xf32, #tpu.memory_space<hbm>>) target(%dma_start3A_559 : memref<128x64xf32, #tpu.memory_space<vmem>>) offsets(%dma_start3A_562 : memref<128xi32, #tpu.memory_space<vmem>>) semaphore(%arg9 : memref<!tpu.dma_semaphore, #tpu.memory_space<semaphore_mem>>)
      %ge3A_566 = arith.constant 1 : i32
      %ge3A_567 = arith.cmpi sge, %add3A_508, %ge3A_566 : i32
      %convert_element_type3A_568 = arith.extui %ge3A_567 : i1 to i32
      %cond3A_569 = arith.constant 0 : i32
      %cond3A_570 = arith.cmpi ne, %convert_element_type3A_568, %cond3A_569 : i32
      scf.if %cond3A_570 {
        %dma_wait3A_779 = arith.constant 0 : i32
        %dma_wait3A_780 = arith.constant 12 : i32
        %dma_wait3A_781 = arith.constant 1 : i32
        %dma_wait3A_782 = arith.constant 0 : i32
        %dma_wait3A_783 = arith.constant 0 : i32
        %dma_wait3A_784 = tpu.memref_slice %arg6[%dma_wait3A_781, %dma_wait3A_782, %dma_wait3A_783] : memref<2x512x64xf32, #tpu.memory_space<vmem>> -> memref<1x128x64xf32, #tpu.memory_space<vmem>>
        %dma_wait3A_785 = tpu.memref_squeeze %dma_wait3A_784 : memref<1x128x64xf32, #tpu.memory_space<vmem>> -> memref<128x64xf32, #tpu.memory_space<vmem>>
        %dma_wait3A_786 = arith.constant 0 : i32
        %dma_wait3A_787 = tpu.memref_slice %arg5[%dma_wait3A_779, %dma_wait3A_780, %dma_wait3A_786] : memref<2x16x128xi32, #tpu.memory_space<vmem>> -> memref<1x1x128xi32, #tpu.memory_space<vmem>>
        %dma_wait3A_788 = tpu.memref_squeeze %dma_wait3A_787 : memref<1x1x128xi32, #tpu.memory_space<vmem>> -> memref<128xi32, #tpu.memory_space<vmem>>
        %dma_wait3A_789 = arith.constant 0 : i32
        %dma_wait3A_790 = arith.constant 0 : i32
        %dma_wait3A_791 = tpu.memref_slice %arg3[%dma_wait3A_789, %dma_wait3A_790] : memref<1000000x64xf32, #tpu.memory_space<hbm>> -> memref<1000000x64xf32, #tpu.memory_space<hbm>>
        tpu.wait_indirect_dma semaphore(%arg10 : memref<!tpu.dma_semaphore, #tpu.memory_space<semaphore_mem>>) src(%dma_wait3A_791 : memref<1000000x64xf32, #tpu.memory_space<hbm>>) dst(%dma_wait3A_785 : memref<128x64xf32, #tpu.memory_space<vmem>>)
        %dma_wait3A_792 = arith.constant 0 : i32
        %dma_wait3A_793 = arith.constant 13 : i32
        %dma_wait3A_794 = arith.constant 1 : i32
        %dma_wait3A_795 = arith.constant 128 : i32
        %dma_wait3A_796 = arith.constant 0 : i32
        %dma_wait3A_797 = tpu.memref_slice %arg6[%dma_wait3A_794, %dma_wait3A_795, %dma_wait3A_796] : memref<2x512x64xf32, #tpu.memory_space<vmem>> -> memref<1x128x64xf32, #tpu.memory_space<vmem>>
        %dma_wait3A_798 = tpu.memref_squeeze %dma_wait3A_797 : memref<1x128x64xf32, #tpu.memory_space<vmem>> -> memref<128x64xf32, #tpu.memory_space<vmem>>
        %dma_wait3A_799 = arith.constant 0 : i32
        %dma_wait3A_800 = tpu.memref_slice %arg5[%dma_wait3A_792, %dma_wait3A_793, %dma_wait3A_799] : memref<2x16x128xi32, #tpu.memory_space<vmem>> -> memref<1x1x128xi32, #tpu.memory_space<vmem>>
        %dma_wait3A_801 = tpu.memref_squeeze %dma_wait3A_800 : memref<1x1x128xi32, #tpu.memory_space<vmem>> -> memref<128xi32, #tpu.memory_space<vmem>>
        %dma_wait3A_802 = arith.constant 0 : i32
        %dma_wait3A_803 = arith.constant 0 : i32
        %dma_wait3A_804 = tpu.memref_slice %arg3[%dma_wait3A_802, %dma_wait3A_803] : memref<1000000x64xf32, #tpu.memory_space<hbm>> -> memref<1000000x64xf32, #tpu.memory_space<hbm>>
        tpu.wait_indirect_dma semaphore(%arg10 : memref<!tpu.dma_semaphore, #tpu.memory_space<semaphore_mem>>) src(%dma_wait3A_804 : memref<1000000x64xf32, #tpu.memory_space<hbm>>) dst(%dma_wait3A_798 : memref<128x64xf32, #tpu.memory_space<vmem>>)
        %dma_wait3A_805 = arith.constant 0 : i32
        %dma_wait3A_806 = arith.constant 14 : i32
        %dma_wait3A_807 = arith.constant 1 : i32
        %dma_wait3A_808 = arith.constant 256 : i32
        %dma_wait3A_809 = arith.constant 0 : i32
        %dma_wait3A_810 = tpu.memref_slice %arg6[%dma_wait3A_807, %dma_wait3A_808, %dma_wait3A_809] : memref<2x512x64xf32, #tpu.memory_space<vmem>> -> memref<1x128x64xf32, #tpu.memory_space<vmem>>
        %dma_wait3A_811 = tpu.memref_squeeze %dma_wait3A_810 : memref<1x128x64xf32, #tpu.memory_space<vmem>> -> memref<128x64xf32, #tpu.memory_space<vmem>>
        %dma_wait3A_812 = arith.constant 0 : i32
        %dma_wait3A_813 = tpu.memref_slice %arg5[%dma_wait3A_805, %dma_wait3A_806, %dma_wait3A_812] : memref<2x16x128xi32, #tpu.memory_space<vmem>> -> memref<1x1x128xi32, #tpu.memory_space<vmem>>
        %dma_wait3A_814 = tpu.memref_squeeze %dma_wait3A_813 : memref<1x1x128xi32, #tpu.memory_space<vmem>> -> memref<128xi32, #tpu.memory_space<vmem>>
        %dma_wait3A_815 = arith.constant 0 : i32
        %dma_wait3A_816 = arith.constant 0 : i32
        %dma_wait3A_817 = tpu.memref_slice %arg3[%dma_wait3A_815, %dma_wait3A_816] : memref<1000000x64xf32, #tpu.memory_space<hbm>> -> memref<1000000x64xf32, #tpu.memory_space<hbm>>
        tpu.wait_indirect_dma semaphore(%arg10 : memref<!tpu.dma_semaphore, #tpu.memory_space<semaphore_mem>>) src(%dma_wait3A_817 : memref<1000000x64xf32, #tpu.memory_space<hbm>>) dst(%dma_wait3A_811 : memref<128x64xf32, #tpu.memory_space<vmem>>)
        %dma_wait3A_818 = arith.constant 0 : i32
        %dma_wait3A_819 = arith.constant 15 : i32
        %dma_wait3A_820 = arith.constant 1 : i32
        %dma_wait3A_821 = arith.constant 384 : i32
        %dma_wait3A_822 = arith.constant 0 : i32
        %dma_wait3A_823 = tpu.memref_slice %arg6[%dma_wait3A_820, %dma_wait3A_821, %dma_wait3A_822] : memref<2x512x64xf32, #tpu.memory_space<vmem>> -> memref<1x128x64xf32, #tpu.memory_space<vmem>>
        %dma_wait3A_824 = tpu.memref_squeeze %dma_wait3A_823 : memref<1x128x64xf32, #tpu.memory_space<vmem>> -> memref<128x64xf32, #tpu.memory_space<vmem>>
        %dma_wait3A_825 = arith.constant 0 : i32
        %dma_wait3A_826 = tpu.memref_slice %arg5[%dma_wait3A_818, %dma_wait3A_819, %dma_wait3A_825] : memref<2x16x128xi32, #tpu.memory_space<vmem>> -> memref<1x1x128xi32, #tpu.memory_space<vmem>>
        %dma_wait3A_827 = tpu.memref_squeeze %dma_wait3A_826 : memref<1x1x128xi32, #tpu.memory_space<vmem>> -> memref<128xi32, #tpu.memory_space<vmem>>
        %dma_wait3A_828 = arith.constant 0 : i32
        %dma_wait3A_829 = arith.constant 0 : i32
        %dma_wait3A_830 = tpu.memref_slice %arg3[%dma_wait3A_828, %dma_wait3A_829] : memref<1000000x64xf32, #tpu.memory_space<hbm>> -> memref<1000000x64xf32, #tpu.memory_space<hbm>>
        tpu.wait_indirect_dma semaphore(%arg10 : memref<!tpu.dma_semaphore, #tpu.memory_space<semaphore_mem>>) src(%dma_wait3A_830 : memref<1000000x64xf32, #tpu.memory_space<hbm>>) dst(%dma_wait3A_824 : memref<128x64xf32, #tpu.memory_space<vmem>>)
        %sub3A_831 = arith.constant 1 : i32
        %sub3A_832 = arith.subi %add3A_508, %sub3A_831 : i32
        %mul3A_833 = arith.constant 512 : i32
        %mul3A_834 = arith.muli %sub3A_832, %mul3A_833 : i32
        %add3A_835 = arith.addi %mul3A_2, %mul3A_834 : i32
        %multiple_of3A_836 = tpu.assume_multiple %add3A_835, 512 : i32
        %dma_start3A_837 = arith.constant 1 : i32
        %dma_start3A_838 = arith.constant 0 : i32
        %dma_start3A_839 = arith.constant 0 : i32
        %dma_start3A_840 = tpu.memref_slice %arg6[%dma_start3A_837, %dma_start3A_838, %dma_start3A_839] : memref<2x512x64xf32, #tpu.memory_space<vmem>> -> memref<1x512x64xf32, #tpu.memory_space<vmem>>
        %dma_start3A_841 = tpu.memref_squeeze %dma_start3A_840 : memref<1x512x64xf32, #tpu.memory_space<vmem>> -> memref<512x64xf32, #tpu.memory_space<vmem>>
        %dma_start3A_842 = arith.constant 0 : i32
        %dma_start3A_843 = tpu.memref_slice %arg4[%multiple_of3A_836, %dma_start3A_842] : memref<3276800x128xf32, #tpu.memory_space<hbm>> -> memref<512x64xf32, #tpu.memory_space<hbm>>
        %dma_start3A_844 = arith.constant 0 : i32
        %dma_start3A_845 = tpu.memref_slice %arg4[%multiple_of3A_836, %dma_start3A_844] : memref<3276800x128xf32, #tpu.memory_space<hbm>> -> memref<512x64xf32, #tpu.memory_space<hbm>>
        %dma_start3A_846 = arith.constant 0 : i32
        %dma_start3A_847 = arith.constant 0 : i32
        %dma_start3A_848 = tpu.memref_slice %arg6[%dma_start3A_837, %dma_start3A_846, %dma_start3A_847] : memref<2x512x64xf32, #tpu.memory_space<vmem>> -> memref<1x512x64xf32, #tpu.memory_space<vmem>>
        %dma_start3A_849 = tpu.memref_squeeze %dma_start3A_848 : memref<1x512x64xf32, #tpu.memory_space<vmem>> -> memref<512x64xf32, #tpu.memory_space<vmem>>
        tpu.enqueue_dma source(%dma_start3A_849 : memref<512x64xf32, #tpu.memory_space<vmem>>) target(%dma_start3A_845 : memref<512x64xf32, #tpu.memory_space<hbm>>) target_semaphore(%arg12 : memref<!tpu.dma_semaphore, #tpu.memory_space<semaphore_mem>>)
      } else {
      }
      %ge3A_571 = arith.constant 1 : i32
      %ge3A_572 = arith.cmpi sge, %add3A_499, %ge3A_571 : i32
      %add3A_573 = arith.constant 1 : i32
      %add3A_574 = arith.addi %add3A_499, %add3A_573 : i32
      %lt3A_575 = arith.constant 50 : i32
      %lt3A_576 = arith.cmpi slt, %add3A_574, %lt3A_575 : i32
      %and3A_577 = arith.andi %ge3A_572, %lt3A_576 : i1
      %convert_element_type3A_578 = arith.extui %and3A_577 : i1 to i32
      %cond3A_579 = arith.constant 0 : i32
      %cond3A_580 = arith.cmpi ne, %convert_element_type3A_578, %cond3A_579 : i32
      scf.if %cond3A_580 {
        %add3A_779 = arith.constant 1 : i32
        %add3A_780 = arith.addi %add3A_499, %add3A_779 : i32
        %mul3A_781 = arith.constant 2048 : i32
        %mul3A_782 = arith.muli %add3A_780, %mul3A_781 : i32
        %add3A_783 = arith.addi %mul3A_2, %mul3A_782 : i32
        %jit3A_784 = arith.constant 128 : i32
        %div3A_785 = arith.divsi %add3A_783, %jit3A_784 : i32
        %sign3A_786 = arith.constant 0 : i32
        %sign3A_787 = arith.cmpi sgt, %add3A_783, %sign3A_786 : i32
        %sign3A_788 = arith.extui %sign3A_787 : i1 to i32
        %sign3A_789 = arith.constant 0 : i32
        %sign3A_790 = arith.cmpi slt, %add3A_783, %sign3A_789 : i32
        %sign3A_791 = arith.extui %sign3A_790 : i1 to i32
        %sign3A_792 = arith.subi %sign3A_788, %sign3A_791 : i32
        %sign3A_793 = arith.constant 0 : i32
        %sign3A_794 = arith.cmpi sgt, %jit3A_784, %sign3A_793 : i32
        %sign3A_795 = arith.extui %sign3A_794 : i1 to i32
        %sign3A_796 = arith.constant 0 : i32
        %sign3A_797 = arith.cmpi slt, %jit3A_784, %sign3A_796 : i32
        %sign3A_798 = arith.extui %sign3A_797 : i1 to i32
        %sign3A_799 = arith.subi %sign3A_795, %sign3A_798 : i32
        %ne3A_800 = arith.cmpi ne, %sign3A_792, %sign3A_799 : i32
        %rem3A_801 = arith.remsi %add3A_783, %jit3A_784 : i32
        %ne3A_802 = arith.constant 0 : i32
        %ne3A_803 = arith.cmpi ne, %rem3A_801, %ne3A_802 : i32
        %and3A_804 = arith.andi %ne3A_800, %ne3A_803 : i1
        %sub3A_805 = arith.constant 1 : i32
        %sub3A_806 = arith.subi %div3A_785, %sub3A_805 : i32
        %select_n3A_807 = arith.select %and3A_804, %sub3A_806, %div3A_785 : i32
        %multiple_of3A_808 = tpu.assume_multiple %select_n3A_807, 8 : i32
        %dma_start3A_809 = arith.constant 0 : i32
        %dma_start3A_810 = arith.constant 0 : i32
        %dma_start3A_811 = arith.constant 0 : i32
        %dma_start3A_812 = tpu.memref_slice %arg5[%dma_start3A_809, %dma_start3A_810, %dma_start3A_811] : memref<2x16x128xi32, #tpu.memory_space<vmem>> -> memref<1x16x128xi32, #tpu.memory_space<vmem>>
        %dma_start3A_813 = tpu.memref_squeeze %dma_start3A_812 : memref<1x16x128xi32, #tpu.memory_space<vmem>> -> memref<16x128xi32, #tpu.memory_space<vmem>>
        %dma_start3A_814 = arith.constant 0 : i32
        %dma_start3A_815 = tpu.memref_slice %arg2[%multiple_of3A_808, %dma_start3A_814] : memref<25600x128xi32, #tpu.memory_space<hbm>> -> memref<16x128xi32, #tpu.memory_space<hbm>>
        %dma_start3A_816 = arith.constant 0 : i32
        %dma_start3A_817 = arith.constant 0 : i32
        %dma_start3A_818 = tpu.memref_slice %arg5[%dma_start3A_809, %dma_start3A_816, %dma_start3A_817] : memref<2x16x128xi32, #tpu.memory_space<vmem>> -> memref<1x16x128xi32, #tpu.memory_space<vmem>>
        %dma_start3A_819 = tpu.memref_squeeze %dma_start3A_818 : memref<1x16x128xi32, #tpu.memory_space<vmem>> -> memref<16x128xi32, #tpu.memory_space<vmem>>
        %dma_start3A_820 = arith.constant 0 : i32
        %dma_start3A_821 = tpu.memref_slice %arg2[%multiple_of3A_808, %dma_start3A_820] : memref<25600x128xi32, #tpu.memory_space<hbm>> -> memref<16x128xi32, #tpu.memory_space<hbm>>
        tpu.enqueue_dma source(%dma_start3A_821 : memref<16x128xi32, #tpu.memory_space<hbm>>) target(%dma_start3A_819 : memref<16x128xi32, #tpu.memory_space<vmem>>) target_semaphore(%arg7 : memref<!tpu.dma_semaphore, #tpu.memory_space<semaphore_mem>>)
      } else {
      }
      %mul3A_581 = arith.constant 4 : i32
      %mul3A_582 = arith.muli %mul3A_581, %add3A_499 : i32
      %add3A_583 = arith.constant 1 : i32
      %add3A_584 = arith.addi %mul3A_582, %add3A_583 : i32
      %ge3A_585 = arith.constant 2 : i32
      %ge3A_586 = arith.cmpi sge, %add3A_584, %ge3A_585 : i32
      %convert_element_type3A_587 = arith.extui %ge3A_586 : i1 to i32
      %cond3A_588 = arith.constant 0 : i32
      %cond3A_589 = arith.cmpi ne, %convert_element_type3A_587, %cond3A_588 : i32
      scf.if %cond3A_589 {
        %sub3A_779 = arith.constant 2 : i32
        %sub3A_780 = arith.subi %add3A_584, %sub3A_779 : i32
        %mul3A_781 = arith.constant 512 : i32
        %mul3A_782 = arith.muli %sub3A_780, %mul3A_781 : i32
        %add3A_783 = arith.addi %mul3A_2, %mul3A_782 : i32
        %multiple_of3A_784 = tpu.assume_multiple %add3A_783, 512 : i32
        %dma_wait3A_785 = arith.constant 1 : i32
        %dma_wait3A_786 = arith.constant 0 : i32
        %dma_wait3A_787 = arith.constant 0 : i32
        %dma_wait3A_788 = tpu.memref_slice %arg6[%dma_wait3A_785, %dma_wait3A_786, %dma_wait3A_787] : memref<2x512x64xf32, #tpu.memory_space<vmem>> -> memref<1x512x64xf32, #tpu.memory_space<vmem>>
        %dma_wait3A_789 = tpu.memref_squeeze %dma_wait3A_788 : memref<1x512x64xf32, #tpu.memory_space<vmem>> -> memref<512x64xf32, #tpu.memory_space<vmem>>
        %dma_wait3A_790 = arith.constant 0 : i32
        %dma_wait3A_791 = tpu.memref_slice %arg4[%multiple_of3A_784, %dma_wait3A_790] : memref<3276800x128xf32, #tpu.memory_space<hbm>> -> memref<512x64xf32, #tpu.memory_space<hbm>>
        %dma_wait3A_792 = arith.constant 0 : i32
        %dma_wait3A_793 = tpu.memref_slice %arg4[%multiple_of3A_784, %dma_wait3A_792] : memref<3276800x128xf32, #tpu.memory_space<hbm>> -> memref<512x64xf32, #tpu.memory_space<hbm>>
        %dma_wait3A_794 = arith.constant 0 : i32
        %dma_wait3A_795 = arith.constant 0 : i32
        %dma_wait3A_796 = tpu.memref_slice %arg6[%dma_wait3A_785, %dma_wait3A_794, %dma_wait3A_795] : memref<2x512x64xf32, #tpu.memory_space<vmem>> -> memref<1x512x64xf32, #tpu.memory_space<vmem>>
        %dma_wait3A_797 = tpu.memref_squeeze %dma_wait3A_796 : memref<1x512x64xf32, #tpu.memory_space<vmem>> -> memref<512x64xf32, #tpu.memory_space<vmem>>
        tpu.wait_dma2 semaphore(%arg12 : memref<!tpu.dma_semaphore, #tpu.memory_space<semaphore_mem>>) src(%dma_wait3A_797 : memref<512x64xf32, #tpu.memory_space<vmem>>) dst(%dma_wait3A_793 : memref<512x64xf32, #tpu.memory_space<hbm>>)
      } else {
      }
      %dma_start3A_590 = arith.constant 1 : i32
      %dma_start3A_591 = arith.constant 4 : i32
      %dma_start3A_592 = arith.constant 1 : i32
      %dma_start3A_593 = arith.constant 0 : i32
      %dma_start3A_594 = arith.constant 0 : i32
      %dma_start3A_595 = tpu.memref_slice %arg6[%dma_start3A_592, %dma_start3A_593, %dma_start3A_594] : memref<2x512x64xf32, #tpu.memory_space<vmem>> -> memref<1x128x64xf32, #tpu.memory_space<vmem>>
      %dma_start3A_596 = tpu.memref_squeeze %dma_start3A_595 : memref<1x128x64xf32, #tpu.memory_space<vmem>> -> memref<128x64xf32, #tpu.memory_space<vmem>>
      %dma_start3A_597 = arith.constant 0 : i32
      %dma_start3A_598 = tpu.memref_slice %arg5[%dma_start3A_590, %dma_start3A_591, %dma_start3A_597] : memref<2x16x128xi32, #tpu.memory_space<vmem>> -> memref<1x1x128xi32, #tpu.memory_space<vmem>>
      %dma_start3A_599 = tpu.memref_squeeze %dma_start3A_598 : memref<1x1x128xi32, #tpu.memory_space<vmem>> -> memref<128xi32, #tpu.memory_space<vmem>>
      %dma_start3A_600 = arith.constant 0 : i32
      %dma_start3A_601 = arith.constant 0 : i32
      %dma_start3A_602 = tpu.memref_slice %arg3[%dma_start3A_600, %dma_start3A_601] : memref<1000000x64xf32, #tpu.memory_space<hbm>> -> memref<1000000x64xf32, #tpu.memory_space<hbm>>
      tpu.enqueue_indirect_dma source(%dma_start3A_602 : memref<1000000x64xf32, #tpu.memory_space<hbm>>) target(%dma_start3A_596 : memref<128x64xf32, #tpu.memory_space<vmem>>) offsets(%dma_start3A_599 : memref<128xi32, #tpu.memory_space<vmem>>) semaphore(%arg10 : memref<!tpu.dma_semaphore, #tpu.memory_space<semaphore_mem>>)
      %dma_start3A_603 = arith.constant 1 : i32
      %dma_start3A_604 = arith.constant 5 : i32
      %dma_start3A_605 = arith.constant 1 : i32
      %dma_start3A_606 = arith.constant 128 : i32
      %dma_start3A_607 = arith.constant 0 : i32
      %dma_start3A_608 = tpu.memref_slice %arg6[%dma_start3A_605, %dma_start3A_606, %dma_start3A_607] : memref<2x512x64xf32, #tpu.memory_space<vmem>> -> memref<1x128x64xf32, #tpu.memory_space<vmem>>
      %dma_start3A_609 = tpu.memref_squeeze %dma_start3A_608 : memref<1x128x64xf32, #tpu.memory_space<vmem>> -> memref<128x64xf32, #tpu.memory_space<vmem>>
      %dma_start3A_610 = arith.constant 0 : i32
      %dma_start3A_611 = tpu.memref_slice %arg5[%dma_start3A_603, %dma_start3A_604, %dma_start3A_610] : memref<2x16x128xi32, #tpu.memory_space<vmem>> -> memref<1x1x128xi32, #tpu.memory_space<vmem>>
      %dma_start3A_612 = tpu.memref_squeeze %dma_start3A_611 : memref<1x1x128xi32, #tpu.memory_space<vmem>> -> memref<128xi32, #tpu.memory_space<vmem>>
      %dma_start3A_613 = arith.constant 0 : i32
      %dma_start3A_614 = arith.constant 0 : i32
      %dma_start3A_615 = tpu.memref_slice %arg3[%dma_start3A_613, %dma_start3A_614] : memref<1000000x64xf32, #tpu.memory_space<hbm>> -> memref<1000000x64xf32, #tpu.memory_space<hbm>>
      tpu.enqueue_indirect_dma source(%dma_start3A_615 : memref<1000000x64xf32, #tpu.memory_space<hbm>>) target(%dma_start3A_609 : memref<128x64xf32, #tpu.memory_space<vmem>>) offsets(%dma_start3A_612 : memref<128xi32, #tpu.memory_space<vmem>>) semaphore(%arg10 : memref<!tpu.dma_semaphore, #tpu.memory_space<semaphore_mem>>)
      %dma_start3A_616 = arith.constant 1 : i32
      %dma_start3A_617 = arith.constant 6 : i32
      %dma_start3A_618 = arith.constant 1 : i32
      %dma_start3A_619 = arith.constant 256 : i32
      %dma_start3A_620 = arith.constant 0 : i32
      %dma_start3A_621 = tpu.memref_slice %arg6[%dma_start3A_618, %dma_start3A_619, %dma_start3A_620] : memref<2x512x64xf32, #tpu.memory_space<vmem>> -> memref<1x128x64xf32, #tpu.memory_space<vmem>>
      %dma_start3A_622 = tpu.memref_squeeze %dma_start3A_621 : memref<1x128x64xf32, #tpu.memory_space<vmem>> -> memref<128x64xf32, #tpu.memory_space<vmem>>
      %dma_start3A_623 = arith.constant 0 : i32
      %dma_start3A_624 = tpu.memref_slice %arg5[%dma_start3A_616, %dma_start3A_617, %dma_start3A_623] : memref<2x16x128xi32, #tpu.memory_space<vmem>> -> memref<1x1x128xi32, #tpu.memory_space<vmem>>
      %dma_start3A_625 = tpu.memref_squeeze %dma_start3A_624 : memref<1x1x128xi32, #tpu.memory_space<vmem>> -> memref<128xi32, #tpu.memory_space<vmem>>
      %dma_start3A_626 = arith.constant 0 : i32
      %dma_start3A_627 = arith.constant 0 : i32
      %dma_start3A_628 = tpu.memref_slice %arg3[%dma_start3A_626, %dma_start3A_627] : memref<1000000x64xf32, #tpu.memory_space<hbm>> -> memref<1000000x64xf32, #tpu.memory_space<hbm>>
      tpu.enqueue_indirect_dma source(%dma_start3A_628 : memref<1000000x64xf32, #tpu.memory_space<hbm>>) target(%dma_start3A_622 : memref<128x64xf32, #tpu.memory_space<vmem>>) offsets(%dma_start3A_625 : memref<128xi32, #tpu.memory_space<vmem>>) semaphore(%arg10 : memref<!tpu.dma_semaphore, #tpu.memory_space<semaphore_mem>>)
      %dma_start3A_629 = arith.constant 1 : i32
      %dma_start3A_630 = arith.constant 7 : i32
      %dma_start3A_631 = arith.constant 1 : i32
      %dma_start3A_632 = arith.constant 384 : i32
      %dma_start3A_633 = arith.constant 0 : i32
      %dma_start3A_634 = tpu.memref_slice %arg6[%dma_start3A_631, %dma_start3A_632, %dma_start3A_633] : memref<2x512x64xf32, #tpu.memory_space<vmem>> -> memref<1x128x64xf32, #tpu.memory_space<vmem>>
      %dma_start3A_635 = tpu.memref_squeeze %dma_start3A_634 : memref<1x128x64xf32, #tpu.memory_space<vmem>> -> memref<128x64xf32, #tpu.memory_space<vmem>>
      %dma_start3A_636 = arith.constant 0 : i32
      %dma_start3A_637 = tpu.memref_slice %arg5[%dma_start3A_629, %dma_start3A_630, %dma_start3A_636] : memref<2x16x128xi32, #tpu.memory_space<vmem>> -> memref<1x1x128xi32, #tpu.memory_space<vmem>>
      %dma_start3A_638 = tpu.memref_squeeze %dma_start3A_637 : memref<1x1x128xi32, #tpu.memory_space<vmem>> -> memref<128xi32, #tpu.memory_space<vmem>>
      %dma_start3A_639 = arith.constant 0 : i32
      %dma_start3A_640 = arith.constant 0 : i32
      %dma_start3A_641 = tpu.memref_slice %arg3[%dma_start3A_639, %dma_start3A_640] : memref<1000000x64xf32, #tpu.memory_space<hbm>> -> memref<1000000x64xf32, #tpu.memory_space<hbm>>
      tpu.enqueue_indirect_dma source(%dma_start3A_641 : memref<1000000x64xf32, #tpu.memory_space<hbm>>) target(%dma_start3A_635 : memref<128x64xf32, #tpu.memory_space<vmem>>) offsets(%dma_start3A_638 : memref<128xi32, #tpu.memory_space<vmem>>) semaphore(%arg10 : memref<!tpu.dma_semaphore, #tpu.memory_space<semaphore_mem>>)
      %ge3A_642 = arith.constant 1 : i32
      %ge3A_643 = arith.cmpi sge, %add3A_584, %ge3A_642 : i32
      %convert_element_type3A_644 = arith.extui %ge3A_643 : i1 to i32
      %cond3A_645 = arith.constant 0 : i32
      %cond3A_646 = arith.cmpi ne, %convert_element_type3A_644, %cond3A_645 : i32
      scf.if %cond3A_646 {
        %dma_wait3A_779 = arith.constant 1 : i32
        %dma_wait3A_780 = arith.constant 0 : i32
        %dma_wait3A_781 = arith.constant 0 : i32
        %dma_wait3A_782 = arith.constant 0 : i32
        %dma_wait3A_783 = arith.constant 0 : i32
        %dma_wait3A_784 = tpu.memref_slice %arg6[%dma_wait3A_781, %dma_wait3A_782, %dma_wait3A_783] : memref<2x512x64xf32, #tpu.memory_space<vmem>> -> memref<1x128x64xf32, #tpu.memory_space<vmem>>
        %dma_wait3A_785 = tpu.memref_squeeze %dma_wait3A_784 : memref<1x128x64xf32, #tpu.memory_space<vmem>> -> memref<128x64xf32, #tpu.memory_space<vmem>>
        %dma_wait3A_786 = arith.constant 0 : i32
        %dma_wait3A_787 = tpu.memref_slice %arg5[%dma_wait3A_779, %dma_wait3A_780, %dma_wait3A_786] : memref<2x16x128xi32, #tpu.memory_space<vmem>> -> memref<1x1x128xi32, #tpu.memory_space<vmem>>
        %dma_wait3A_788 = tpu.memref_squeeze %dma_wait3A_787 : memref<1x1x128xi32, #tpu.memory_space<vmem>> -> memref<128xi32, #tpu.memory_space<vmem>>
        %dma_wait3A_789 = arith.constant 0 : i32
        %dma_wait3A_790 = arith.constant 0 : i32
        %dma_wait3A_791 = tpu.memref_slice %arg3[%dma_wait3A_789, %dma_wait3A_790] : memref<1000000x64xf32, #tpu.memory_space<hbm>> -> memref<1000000x64xf32, #tpu.memory_space<hbm>>
        tpu.wait_indirect_dma semaphore(%arg9 : memref<!tpu.dma_semaphore, #tpu.memory_space<semaphore_mem>>) src(%dma_wait3A_791 : memref<1000000x64xf32, #tpu.memory_space<hbm>>) dst(%dma_wait3A_785 : memref<128x64xf32, #tpu.memory_space<vmem>>)
        %dma_wait3A_792 = arith.constant 1 : i32
        %dma_wait3A_793 = arith.constant 1 : i32
        %dma_wait3A_794 = arith.constant 0 : i32
        %dma_wait3A_795 = arith.constant 128 : i32
        %dma_wait3A_796 = arith.constant 0 : i32
        %dma_wait3A_797 = tpu.memref_slice %arg6[%dma_wait3A_794, %dma_wait3A_795, %dma_wait3A_796] : memref<2x512x64xf32, #tpu.memory_space<vmem>> -> memref<1x128x64xf32, #tpu.memory_space<vmem>>
        %dma_wait3A_798 = tpu.memref_squeeze %dma_wait3A_797 : memref<1x128x64xf32, #tpu.memory_space<vmem>> -> memref<128x64xf32, #tpu.memory_space<vmem>>
        %dma_wait3A_799 = arith.constant 0 : i32
        %dma_wait3A_800 = tpu.memref_slice %arg5[%dma_wait3A_792, %dma_wait3A_793, %dma_wait3A_799] : memref<2x16x128xi32, #tpu.memory_space<vmem>> -> memref<1x1x128xi32, #tpu.memory_space<vmem>>
        %dma_wait3A_801 = tpu.memref_squeeze %dma_wait3A_800 : memref<1x1x128xi32, #tpu.memory_space<vmem>> -> memref<128xi32, #tpu.memory_space<vmem>>
        %dma_wait3A_802 = arith.constant 0 : i32
        %dma_wait3A_803 = arith.constant 0 : i32
        %dma_wait3A_804 = tpu.memref_slice %arg3[%dma_wait3A_802, %dma_wait3A_803] : memref<1000000x64xf32, #tpu.memory_space<hbm>> -> memref<1000000x64xf32, #tpu.memory_space<hbm>>
        tpu.wait_indirect_dma semaphore(%arg9 : memref<!tpu.dma_semaphore, #tpu.memory_space<semaphore_mem>>) src(%dma_wait3A_804 : memref<1000000x64xf32, #tpu.memory_space<hbm>>) dst(%dma_wait3A_798 : memref<128x64xf32, #tpu.memory_space<vmem>>)
        %dma_wait3A_805 = arith.constant 1 : i32
        %dma_wait3A_806 = arith.constant 2 : i32
        %dma_wait3A_807 = arith.constant 0 : i32
        %dma_wait3A_808 = arith.constant 256 : i32
        %dma_wait3A_809 = arith.constant 0 : i32
        %dma_wait3A_810 = tpu.memref_slice %arg6[%dma_wait3A_807, %dma_wait3A_808, %dma_wait3A_809] : memref<2x512x64xf32, #tpu.memory_space<vmem>> -> memref<1x128x64xf32, #tpu.memory_space<vmem>>
        %dma_wait3A_811 = tpu.memref_squeeze %dma_wait3A_810 : memref<1x128x64xf32, #tpu.memory_space<vmem>> -> memref<128x64xf32, #tpu.memory_space<vmem>>
        %dma_wait3A_812 = arith.constant 0 : i32
        %dma_wait3A_813 = tpu.memref_slice %arg5[%dma_wait3A_805, %dma_wait3A_806, %dma_wait3A_812] : memref<2x16x128xi32, #tpu.memory_space<vmem>> -> memref<1x1x128xi32, #tpu.memory_space<vmem>>
        %dma_wait3A_814 = tpu.memref_squeeze %dma_wait3A_813 : memref<1x1x128xi32, #tpu.memory_space<vmem>> -> memref<128xi32, #tpu.memory_space<vmem>>
        %dma_wait3A_815 = arith.constant 0 : i32
        %dma_wait3A_816 = arith.constant 0 : i32
        %dma_wait3A_817 = tpu.memref_slice %arg3[%dma_wait3A_815, %dma_wait3A_816] : memref<1000000x64xf32, #tpu.memory_space<hbm>> -> memref<1000000x64xf32, #tpu.memory_space<hbm>>
        tpu.wait_indirect_dma semaphore(%arg9 : memref<!tpu.dma_semaphore, #tpu.memory_space<semaphore_mem>>) src(%dma_wait3A_817 : memref<1000000x64xf32, #tpu.memory_space<hbm>>) dst(%dma_wait3A_811 : memref<128x64xf32, #tpu.memory_space<vmem>>)
        %dma_wait3A_818 = arith.constant 1 : i32
        %dma_wait3A_819 = arith.constant 3 : i32
        %dma_wait3A_820 = arith.constant 0 : i32
        %dma_wait3A_821 = arith.constant 384 : i32
        %dma_wait3A_822 = arith.constant 0 : i32
        %dma_wait3A_823 = tpu.memref_slice %arg6[%dma_wait3A_820, %dma_wait3A_821, %dma_wait3A_822] : memref<2x512x64xf32, #tpu.memory_space<vmem>> -> memref<1x128x64xf32, #tpu.memory_space<vmem>>
        %dma_wait3A_824 = tpu.memref_squeeze %dma_wait3A_823 : memref<1x128x64xf32, #tpu.memory_space<vmem>> -> memref<128x64xf32, #tpu.memory_space<vmem>>
        %dma_wait3A_825 = arith.constant 0 : i32
        %dma_wait3A_826 = tpu.memref_slice %arg5[%dma_wait3A_818, %dma_wait3A_819, %dma_wait3A_825] : memref<2x16x128xi32, #tpu.memory_space<vmem>> -> memref<1x1x128xi32, #tpu.memory_space<vmem>>
        %dma_wait3A_827 = tpu.memref_squeeze %dma_wait3A_826 : memref<1x1x128xi32, #tpu.memory_space<vmem>> -> memref<128xi32, #tpu.memory_space<vmem>>
        %dma_wait3A_828 = arith.constant 0 : i32
        %dma_wait3A_829 = arith.constant 0 : i32
        %dma_wait3A_830 = tpu.memref_slice %arg3[%dma_wait3A_828, %dma_wait3A_829] : memref<1000000x64xf32, #tpu.memory_space<hbm>> -> memref<1000000x64xf32, #tpu.memory_space<hbm>>
        tpu.wait_indirect_dma semaphore(%arg9 : memref<!tpu.dma_semaphore, #tpu.memory_space<semaphore_mem>>) src(%dma_wait3A_830 : memref<1000000x64xf32, #tpu.memory_space<hbm>>) dst(%dma_wait3A_824 : memref<128x64xf32, #tpu.memory_space<vmem>>)
        %sub3A_831 = arith.constant 1 : i32
        %sub3A_832 = arith.subi %add3A_584, %sub3A_831 : i32
        %mul3A_833 = arith.constant 512 : i32
        %mul3A_834 = arith.muli %sub3A_832, %mul3A_833 : i32
        %add3A_835 = arith.addi %mul3A_2, %mul3A_834 : i32
        %multiple_of3A_836 = tpu.assume_multiple %add3A_835, 512 : i32
        %dma_start3A_837 = arith.constant 0 : i32
        %dma_start3A_838 = arith.constant 0 : i32
        %dma_start3A_839 = arith.constant 0 : i32
        %dma_start3A_840 = tpu.memref_slice %arg6[%dma_start3A_837, %dma_start3A_838, %dma_start3A_839] : memref<2x512x64xf32, #tpu.memory_space<vmem>> -> memref<1x512x64xf32, #tpu.memory_space<vmem>>
        %dma_start3A_841 = tpu.memref_squeeze %dma_start3A_840 : memref<1x512x64xf32, #tpu.memory_space<vmem>> -> memref<512x64xf32, #tpu.memory_space<vmem>>
        %dma_start3A_842 = arith.constant 0 : i32
        %dma_start3A_843 = tpu.memref_slice %arg4[%multiple_of3A_836, %dma_start3A_842] : memref<3276800x128xf32, #tpu.memory_space<hbm>> -> memref<512x64xf32, #tpu.memory_space<hbm>>
        %dma_start3A_844 = arith.constant 0 : i32
        %dma_start3A_845 = tpu.memref_slice %arg4[%multiple_of3A_836, %dma_start3A_844] : memref<3276800x128xf32, #tpu.memory_space<hbm>> -> memref<512x64xf32, #tpu.memory_space<hbm>>
        %dma_start3A_846 = arith.constant 0 : i32
        %dma_start3A_847 = arith.constant 0 : i32
        %dma_start3A_848 = tpu.memref_slice %arg6[%dma_start3A_837, %dma_start3A_846, %dma_start3A_847] : memref<2x512x64xf32, #tpu.memory_space<vmem>> -> memref<1x512x64xf32, #tpu.memory_space<vmem>>
        %dma_start3A_849 = tpu.memref_squeeze %dma_start3A_848 : memref<1x512x64xf32, #tpu.memory_space<vmem>> -> memref<512x64xf32, #tpu.memory_space<vmem>>
        tpu.enqueue_dma source(%dma_start3A_849 : memref<512x64xf32, #tpu.memory_space<vmem>>) target(%dma_start3A_845 : memref<512x64xf32, #tpu.memory_space<hbm>>) target_semaphore(%arg11 : memref<!tpu.dma_semaphore, #tpu.memory_space<semaphore_mem>>)
      } else {
      }
      %mul3A_647 = arith.constant 4 : i32
      %mul3A_648 = arith.muli %mul3A_647, %add3A_499 : i32
      %add3A_649 = arith.constant 2 : i32
      %add3A_650 = arith.addi %mul3A_648, %add3A_649 : i32
      %ge3A_651 = arith.constant 2 : i32
      %ge3A_652 = arith.cmpi sge, %add3A_650, %ge3A_651 : i32
      %convert_element_type3A_653 = arith.extui %ge3A_652 : i1 to i32
      %cond3A_654 = arith.constant 0 : i32
      %cond3A_655 = arith.cmpi ne, %convert_element_type3A_653, %cond3A_654 : i32
      scf.if %cond3A_655 {
        %sub3A_779 = arith.constant 2 : i32
        %sub3A_780 = arith.subi %add3A_650, %sub3A_779 : i32
        %mul3A_781 = arith.constant 512 : i32
        %mul3A_782 = arith.muli %sub3A_780, %mul3A_781 : i32
        %add3A_783 = arith.addi %mul3A_2, %mul3A_782 : i32
        %multiple_of3A_784 = tpu.assume_multiple %add3A_783, 512 : i32
        %dma_wait3A_785 = arith.constant 0 : i32
        %dma_wait3A_786 = arith.constant 0 : i32
        %dma_wait3A_787 = arith.constant 0 : i32
        %dma_wait3A_788 = tpu.memref_slice %arg6[%dma_wait3A_785, %dma_wait3A_786, %dma_wait3A_787] : memref<2x512x64xf32, #tpu.memory_space<vmem>> -> memref<1x512x64xf32, #tpu.memory_space<vmem>>
        %dma_wait3A_789 = tpu.memref_squeeze %dma_wait3A_788 : memref<1x512x64xf32, #tpu.memory_space<vmem>> -> memref<512x64xf32, #tpu.memory_space<vmem>>
        %dma_wait3A_790 = arith.constant 0 : i32
        %dma_wait3A_791 = tpu.memref_slice %arg4[%multiple_of3A_784, %dma_wait3A_790] : memref<3276800x128xf32, #tpu.memory_space<hbm>> -> memref<512x64xf32, #tpu.memory_space<hbm>>
        %dma_wait3A_792 = arith.constant 0 : i32
        %dma_wait3A_793 = tpu.memref_slice %arg4[%multiple_of3A_784, %dma_wait3A_792] : memref<3276800x128xf32, #tpu.memory_space<hbm>> -> memref<512x64xf32, #tpu.memory_space<hbm>>
        %dma_wait3A_794 = arith.constant 0 : i32
        %dma_wait3A_795 = arith.constant 0 : i32
        %dma_wait3A_796 = tpu.memref_slice %arg6[%dma_wait3A_785, %dma_wait3A_794, %dma_wait3A_795] : memref<2x512x64xf32, #tpu.memory_space<vmem>> -> memref<1x512x64xf32, #tpu.memory_space<vmem>>
        %dma_wait3A_797 = tpu.memref_squeeze %dma_wait3A_796 : memref<1x512x64xf32, #tpu.memory_space<vmem>> -> memref<512x64xf32, #tpu.memory_space<vmem>>
        tpu.wait_dma2 semaphore(%arg11 : memref<!tpu.dma_semaphore, #tpu.memory_space<semaphore_mem>>) src(%dma_wait3A_797 : memref<512x64xf32, #tpu.memory_space<vmem>>) dst(%dma_wait3A_793 : memref<512x64xf32, #tpu.memory_space<hbm>>)
      } else {
      }
      %dma_start3A_656 = arith.constant 1 : i32
      %dma_start3A_657 = arith.constant 8 : i32
      %dma_start3A_658 = arith.constant 0 : i32
      %dma_start3A_659 = arith.constant 0 : i32
      %dma_start3A_660 = arith.constant 0 : i32
      %dma_start3A_661 = tpu.memref_slice %arg6[%dma_start3A_658, %dma_start3A_659, %dma_start3A_660] : memref<2x512x64xf32, #tpu.memory_space<vmem>> -> memref<1x128x64xf32, #tpu.memory_space<vmem>>
      %dma_start3A_662 = tpu.memref_squeeze %dma_start3A_661 : memref<1x128x64xf32, #tpu.memory_space<vmem>> -> memref<128x64xf32, #tpu.memory_space<vmem>>
      %dma_start3A_663 = arith.constant 0 : i32
      %dma_start3A_664 = tpu.memref_slice %arg5[%dma_start3A_656, %dma_start3A_657, %dma_start3A_663] : memref<2x16x128xi32, #tpu.memory_space<vmem>> -> memref<1x1x128xi32, #tpu.memory_space<vmem>>
      %dma_start3A_665 = tpu.memref_squeeze %dma_start3A_664 : memref<1x1x128xi32, #tpu.memory_space<vmem>> -> memref<128xi32, #tpu.memory_space<vmem>>
      %dma_start3A_666 = arith.constant 0 : i32
      %dma_start3A_667 = arith.constant 0 : i32
      %dma_start3A_668 = tpu.memref_slice %arg3[%dma_start3A_666, %dma_start3A_667] : memref<1000000x64xf32, #tpu.memory_space<hbm>> -> memref<1000000x64xf32, #tpu.memory_space<hbm>>
      tpu.enqueue_indirect_dma source(%dma_start3A_668 : memref<1000000x64xf32, #tpu.memory_space<hbm>>) target(%dma_start3A_662 : memref<128x64xf32, #tpu.memory_space<vmem>>) offsets(%dma_start3A_665 : memref<128xi32, #tpu.memory_space<vmem>>) semaphore(%arg9 : memref<!tpu.dma_semaphore, #tpu.memory_space<semaphore_mem>>)
      %dma_start3A_669 = arith.constant 1 : i32
      %dma_start3A_670 = arith.constant 9 : i32
      %dma_start3A_671 = arith.constant 0 : i32
      %dma_start3A_672 = arith.constant 128 : i32
      %dma_start3A_673 = arith.constant 0 : i32
      %dma_start3A_674 = tpu.memref_slice %arg6[%dma_start3A_671, %dma_start3A_672, %dma_start3A_673] : memref<2x512x64xf32, #tpu.memory_space<vmem>> -> memref<1x128x64xf32, #tpu.memory_space<vmem>>
      %dma_start3A_675 = tpu.memref_squeeze %dma_start3A_674 : memref<1x128x64xf32, #tpu.memory_space<vmem>> -> memref<128x64xf32, #tpu.memory_space<vmem>>
      %dma_start3A_676 = arith.constant 0 : i32
      %dma_start3A_677 = tpu.memref_slice %arg5[%dma_start3A_669, %dma_start3A_670, %dma_start3A_676] : memref<2x16x128xi32, #tpu.memory_space<vmem>> -> memref<1x1x128xi32, #tpu.memory_space<vmem>>
      %dma_start3A_678 = tpu.memref_squeeze %dma_start3A_677 : memref<1x1x128xi32, #tpu.memory_space<vmem>> -> memref<128xi32, #tpu.memory_space<vmem>>
      %dma_start3A_679 = arith.constant 0 : i32
      %dma_start3A_680 = arith.constant 0 : i32
      %dma_start3A_681 = tpu.memref_slice %arg3[%dma_start3A_679, %dma_start3A_680] : memref<1000000x64xf32, #tpu.memory_space<hbm>> -> memref<1000000x64xf32, #tpu.memory_space<hbm>>
      tpu.enqueue_indirect_dma source(%dma_start3A_681 : memref<1000000x64xf32, #tpu.memory_space<hbm>>) target(%dma_start3A_675 : memref<128x64xf32, #tpu.memory_space<vmem>>) offsets(%dma_start3A_678 : memref<128xi32, #tpu.memory_space<vmem>>) semaphore(%arg9 : memref<!tpu.dma_semaphore, #tpu.memory_space<semaphore_mem>>)
      %dma_start3A_682 = arith.constant 1 : i32
      %dma_start3A_683 = arith.constant 10 : i32
      %dma_start3A_684 = arith.constant 0 : i32
      %dma_start3A_685 = arith.constant 256 : i32
      %dma_start3A_686 = arith.constant 0 : i32
      %dma_start3A_687 = tpu.memref_slice %arg6[%dma_start3A_684, %dma_start3A_685, %dma_start3A_686] : memref<2x512x64xf32, #tpu.memory_space<vmem>> -> memref<1x128x64xf32, #tpu.memory_space<vmem>>
      %dma_start3A_688 = tpu.memref_squeeze %dma_start3A_687 : memref<1x128x64xf32, #tpu.memory_space<vmem>> -> memref<128x64xf32, #tpu.memory_space<vmem>>
      %dma_start3A_689 = arith.constant 0 : i32
      %dma_start3A_690 = tpu.memref_slice %arg5[%dma_start3A_682, %dma_start3A_683, %dma_start3A_689] : memref<2x16x128xi32, #tpu.memory_space<vmem>> -> memref<1x1x128xi32, #tpu.memory_space<vmem>>
      %dma_start3A_691 = tpu.memref_squeeze %dma_start3A_690 : memref<1x1x128xi32, #tpu.memory_space<vmem>> -> memref<128xi32, #tpu.memory_space<vmem>>
      %dma_start3A_692 = arith.constant 0 : i32
      %dma_start3A_693 = arith.constant 0 : i32
      %dma_start3A_694 = tpu.memref_slice %arg3[%dma_start3A_692, %dma_start3A_693] : memref<1000000x64xf32, #tpu.memory_space<hbm>> -> memref<1000000x64xf32, #tpu.memory_space<hbm>>
      tpu.enqueue_indirect_dma source(%dma_start3A_694 : memref<1000000x64xf32, #tpu.memory_space<hbm>>) target(%dma_start3A_688 : memref<128x64xf32, #tpu.memory_space<vmem>>) offsets(%dma_start3A_691 : memref<128xi32, #tpu.memory_space<vmem>>) semaphore(%arg9 : memref<!tpu.dma_semaphore, #tpu.memory_space<semaphore_mem>>)
      %dma_start3A_695 = arith.constant 1 : i32
      %dma_start3A_696 = arith.constant 11 : i32
      %dma_start3A_697 = arith.constant 0 : i32
      %dma_start3A_698 = arith.constant 384 : i32
      %dma_start3A_699 = arith.constant 0 : i32
      %dma_start3A_700 = tpu.memref_slice %arg6[%dma_start3A_697, %dma_start3A_698, %dma_start3A_699] : memref<2x512x64xf32, #tpu.memory_space<vmem>> -> memref<1x128x64xf32, #tpu.memory_space<vmem>>
      %dma_start3A_701 = tpu.memref_squeeze %dma_start3A_700 : memref<1x128x64xf32, #tpu.memory_space<vmem>> -> memref<128x64xf32, #tpu.memory_space<vmem>>
      %dma_start3A_702 = arith.constant 0 : i32
      %dma_start3A_703 = tpu.memref_slice %arg5[%dma_start3A_695, %dma_start3A_696, %dma_start3A_702] : memref<2x16x128xi32, #tpu.memory_space<vmem>> -> memref<1x1x128xi32, #tpu.memory_space<vmem>>
      %dma_start3A_704 = tpu.memref_squeeze %dma_start3A_703 : memref<1x1x128xi32, #tpu.memory_space<vmem>> -> memref<128xi32, #tpu.memory_space<vmem>>
      %dma_start3A_705 = arith.constant 0 : i32
      %dma_start3A_706 = arith.constant 0 : i32
      %dma_start3A_707 = tpu.memref_slice %arg3[%dma_start3A_705, %dma_start3A_706] : memref<1000000x64xf32, #tpu.memory_space<hbm>> -> memref<1000000x64xf32, #tpu.memory_space<hbm>>
      tpu.enqueue_indirect_dma source(%dma_start3A_707 : memref<1000000x64xf32, #tpu.memory_space<hbm>>) target(%dma_start3A_701 : memref<128x64xf32, #tpu.memory_space<vmem>>) offsets(%dma_start3A_704 : memref<128xi32, #tpu.memory_space<vmem>>) semaphore(%arg9 : memref<!tpu.dma_semaphore, #tpu.memory_space<semaphore_mem>>)
      %ge3A_708 = arith.constant 1 : i32
      %ge3A_709 = arith.cmpi sge, %add3A_650, %ge3A_708 : i32
      %convert_element_type3A_710 = arith.extui %ge3A_709 : i1 to i32
      %cond3A_711 = arith.constant 0 : i32
      %cond3A_712 = arith.cmpi ne, %convert_element_type3A_710, %cond3A_711 : i32
      scf.if %cond3A_712 {
        %dma_wait3A_779 = arith.constant 1 : i32
        %dma_wait3A_780 = arith.constant 4 : i32
        %dma_wait3A_781 = arith.constant 1 : i32
        %dma_wait3A_782 = arith.constant 0 : i32
        %dma_wait3A_783 = arith.constant 0 : i32
        %dma_wait3A_784 = tpu.memref_slice %arg6[%dma_wait3A_781, %dma_wait3A_782, %dma_wait3A_783] : memref<2x512x64xf32, #tpu.memory_space<vmem>> -> memref<1x128x64xf32, #tpu.memory_space<vmem>>
        %dma_wait3A_785 = tpu.memref_squeeze %dma_wait3A_784 : memref<1x128x64xf32, #tpu.memory_space<vmem>> -> memref<128x64xf32, #tpu.memory_space<vmem>>
        %dma_wait3A_786 = arith.constant 0 : i32
        %dma_wait3A_787 = tpu.memref_slice %arg5[%dma_wait3A_779, %dma_wait3A_780, %dma_wait3A_786] : memref<2x16x128xi32, #tpu.memory_space<vmem>> -> memref<1x1x128xi32, #tpu.memory_space<vmem>>
        %dma_wait3A_788 = tpu.memref_squeeze %dma_wait3A_787 : memref<1x1x128xi32, #tpu.memory_space<vmem>> -> memref<128xi32, #tpu.memory_space<vmem>>
        %dma_wait3A_789 = arith.constant 0 : i32
        %dma_wait3A_790 = arith.constant 0 : i32
        %dma_wait3A_791 = tpu.memref_slice %arg3[%dma_wait3A_789, %dma_wait3A_790] : memref<1000000x64xf32, #tpu.memory_space<hbm>> -> memref<1000000x64xf32, #tpu.memory_space<hbm>>
        tpu.wait_indirect_dma semaphore(%arg10 : memref<!tpu.dma_semaphore, #tpu.memory_space<semaphore_mem>>) src(%dma_wait3A_791 : memref<1000000x64xf32, #tpu.memory_space<hbm>>) dst(%dma_wait3A_785 : memref<128x64xf32, #tpu.memory_space<vmem>>)
        %dma_wait3A_792 = arith.constant 1 : i32
        %dma_wait3A_793 = arith.constant 5 : i32
        %dma_wait3A_794 = arith.constant 1 : i32
        %dma_wait3A_795 = arith.constant 128 : i32
        %dma_wait3A_796 = arith.constant 0 : i32
        %dma_wait3A_797 = tpu.memref_slice %arg6[%dma_wait3A_794, %dma_wait3A_795, %dma_wait3A_796] : memref<2x512x64xf32, #tpu.memory_space<vmem>> -> memref<1x128x64xf32, #tpu.memory_space<vmem>>
        %dma_wait3A_798 = tpu.memref_squeeze %dma_wait3A_797 : memref<1x128x64xf32, #tpu.memory_space<vmem>> -> memref<128x64xf32, #tpu.memory_space<vmem>>
        %dma_wait3A_799 = arith.constant 0 : i32
        %dma_wait3A_800 = tpu.memref_slice %arg5[%dma_wait3A_792, %dma_wait3A_793, %dma_wait3A_799] : memref<2x16x128xi32, #tpu.memory_space<vmem>> -> memref<1x1x128xi32, #tpu.memory_space<vmem>>
        %dma_wait3A_801 = tpu.memref_squeeze %dma_wait3A_800 : memref<1x1x128xi32, #tpu.memory_space<vmem>> -> memref<128xi32, #tpu.memory_space<vmem>>
        %dma_wait3A_802 = arith.constant 0 : i32
        %dma_wait3A_803 = arith.constant 0 : i32
        %dma_wait3A_804 = tpu.memref_slice %arg3[%dma_wait3A_802, %dma_wait3A_803] : memref<1000000x64xf32, #tpu.memory_space<hbm>> -> memref<1000000x64xf32, #tpu.memory_space<hbm>>
        tpu.wait_indirect_dma semaphore(%arg10 : memref<!tpu.dma_semaphore, #tpu.memory_space<semaphore_mem>>) src(%dma_wait3A_804 : memref<1000000x64xf32, #tpu.memory_space<hbm>>) dst(%dma_wait3A_798 : memref<128x64xf32, #tpu.memory_space<vmem>>)
        %dma_wait3A_805 = arith.constant 1 : i32
        %dma_wait3A_806 = arith.constant 6 : i32
        %dma_wait3A_807 = arith.constant 1 : i32
        %dma_wait3A_808 = arith.constant 256 : i32
        %dma_wait3A_809 = arith.constant 0 : i32
        %dma_wait3A_810 = tpu.memref_slice %arg6[%dma_wait3A_807, %dma_wait3A_808, %dma_wait3A_809] : memref<2x512x64xf32, #tpu.memory_space<vmem>> -> memref<1x128x64xf32, #tpu.memory_space<vmem>>
        %dma_wait3A_811 = tpu.memref_squeeze %dma_wait3A_810 : memref<1x128x64xf32, #tpu.memory_space<vmem>> -> memref<128x64xf32, #tpu.memory_space<vmem>>
        %dma_wait3A_812 = arith.constant 0 : i32
        %dma_wait3A_813 = tpu.memref_slice %arg5[%dma_wait3A_805, %dma_wait3A_806, %dma_wait3A_812] : memref<2x16x128xi32, #tpu.memory_space<vmem>> -> memref<1x1x128xi32, #tpu.memory_space<vmem>>
        %dma_wait3A_814 = tpu.memref_squeeze %dma_wait3A_813 : memref<1x1x128xi32, #tpu.memory_space<vmem>> -> memref<128xi32, #tpu.memory_space<vmem>>
        %dma_wait3A_815 = arith.constant 0 : i32
        %dma_wait3A_816 = arith.constant 0 : i32
        %dma_wait3A_817 = tpu.memref_slice %arg3[%dma_wait3A_815, %dma_wait3A_816] : memref<1000000x64xf32, #tpu.memory_space<hbm>> -> memref<1000000x64xf32, #tpu.memory_space<hbm>>
        tpu.wait_indirect_dma semaphore(%arg10 : memref<!tpu.dma_semaphore, #tpu.memory_space<semaphore_mem>>) src(%dma_wait3A_817 : memref<1000000x64xf32, #tpu.memory_space<hbm>>) dst(%dma_wait3A_811 : memref<128x64xf32, #tpu.memory_space<vmem>>)
        %dma_wait3A_818 = arith.constant 1 : i32
        %dma_wait3A_819 = arith.constant 7 : i32
        %dma_wait3A_820 = arith.constant 1 : i32
        %dma_wait3A_821 = arith.constant 384 : i32
        %dma_wait3A_822 = arith.constant 0 : i32
        %dma_wait3A_823 = tpu.memref_slice %arg6[%dma_wait3A_820, %dma_wait3A_821, %dma_wait3A_822] : memref<2x512x64xf32, #tpu.memory_space<vmem>> -> memref<1x128x64xf32, #tpu.memory_space<vmem>>
        %dma_wait3A_824 = tpu.memref_squeeze %dma_wait3A_823 : memref<1x128x64xf32, #tpu.memory_space<vmem>> -> memref<128x64xf32, #tpu.memory_space<vmem>>
        %dma_wait3A_825 = arith.constant 0 : i32
        %dma_wait3A_826 = tpu.memref_slice %arg5[%dma_wait3A_818, %dma_wait3A_819, %dma_wait3A_825] : memref<2x16x128xi32, #tpu.memory_space<vmem>> -> memref<1x1x128xi32, #tpu.memory_space<vmem>>
        %dma_wait3A_827 = tpu.memref_squeeze %dma_wait3A_826 : memref<1x1x128xi32, #tpu.memory_space<vmem>> -> memref<128xi32, #tpu.memory_space<vmem>>
        %dma_wait3A_828 = arith.constant 0 : i32
        %dma_wait3A_829 = arith.constant 0 : i32
        %dma_wait3A_830 = tpu.memref_slice %arg3[%dma_wait3A_828, %dma_wait3A_829] : memref<1000000x64xf32, #tpu.memory_space<hbm>> -> memref<1000000x64xf32, #tpu.memory_space<hbm>>
        tpu.wait_indirect_dma semaphore(%arg10 : memref<!tpu.dma_semaphore, #tpu.memory_space<semaphore_mem>>) src(%dma_wait3A_830 : memref<1000000x64xf32, #tpu.memory_space<hbm>>) dst(%dma_wait3A_824 : memref<128x64xf32, #tpu.memory_space<vmem>>)
        %sub3A_831 = arith.constant 1 : i32
        %sub3A_832 = arith.subi %add3A_650, %sub3A_831 : i32
        %mul3A_833 = arith.constant 512 : i32
        %mul3A_834 = arith.muli %sub3A_832, %mul3A_833 : i32
        %add3A_835 = arith.addi %mul3A_2, %mul3A_834 : i32
        %multiple_of3A_836 = tpu.assume_multiple %add3A_835, 512 : i32
        %dma_start3A_837 = arith.constant 1 : i32
        %dma_start3A_838 = arith.constant 0 : i32
        %dma_start3A_839 = arith.constant 0 : i32
        %dma_start3A_840 = tpu.memref_slice %arg6[%dma_start3A_837, %dma_start3A_838, %dma_start3A_839] : memref<2x512x64xf32, #tpu.memory_space<vmem>> -> memref<1x512x64xf32, #tpu.memory_space<vmem>>
        %dma_start3A_841 = tpu.memref_squeeze %dma_start3A_840 : memref<1x512x64xf32, #tpu.memory_space<vmem>> -> memref<512x64xf32, #tpu.memory_space<vmem>>
        %dma_start3A_842 = arith.constant 0 : i32
        %dma_start3A_843 = tpu.memref_slice %arg4[%multiple_of3A_836, %dma_start3A_842] : memref<3276800x128xf32, #tpu.memory_space<hbm>> -> memref<512x64xf32, #tpu.memory_space<hbm>>
        %dma_start3A_844 = arith.constant 0 : i32
        %dma_start3A_845 = tpu.memref_slice %arg4[%multiple_of3A_836, %dma_start3A_844] : memref<3276800x128xf32, #tpu.memory_space<hbm>> -> memref<512x64xf32, #tpu.memory_space<hbm>>
        %dma_start3A_846 = arith.constant 0 : i32
        %dma_start3A_847 = arith.constant 0 : i32
        %dma_start3A_848 = tpu.memref_slice %arg6[%dma_start3A_837, %dma_start3A_846, %dma_start3A_847] : memref<2x512x64xf32, #tpu.memory_space<vmem>> -> memref<1x512x64xf32, #tpu.memory_space<vmem>>
        %dma_start3A_849 = tpu.memref_squeeze %dma_start3A_848 : memref<1x512x64xf32, #tpu.memory_space<vmem>> -> memref<512x64xf32, #tpu.memory_space<vmem>>
        tpu.enqueue_dma source(%dma_start3A_849 : memref<512x64xf32, #tpu.memory_space<vmem>>) target(%dma_start3A_845 : memref<512x64xf32, #tpu.memory_space<hbm>>) target_semaphore(%arg12 : memref<!tpu.dma_semaphore, #tpu.memory_space<semaphore_mem>>)
      } else {
      }
      %mul3A_713 = arith.constant 4 : i32
      %mul3A_714 = arith.muli %mul3A_713, %add3A_499 : i32
      %add3A_715 = arith.constant 3 : i32
      %add3A_716 = arith.addi %mul3A_714, %add3A_715 : i32
      %ge3A_717 = arith.constant 2 : i32
      %ge3A_718 = arith.cmpi sge, %add3A_716, %ge3A_717 : i32
      %convert_element_type3A_719 = arith.extui %ge3A_718 : i1 to i32
      %cond3A_720 = arith.constant 0 : i32
      %cond3A_721 = arith.cmpi ne, %convert_element_type3A_719, %cond3A_720 : i32
      scf.if %cond3A_721 {
        %sub3A_779 = arith.constant 2 : i32
        %sub3A_780 = arith.subi %add3A_716, %sub3A_779 : i32
        %mul3A_781 = arith.constant 512 : i32
        %mul3A_782 = arith.muli %sub3A_780, %mul3A_781 : i32
        %add3A_783 = arith.addi %mul3A_2, %mul3A_782 : i32
        %multiple_of3A_784 = tpu.assume_multiple %add3A_783, 512 : i32
        %dma_wait3A_785 = arith.constant 1 : i32
        %dma_wait3A_786 = arith.constant 0 : i32
        %dma_wait3A_787 = arith.constant 0 : i32
        %dma_wait3A_788 = tpu.memref_slice %arg6[%dma_wait3A_785, %dma_wait3A_786, %dma_wait3A_787] : memref<2x512x64xf32, #tpu.memory_space<vmem>> -> memref<1x512x64xf32, #tpu.memory_space<vmem>>
        %dma_wait3A_789 = tpu.memref_squeeze %dma_wait3A_788 : memref<1x512x64xf32, #tpu.memory_space<vmem>> -> memref<512x64xf32, #tpu.memory_space<vmem>>
        %dma_wait3A_790 = arith.constant 0 : i32
        %dma_wait3A_791 = tpu.memref_slice %arg4[%multiple_of3A_784, %dma_wait3A_790] : memref<3276800x128xf32, #tpu.memory_space<hbm>> -> memref<512x64xf32, #tpu.memory_space<hbm>>
        %dma_wait3A_792 = arith.constant 0 : i32
        %dma_wait3A_793 = tpu.memref_slice %arg4[%multiple_of3A_784, %dma_wait3A_792] : memref<3276800x128xf32, #tpu.memory_space<hbm>> -> memref<512x64xf32, #tpu.memory_space<hbm>>
        %dma_wait3A_794 = arith.constant 0 : i32
        %dma_wait3A_795 = arith.constant 0 : i32
        %dma_wait3A_796 = tpu.memref_slice %arg6[%dma_wait3A_785, %dma_wait3A_794, %dma_wait3A_795] : memref<2x512x64xf32, #tpu.memory_space<vmem>> -> memref<1x512x64xf32, #tpu.memory_space<vmem>>
        %dma_wait3A_797 = tpu.memref_squeeze %dma_wait3A_796 : memref<1x512x64xf32, #tpu.memory_space<vmem>> -> memref<512x64xf32, #tpu.memory_space<vmem>>
        tpu.wait_dma2 semaphore(%arg12 : memref<!tpu.dma_semaphore, #tpu.memory_space<semaphore_mem>>) src(%dma_wait3A_797 : memref<512x64xf32, #tpu.memory_space<vmem>>) dst(%dma_wait3A_793 : memref<512x64xf32, #tpu.memory_space<hbm>>)
      } else {
      }
      %dma_start3A_722 = arith.constant 1 : i32
      %dma_start3A_723 = arith.constant 12 : i32
      %dma_start3A_724 = arith.constant 1 : i32
      %dma_start3A_725 = arith.constant 0 : i32
      %dma_start3A_726 = arith.constant 0 : i32
      %dma_start3A_727 = tpu.memref_slice %arg6[%dma_start3A_724, %dma_start3A_725, %dma_start3A_726] : memref<2x512x64xf32, #tpu.memory_space<vmem>> -> memref<1x128x64xf32, #tpu.memory_space<vmem>>
      %dma_start3A_728 = tpu.memref_squeeze %dma_start3A_727 : memref<1x128x64xf32, #tpu.memory_space<vmem>> -> memref<128x64xf32, #tpu.memory_space<vmem>>
      %dma_start3A_729 = arith.constant 0 : i32
      %dma_start3A_730 = tpu.memref_slice %arg5[%dma_start3A_722, %dma_start3A_723, %dma_start3A_729] : memref<2x16x128xi32, #tpu.memory_space<vmem>> -> memref<1x1x128xi32, #tpu.memory_space<vmem>>
      %dma_start3A_731 = tpu.memref_squeeze %dma_start3A_730 : memref<1x1x128xi32, #tpu.memory_space<vmem>> -> memref<128xi32, #tpu.memory_space<vmem>>
      %dma_start3A_732 = arith.constant 0 : i32
      %dma_start3A_733 = arith.constant 0 : i32
      %dma_start3A_734 = tpu.memref_slice %arg3[%dma_start3A_732, %dma_start3A_733] : memref<1000000x64xf32, #tpu.memory_space<hbm>> -> memref<1000000x64xf32, #tpu.memory_space<hbm>>
      tpu.enqueue_indirect_dma source(%dma_start3A_734 : memref<1000000x64xf32, #tpu.memory_space<hbm>>) target(%dma_start3A_728 : memref<128x64xf32, #tpu.memory_space<vmem>>) offsets(%dma_start3A_731 : memref<128xi32, #tpu.memory_space<vmem>>) semaphore(%arg10 : memref<!tpu.dma_semaphore, #tpu.memory_space<semaphore_mem>>)
      %dma_start3A_735 = arith.constant 1 : i32
      %dma_start3A_736 = arith.constant 13 : i32
      %dma_start3A_737 = arith.constant 1 : i32
      %dma_start3A_738 = arith.constant 128 : i32
      %dma_start3A_739 = arith.constant 0 : i32
      %dma_start3A_740 = tpu.memref_slice %arg6[%dma_start3A_737, %dma_start3A_738, %dma_start3A_739] : memref<2x512x64xf32, #tpu.memory_space<vmem>> -> memref<1x128x64xf32, #tpu.memory_space<vmem>>
      %dma_start3A_741 = tpu.memref_squeeze %dma_start3A_740 : memref<1x128x64xf32, #tpu.memory_space<vmem>> -> memref<128x64xf32, #tpu.memory_space<vmem>>
      %dma_start3A_742 = arith.constant 0 : i32
      %dma_start3A_743 = tpu.memref_slice %arg5[%dma_start3A_735, %dma_start3A_736, %dma_start3A_742] : memref<2x16x128xi32, #tpu.memory_space<vmem>> -> memref<1x1x128xi32, #tpu.memory_space<vmem>>
      %dma_start3A_744 = tpu.memref_squeeze %dma_start3A_743 : memref<1x1x128xi32, #tpu.memory_space<vmem>> -> memref<128xi32, #tpu.memory_space<vmem>>
      %dma_start3A_745 = arith.constant 0 : i32
      %dma_start3A_746 = arith.constant 0 : i32
      %dma_start3A_747 = tpu.memref_slice %arg3[%dma_start3A_745, %dma_start3A_746] : memref<1000000x64xf32, #tpu.memory_space<hbm>> -> memref<1000000x64xf32, #tpu.memory_space<hbm>>
      tpu.enqueue_indirect_dma source(%dma_start3A_747 : memref<1000000x64xf32, #tpu.memory_space<hbm>>) target(%dma_start3A_741 : memref<128x64xf32, #tpu.memory_space<vmem>>) offsets(%dma_start3A_744 : memref<128xi32, #tpu.memory_space<vmem>>) semaphore(%arg10 : memref<!tpu.dma_semaphore, #tpu.memory_space<semaphore_mem>>)
      %dma_start3A_748 = arith.constant 1 : i32
      %dma_start3A_749 = arith.constant 14 : i32
      %dma_start3A_750 = arith.constant 1 : i32
      %dma_start3A_751 = arith.constant 256 : i32
      %dma_start3A_752 = arith.constant 0 : i32
      %dma_start3A_753 = tpu.memref_slice %arg6[%dma_start3A_750, %dma_start3A_751, %dma_start3A_752] : memref<2x512x64xf32, #tpu.memory_space<vmem>> -> memref<1x128x64xf32, #tpu.memory_space<vmem>>
      %dma_start3A_754 = tpu.memref_squeeze %dma_start3A_753 : memref<1x128x64xf32, #tpu.memory_space<vmem>> -> memref<128x64xf32, #tpu.memory_space<vmem>>
      %dma_start3A_755 = arith.constant 0 : i32
      %dma_start3A_756 = tpu.memref_slice %arg5[%dma_start3A_748, %dma_start3A_749, %dma_start3A_755] : memref<2x16x128xi32, #tpu.memory_space<vmem>> -> memref<1x1x128xi32, #tpu.memory_space<vmem>>
      %dma_start3A_757 = tpu.memref_squeeze %dma_start3A_756 : memref<1x1x128xi32, #tpu.memory_space<vmem>> -> memref<128xi32, #tpu.memory_space<vmem>>
      %dma_start3A_758 = arith.constant 0 : i32
      %dma_start3A_759 = arith.constant 0 : i32
      %dma_start3A_760 = tpu.memref_slice %arg3[%dma_start3A_758, %dma_start3A_759] : memref<1000000x64xf32, #tpu.memory_space<hbm>> -> memref<1000000x64xf32, #tpu.memory_space<hbm>>
      tpu.enqueue_indirect_dma source(%dma_start3A_760 : memref<1000000x64xf32, #tpu.memory_space<hbm>>) target(%dma_start3A_754 : memref<128x64xf32, #tpu.memory_space<vmem>>) offsets(%dma_start3A_757 : memref<128xi32, #tpu.memory_space<vmem>>) semaphore(%arg10 : memref<!tpu.dma_semaphore, #tpu.memory_space<semaphore_mem>>)
      %dma_start3A_761 = arith.constant 1 : i32
      %dma_start3A_762 = arith.constant 15 : i32
      %dma_start3A_763 = arith.constant 1 : i32
      %dma_start3A_764 = arith.constant 384 : i32
      %dma_start3A_765 = arith.constant 0 : i32
      %dma_start3A_766 = tpu.memref_slice %arg6[%dma_start3A_763, %dma_start3A_764, %dma_start3A_765] : memref<2x512x64xf32, #tpu.memory_space<vmem>> -> memref<1x128x64xf32, #tpu.memory_space<vmem>>
      %dma_start3A_767 = tpu.memref_squeeze %dma_start3A_766 : memref<1x128x64xf32, #tpu.memory_space<vmem>> -> memref<128x64xf32, #tpu.memory_space<vmem>>
      %dma_start3A_768 = arith.constant 0 : i32
      %dma_start3A_769 = tpu.memref_slice %arg5[%dma_start3A_761, %dma_start3A_762, %dma_start3A_768] : memref<2x16x128xi32, #tpu.memory_space<vmem>> -> memref<1x1x128xi32, #tpu.memory_space<vmem>>
      %dma_start3A_770 = tpu.memref_squeeze %dma_start3A_769 : memref<1x1x128xi32, #tpu.memory_space<vmem>> -> memref<128xi32, #tpu.memory_space<vmem>>
      %dma_start3A_771 = arith.constant 0 : i32
      %dma_start3A_772 = arith.constant 0 : i32
      %dma_start3A_773 = tpu.memref_slice %arg3[%dma_start3A_771, %dma_start3A_772] : memref<1000000x64xf32, #tpu.memory_space<hbm>> -> memref<1000000x64xf32, #tpu.memory_space<hbm>>
      tpu.enqueue_indirect_dma source(%dma_start3A_773 : memref<1000000x64xf32, #tpu.memory_space<hbm>>) target(%dma_start3A_767 : memref<128x64xf32, #tpu.memory_space<vmem>>) offsets(%dma_start3A_770 : memref<128xi32, #tpu.memory_space<vmem>>) semaphore(%arg10 : memref<!tpu.dma_semaphore, #tpu.memory_space<semaphore_mem>>)
      %ge3A_774 = arith.constant 1 : i32
      %ge3A_775 = arith.cmpi sge, %add3A_716, %ge3A_774 : i32
      %convert_element_type3A_776 = arith.extui %ge3A_775 : i1 to i32
      %cond3A_777 = arith.constant 0 : i32
      %cond3A_778 = arith.cmpi ne, %convert_element_type3A_776, %cond3A_777 : i32
      scf.if %cond3A_778 {
        %dma_wait3A_779 = arith.constant 1 : i32
        %dma_wait3A_780 = arith.constant 8 : i32
        %dma_wait3A_781 = arith.constant 0 : i32
        %dma_wait3A_782 = arith.constant 0 : i32
        %dma_wait3A_783 = arith.constant 0 : i32
        %dma_wait3A_784 = tpu.memref_slice %arg6[%dma_wait3A_781, %dma_wait3A_782, %dma_wait3A_783] : memref<2x512x64xf32, #tpu.memory_space<vmem>> -> memref<1x128x64xf32, #tpu.memory_space<vmem>>
        %dma_wait3A_785 = tpu.memref_squeeze %dma_wait3A_784 : memref<1x128x64xf32, #tpu.memory_space<vmem>> -> memref<128x64xf32, #tpu.memory_space<vmem>>
        %dma_wait3A_786 = arith.constant 0 : i32
        %dma_wait3A_787 = tpu.memref_slice %arg5[%dma_wait3A_779, %dma_wait3A_780, %dma_wait3A_786] : memref<2x16x128xi32, #tpu.memory_space<vmem>> -> memref<1x1x128xi32, #tpu.memory_space<vmem>>
        %dma_wait3A_788 = tpu.memref_squeeze %dma_wait3A_787 : memref<1x1x128xi32, #tpu.memory_space<vmem>> -> memref<128xi32, #tpu.memory_space<vmem>>
        %dma_wait3A_789 = arith.constant 0 : i32
        %dma_wait3A_790 = arith.constant 0 : i32
        %dma_wait3A_791 = tpu.memref_slice %arg3[%dma_wait3A_789, %dma_wait3A_790] : memref<1000000x64xf32, #tpu.memory_space<hbm>> -> memref<1000000x64xf32, #tpu.memory_space<hbm>>
        tpu.wait_indirect_dma semaphore(%arg9 : memref<!tpu.dma_semaphore, #tpu.memory_space<semaphore_mem>>) src(%dma_wait3A_791 : memref<1000000x64xf32, #tpu.memory_space<hbm>>) dst(%dma_wait3A_785 : memref<128x64xf32, #tpu.memory_space<vmem>>)
        %dma_wait3A_792 = arith.constant 1 : i32
        %dma_wait3A_793 = arith.constant 9 : i32
        %dma_wait3A_794 = arith.constant 0 : i32
        %dma_wait3A_795 = arith.constant 128 : i32
        %dma_wait3A_796 = arith.constant 0 : i32
        %dma_wait3A_797 = tpu.memref_slice %arg6[%dma_wait3A_794, %dma_wait3A_795, %dma_wait3A_796] : memref<2x512x64xf32, #tpu.memory_space<vmem>> -> memref<1x128x64xf32, #tpu.memory_space<vmem>>
        %dma_wait3A_798 = tpu.memref_squeeze %dma_wait3A_797 : memref<1x128x64xf32, #tpu.memory_space<vmem>> -> memref<128x64xf32, #tpu.memory_space<vmem>>
        %dma_wait3A_799 = arith.constant 0 : i32
        %dma_wait3A_800 = tpu.memref_slice %arg5[%dma_wait3A_792, %dma_wait3A_793, %dma_wait3A_799] : memref<2x16x128xi32, #tpu.memory_space<vmem>> -> memref<1x1x128xi32, #tpu.memory_space<vmem>>
        %dma_wait3A_801 = tpu.memref_squeeze %dma_wait3A_800 : memref<1x1x128xi32, #tpu.memory_space<vmem>> -> memref<128xi32, #tpu.memory_space<vmem>>
        %dma_wait3A_802 = arith.constant 0 : i32
        %dma_wait3A_803 = arith.constant 0 : i32
        %dma_wait3A_804 = tpu.memref_slice %arg3[%dma_wait3A_802, %dma_wait3A_803] : memref<1000000x64xf32, #tpu.memory_space<hbm>> -> memref<1000000x64xf32, #tpu.memory_space<hbm>>
        tpu.wait_indirect_dma semaphore(%arg9 : memref<!tpu.dma_semaphore, #tpu.memory_space<semaphore_mem>>) src(%dma_wait3A_804 : memref<1000000x64xf32, #tpu.memory_space<hbm>>) dst(%dma_wait3A_798 : memref<128x64xf32, #tpu.memory_space<vmem>>)
        %dma_wait3A_805 = arith.constant 1 : i32
        %dma_wait3A_806 = arith.constant 10 : i32
        %dma_wait3A_807 = arith.constant 0 : i32
        %dma_wait3A_808 = arith.constant 256 : i32
        %dma_wait3A_809 = arith.constant 0 : i32
        %dma_wait3A_810 = tpu.memref_slice %arg6[%dma_wait3A_807, %dma_wait3A_808, %dma_wait3A_809] : memref<2x512x64xf32, #tpu.memory_space<vmem>> -> memref<1x128x64xf32, #tpu.memory_space<vmem>>
        %dma_wait3A_811 = tpu.memref_squeeze %dma_wait3A_810 : memref<1x128x64xf32, #tpu.memory_space<vmem>> -> memref<128x64xf32, #tpu.memory_space<vmem>>
        %dma_wait3A_812 = arith.constant 0 : i32
        %dma_wait3A_813 = tpu.memref_slice %arg5[%dma_wait3A_805, %dma_wait3A_806, %dma_wait3A_812] : memref<2x16x128xi32, #tpu.memory_space<vmem>> -> memref<1x1x128xi32, #tpu.memory_space<vmem>>
        %dma_wait3A_814 = tpu.memref_squeeze %dma_wait3A_813 : memref<1x1x128xi32, #tpu.memory_space<vmem>> -> memref<128xi32, #tpu.memory_space<vmem>>
        %dma_wait3A_815 = arith.constant 0 : i32
        %dma_wait3A_816 = arith.constant 0 : i32
        %dma_wait3A_817 = tpu.memref_slice %arg3[%dma_wait3A_815, %dma_wait3A_816] : memref<1000000x64xf32, #tpu.memory_space<hbm>> -> memref<1000000x64xf32, #tpu.memory_space<hbm>>
        tpu.wait_indirect_dma semaphore(%arg9 : memref<!tpu.dma_semaphore, #tpu.memory_space<semaphore_mem>>) src(%dma_wait3A_817 : memref<1000000x64xf32, #tpu.memory_space<hbm>>) dst(%dma_wait3A_811 : memref<128x64xf32, #tpu.memory_space<vmem>>)
        %dma_wait3A_818 = arith.constant 1 : i32
        %dma_wait3A_819 = arith.constant 11 : i32
        %dma_wait3A_820 = arith.constant 0 : i32
        %dma_wait3A_821 = arith.constant 384 : i32
        %dma_wait3A_822 = arith.constant 0 : i32
        %dma_wait3A_823 = tpu.memref_slice %arg6[%dma_wait3A_820, %dma_wait3A_821, %dma_wait3A_822] : memref<2x512x64xf32, #tpu.memory_space<vmem>> -> memref<1x128x64xf32, #tpu.memory_space<vmem>>
        %dma_wait3A_824 = tpu.memref_squeeze %dma_wait3A_823 : memref<1x128x64xf32, #tpu.memory_space<vmem>> -> memref<128x64xf32, #tpu.memory_space<vmem>>
        %dma_wait3A_825 = arith.constant 0 : i32
        %dma_wait3A_826 = tpu.memref_slice %arg5[%dma_wait3A_818, %dma_wait3A_819, %dma_wait3A_825] : memref<2x16x128xi32, #tpu.memory_space<vmem>> -> memref<1x1x128xi32, #tpu.memory_space<vmem>>
        %dma_wait3A_827 = tpu.memref_squeeze %dma_wait3A_826 : memref<1x1x128xi32, #tpu.memory_space<vmem>> -> memref<128xi32, #tpu.memory_space<vmem>>
        %dma_wait3A_828 = arith.constant 0 : i32
        %dma_wait3A_829 = arith.constant 0 : i32
        %dma_wait3A_830 = tpu.memref_slice %arg3[%dma_wait3A_828, %dma_wait3A_829] : memref<1000000x64xf32, #tpu.memory_space<hbm>> -> memref<1000000x64xf32, #tpu.memory_space<hbm>>
        tpu.wait_indirect_dma semaphore(%arg9 : memref<!tpu.dma_semaphore, #tpu.memory_space<semaphore_mem>>) src(%dma_wait3A_830 : memref<1000000x64xf32, #tpu.memory_space<hbm>>) dst(%dma_wait3A_824 : memref<128x64xf32, #tpu.memory_space<vmem>>)
        %sub3A_831 = arith.constant 1 : i32
        %sub3A_832 = arith.subi %add3A_716, %sub3A_831 : i32
        %mul3A_833 = arith.constant 512 : i32
        %mul3A_834 = arith.muli %sub3A_832, %mul3A_833 : i32
        %add3A_835 = arith.addi %mul3A_2, %mul3A_834 : i32
        %multiple_of3A_836 = tpu.assume_multiple %add3A_835, 512 : i32
        %dma_start3A_837 = arith.constant 0 : i32
        %dma_start3A_838 = arith.constant 0 : i32
        %dma_start3A_839 = arith.constant 0 : i32
        %dma_start3A_840 = tpu.memref_slice %arg6[%dma_start3A_837, %dma_start3A_838, %dma_start3A_839] : memref<2x512x64xf32, #tpu.memory_space<vmem>> -> memref<1x512x64xf32, #tpu.memory_space<vmem>>
        %dma_start3A_841 = tpu.memref_squeeze %dma_start3A_840 : memref<1x512x64xf32, #tpu.memory_space<vmem>> -> memref<512x64xf32, #tpu.memory_space<vmem>>
        %dma_start3A_842 = arith.constant 0 : i32
        %dma_start3A_843 = tpu.memref_slice %arg4[%multiple_of3A_836, %dma_start3A_842] : memref<3276800x128xf32, #tpu.memory_space<hbm>> -> memref<512x64xf32, #tpu.memory_space<hbm>>
        %dma_start3A_844 = arith.constant 0 : i32
        %dma_start3A_845 = tpu.memref_slice %arg4[%multiple_of3A_836, %dma_start3A_844] : memref<3276800x128xf32, #tpu.memory_space<hbm>> -> memref<512x64xf32, #tpu.memory_space<hbm>>
        %dma_start3A_846 = arith.constant 0 : i32
        %dma_start3A_847 = arith.constant 0 : i32
        %dma_start3A_848 = tpu.memref_slice %arg6[%dma_start3A_837, %dma_start3A_846, %dma_start3A_847] : memref<2x512x64xf32, #tpu.memory_space<vmem>> -> memref<1x512x64xf32, #tpu.memory_space<vmem>>
        %dma_start3A_849 = tpu.memref_squeeze %dma_start3A_848 : memref<1x512x64xf32, #tpu.memory_space<vmem>> -> memref<512x64xf32, #tpu.memory_space<vmem>>
        tpu.enqueue_dma source(%dma_start3A_849 : memref<512x64xf32, #tpu.memory_space<vmem>>) target(%dma_start3A_845 : memref<512x64xf32, #tpu.memory_space<hbm>>) target_semaphore(%arg11 : memref<!tpu.dma_semaphore, #tpu.memory_space<semaphore_mem>>)
      } else {
      }
    }
    %scan3A_115 = arith.constant 25 : i32
    %dma_wait3A_116 = arith.constant 1 : i32
    %dma_wait3A_117 = arith.constant 12 : i32
    %dma_wait3A_118 = arith.constant 1 : i32
    %dma_wait3A_119 = arith.constant 0 : i32
    %dma_wait3A_120 = arith.constant 0 : i32
    %dma_wait3A_121 = tpu.memref_slice %arg6[%dma_wait3A_118, %dma_wait3A_119, %dma_wait3A_120] : memref<2x512x64xf32, #tpu.memory_space<vmem>> -> memref<1x128x64xf32, #tpu.memory_space<vmem>>
    %dma_wait3A_122 = tpu.memref_squeeze %dma_wait3A_121 : memref<1x128x64xf32, #tpu.memory_space<vmem>> -> memref<128x64xf32, #tpu.memory_space<vmem>>
    %dma_wait3A_123 = arith.constant 0 : i32
    %dma_wait3A_124 = tpu.memref_slice %arg5[%dma_wait3A_116, %dma_wait3A_117, %dma_wait3A_123] : memref<2x16x128xi32, #tpu.memory_space<vmem>> -> memref<1x1x128xi32, #tpu.memory_space<vmem>>
    %dma_wait3A_125 = tpu.memref_squeeze %dma_wait3A_124 : memref<1x1x128xi32, #tpu.memory_space<vmem>> -> memref<128xi32, #tpu.memory_space<vmem>>
    %dma_wait3A_126 = arith.constant 0 : i32
    %dma_wait3A_127 = arith.constant 0 : i32
    %dma_wait3A_128 = tpu.memref_slice %arg3[%dma_wait3A_126, %dma_wait3A_127] : memref<1000000x64xf32, #tpu.memory_space<hbm>> -> memref<1000000x64xf32, #tpu.memory_space<hbm>>
    tpu.wait_indirect_dma semaphore(%arg10 : memref<!tpu.dma_semaphore, #tpu.memory_space<semaphore_mem>>) src(%dma_wait3A_128 : memref<1000000x64xf32, #tpu.memory_space<hbm>>) dst(%dma_wait3A_122 : memref<128x64xf32, #tpu.memory_space<vmem>>)
    %dma_wait3A_129 = arith.constant 1 : i32
    %dma_wait3A_130 = arith.constant 13 : i32
    %dma_wait3A_131 = arith.constant 1 : i32
    %dma_wait3A_132 = arith.constant 128 : i32
    %dma_wait3A_133 = arith.constant 0 : i32
    %dma_wait3A_134 = tpu.memref_slice %arg6[%dma_wait3A_131, %dma_wait3A_132, %dma_wait3A_133] : memref<2x512x64xf32, #tpu.memory_space<vmem>> -> memref<1x128x64xf32, #tpu.memory_space<vmem>>
    %dma_wait3A_135 = tpu.memref_squeeze %dma_wait3A_134 : memref<1x128x64xf32, #tpu.memory_space<vmem>> -> memref<128x64xf32, #tpu.memory_space<vmem>>
    %dma_wait3A_136 = arith.constant 0 : i32
    %dma_wait3A_137 = tpu.memref_slice %arg5[%dma_wait3A_129, %dma_wait3A_130, %dma_wait3A_136] : memref<2x16x128xi32, #tpu.memory_space<vmem>> -> memref<1x1x128xi32, #tpu.memory_space<vmem>>
    %dma_wait3A_138 = tpu.memref_squeeze %dma_wait3A_137 : memref<1x1x128xi32, #tpu.memory_space<vmem>> -> memref<128xi32, #tpu.memory_space<vmem>>
    %dma_wait3A_139 = arith.constant 0 : i32
    %dma_wait3A_140 = arith.constant 0 : i32
    %dma_wait3A_141 = tpu.memref_slice %arg3[%dma_wait3A_139, %dma_wait3A_140] : memref<1000000x64xf32, #tpu.memory_space<hbm>> -> memref<1000000x64xf32, #tpu.memory_space<hbm>>
    tpu.wait_indirect_dma semaphore(%arg10 : memref<!tpu.dma_semaphore, #tpu.memory_space<semaphore_mem>>) src(%dma_wait3A_141 : memref<1000000x64xf32, #tpu.memory_space<hbm>>) dst(%dma_wait3A_135 : memref<128x64xf32, #tpu.memory_space<vmem>>)
    %dma_wait3A_142 = arith.constant 1 : i32
    %dma_wait3A_143 = arith.constant 14 : i32
    %dma_wait3A_144 = arith.constant 1 : i32
    %dma_wait3A_145 = arith.constant 256 : i32
    %dma_wait3A_146 = arith.constant 0 : i32
    %dma_wait3A_147 = tpu.memref_slice %arg6[%dma_wait3A_144, %dma_wait3A_145, %dma_wait3A_146] : memref<2x512x64xf32, #tpu.memory_space<vmem>> -> memref<1x128x64xf32, #tpu.memory_space<vmem>>
    %dma_wait3A_148 = tpu.memref_squeeze %dma_wait3A_147 : memref<1x128x64xf32, #tpu.memory_space<vmem>> -> memref<128x64xf32, #tpu.memory_space<vmem>>
    %dma_wait3A_149 = arith.constant 0 : i32
    %dma_wait3A_150 = tpu.memref_slice %arg5[%dma_wait3A_142, %dma_wait3A_143, %dma_wait3A_149] : memref<2x16x128xi32, #tpu.memory_space<vmem>> -> memref<1x1x128xi32, #tpu.memory_space<vmem>>
    %dma_wait3A_151 = tpu.memref_squeeze %dma_wait3A_150 : memref<1x1x128xi32, #tpu.memory_space<vmem>> -> memref<128xi32, #tpu.memory_space<vmem>>
    %dma_wait3A_152 = arith.constant 0 : i32
    %dma_wait3A_153 = arith.constant 0 : i32
    %dma_wait3A_154 = tpu.memref_slice %arg3[%dma_wait3A_152, %dma_wait3A_153] : memref<1000000x64xf32, #tpu.memory_space<hbm>> -> memref<1000000x64xf32, #tpu.memory_space<hbm>>
    tpu.wait_indirect_dma semaphore(%arg10 : memref<!tpu.dma_semaphore, #tpu.memory_space<semaphore_mem>>) src(%dma_wait3A_154 : memref<1000000x64xf32, #tpu.memory_space<hbm>>) dst(%dma_wait3A_148 : memref<128x64xf32, #tpu.memory_space<vmem>>)
    %dma_wait3A_155 = arith.constant 1 : i32
    %dma_wait3A_156 = arith.constant 15 : i32
    %dma_wait3A_157 = arith.constant 1 : i32
    %dma_wait3A_158 = arith.constant 384 : i32
    %dma_wait3A_159 = arith.constant 0 : i32
    %dma_wait3A_160 = tpu.memref_slice %arg6[%dma_wait3A_157, %dma_wait3A_158, %dma_wait3A_159] : memref<2x512x64xf32, #tpu.memory_space<vmem>> -> memref<1x128x64xf32, #tpu.memory_space<vmem>>
    %dma_wait3A_161 = tpu.memref_squeeze %dma_wait3A_160 : memref<1x128x64xf32, #tpu.memory_space<vmem>> -> memref<128x64xf32, #tpu.memory_space<vmem>>
    %dma_wait3A_162 = arith.constant 0 : i32
    %dma_wait3A_163 = tpu.memref_slice %arg5[%dma_wait3A_155, %dma_wait3A_156, %dma_wait3A_162] : memref<2x16x128xi32, #tpu.memory_space<vmem>> -> memref<1x1x128xi32, #tpu.memory_space<vmem>>
    %dma_wait3A_164 = tpu.memref_squeeze %dma_wait3A_163 : memref<1x1x128xi32, #tpu.memory_space<vmem>> -> memref<128xi32, #tpu.memory_space<vmem>>
    %dma_wait3A_165 = arith.constant 0 : i32
    %dma_wait3A_166 = arith.constant 0 : i32
    %dma_wait3A_167 = tpu.memref_slice %arg3[%dma_wait3A_165, %dma_wait3A_166] : memref<1000000x64xf32, #tpu.memory_space<hbm>> -> memref<1000000x64xf32, #tpu.memory_space<hbm>>
    tpu.wait_indirect_dma semaphore(%arg10 : memref<!tpu.dma_semaphore, #tpu.memory_space<semaphore_mem>>) src(%dma_wait3A_167 : memref<1000000x64xf32, #tpu.memory_space<hbm>>) dst(%dma_wait3A_161 : memref<128x64xf32, #tpu.memory_space<vmem>>)
    %add3A_168 = arith.constant 101888 : i32
    %add3A_169 = arith.addi %mul3A_2, %add3A_168 : i32
    %multiple_of3A_170 = tpu.assume_multiple %add3A_169, 512 : i32
    %dma_start3A_171 = arith.constant 1 : i32
    %dma_start3A_172 = arith.constant 0 : i32
    %dma_start3A_173 = arith.constant 0 : i32
    %dma_start3A_174 = tpu.memref_slice %arg6[%dma_start3A_171, %dma_start3A_172, %dma_start3A_173] : memref<2x512x64xf32, #tpu.memory_space<vmem>> -> memref<1x512x64xf32, #tpu.memory_space<vmem>>
    %dma_start3A_175 = tpu.memref_squeeze %dma_start3A_174 : memref<1x512x64xf32, #tpu.memory_space<vmem>> -> memref<512x64xf32, #tpu.memory_space<vmem>>
    %dma_start3A_176 = arith.constant 0 : i32
    %dma_start3A_177 = tpu.memref_slice %arg4[%multiple_of3A_170, %dma_start3A_176] : memref<3276800x128xf32, #tpu.memory_space<hbm>> -> memref<512x64xf32, #tpu.memory_space<hbm>>
    %dma_start3A_178 = arith.constant 0 : i32
    %dma_start3A_179 = tpu.memref_slice %arg4[%multiple_of3A_170, %dma_start3A_178] : memref<3276800x128xf32, #tpu.memory_space<hbm>> -> memref<512x64xf32, #tpu.memory_space<hbm>>
    %dma_start3A_180 = arith.constant 0 : i32
    %dma_start3A_181 = arith.constant 0 : i32
    %dma_start3A_182 = tpu.memref_slice %arg6[%dma_start3A_171, %dma_start3A_180, %dma_start3A_181] : memref<2x512x64xf32, #tpu.memory_space<vmem>> -> memref<1x512x64xf32, #tpu.memory_space<vmem>>
    %dma_start3A_183 = tpu.memref_squeeze %dma_start3A_182 : memref<1x512x64xf32, #tpu.memory_space<vmem>> -> memref<512x64xf32, #tpu.memory_space<vmem>>
    tpu.enqueue_dma source(%dma_start3A_183 : memref<512x64xf32, #tpu.memory_space<vmem>>) target(%dma_start3A_179 : memref<512x64xf32, #tpu.memory_space<hbm>>) target_semaphore(%arg12 : memref<!tpu.dma_semaphore, #tpu.memory_space<semaphore_mem>>)
    %add3A_184 = arith.constant 101376 : i32
    %add3A_185 = arith.addi %mul3A_2, %add3A_184 : i32
    %multiple_of3A_186 = tpu.assume_multiple %add3A_185, 512 : i32
    %dma_wait3A_187 = arith.constant 0 : i32
    %dma_wait3A_188 = arith.constant 0 : i32
    %dma_wait3A_189 = arith.constant 0 : i32
    %dma_wait3A_190 = tpu.memref_slice %arg6[%dma_wait3A_187, %dma_wait3A_188, %dma_wait3A_189] : memref<2x512x64xf32, #tpu.memory_space<vmem>> -> memref<1x512x64xf32, #tpu.memory_space<vmem>>
    %dma_wait3A_191 = tpu.memref_squeeze %dma_wait3A_190 : memref<1x512x64xf32, #tpu.memory_space<vmem>> -> memref<512x64xf32, #tpu.memory_space<vmem>>
    %dma_wait3A_192 = arith.constant 0 : i32
    %dma_wait3A_193 = tpu.memref_slice %arg4[%multiple_of3A_186, %dma_wait3A_192] : memref<3276800x128xf32, #tpu.memory_space<hbm>> -> memref<512x64xf32, #tpu.memory_space<hbm>>
    %dma_wait3A_194 = arith.constant 0 : i32
    %dma_wait3A_195 = tpu.memref_slice %arg4[%multiple_of3A_186, %dma_wait3A_194] : memref<3276800x128xf32, #tpu.memory_space<hbm>> -> memref<512x64xf32, #tpu.memory_space<hbm>>
    %dma_wait3A_196 = arith.constant 0 : i32
    %dma_wait3A_197 = arith.constant 0 : i32
    %dma_wait3A_198 = tpu.memref_slice %arg6[%dma_wait3A_187, %dma_wait3A_196, %dma_wait3A_197] : memref<2x512x64xf32, #tpu.memory_space<vmem>> -> memref<1x512x64xf32, #tpu.memory_space<vmem>>
    %dma_wait3A_199 = tpu.memref_squeeze %dma_wait3A_198 : memref<1x512x64xf32, #tpu.memory_space<vmem>> -> memref<512x64xf32, #tpu.memory_space<vmem>>
    tpu.wait_dma2 semaphore(%arg11 : memref<!tpu.dma_semaphore, #tpu.memory_space<semaphore_mem>>) src(%dma_wait3A_199 : memref<512x64xf32, #tpu.memory_space<vmem>>) dst(%dma_wait3A_195 : memref<512x64xf32, #tpu.memory_space<hbm>>)
    %add3A_200 = arith.constant 101888 : i32
    %add3A_201 = arith.addi %mul3A_2, %add3A_200 : i32
    %multiple_of3A_202 = tpu.assume_multiple %add3A_201, 512 : i32
    %dma_wait3A_203 = arith.constant 1 : i32
    %dma_wait3A_204 = arith.constant 0 : i32
    %dma_wait3A_205 = arith.constant 0 : i32
    %dma_wait3A_206 = tpu.memref_slice %arg6[%dma_wait3A_203, %dma_wait3A_204, %dma_wait3A_205] : memref<2x512x64xf32, #tpu.memory_space<vmem>> -> memref<1x512x64xf32, #tpu.memory_space<vmem>>
    %dma_wait3A_207 = tpu.memref_squeeze %dma_wait3A_206 : memref<1x512x64xf32, #tpu.memory_space<vmem>> -> memref<512x64xf32, #tpu.memory_space<vmem>>
    %dma_wait3A_208 = arith.constant 0 : i32
    %dma_wait3A_209 = tpu.memref_slice %arg4[%multiple_of3A_202, %dma_wait3A_208] : memref<3276800x128xf32, #tpu.memory_space<hbm>> -> memref<512x64xf32, #tpu.memory_space<hbm>>
    %dma_wait3A_210 = arith.constant 0 : i32
    %dma_wait3A_211 = tpu.memref_slice %arg4[%multiple_of3A_202, %dma_wait3A_210] : memref<3276800x128xf32, #tpu.memory_space<hbm>> -> memref<512x64xf32, #tpu.memory_space<hbm>>
    %dma_wait3A_212 = arith.constant 0 : i32
    %dma_wait3A_213 = arith.constant 0 : i32
    %dma_wait3A_214 = tpu.memref_slice %arg6[%dma_wait3A_203, %dma_wait3A_212, %dma_wait3A_213] : memref<2x512x64xf32, #tpu.memory_space<vmem>> -> memref<1x512x64xf32, #tpu.memory_space<vmem>>
    %dma_wait3A_215 = tpu.memref_squeeze %dma_wait3A_214 : memref<1x512x64xf32, #tpu.memory_space<vmem>> -> memref<512x64xf32, #tpu.memory_space<vmem>>
    tpu.wait_dma2 semaphore(%arg12 : memref<!tpu.dma_semaphore, #tpu.memory_space<semaphore_mem>>) src(%dma_wait3A_215 : memref<512x64xf32, #tpu.memory_space<vmem>>) dst(%dma_wait3A_211 : memref<512x64xf32, #tpu.memory_space<hbm>>)
    return
  }
}

</mosaic_0001>

<sc_bundles>
// kernel: kernel.3.cloned.1.call-start
scs
__scs_entry_jumppad:
0x0: {  	(pc) =	sbr.rel $0x88, $3  }
0x1: {  	(tag) =	ssettag $0x0;
	lr =	simm.s32 $0x1  }
0x2: {  	[smem:$0x3F9F] =	sst lr;
	_ =	strace $0xD0000000  }
0x3: {  	_ = 	snop  }
0x4: {  	_ = 	snop  }
0x5: {  	_ = 	snop  }
0x6: {  	_ = 	snop  }
0x7: {  	_ = 	snop  }
__scs_overlays_trampoline_lowered:
0x8: {  	[smem:$0x3FAE] =	sst s0  }
0x9: {  	[smem:$0x3FAF] =	sst s1  }
0xa: {  	[smem:$0x3FB0] =	sst s2  }
0xb: {  	[smem:$0x3FB1] =	sst s3  }
0xc: {  	[smem:$0x3FB2] =	sst s4  }
0xd: {  	[smem:$0x3FB3] =	sst s5  }
0xe: {  	[smem:$0x3FB4] =	sst s6  }
0xf: {  	[smem:$0x3FB5] =	sst s7  }
0x10: {  	[smem:$0x3FB6] =	sst s8  }
0x11: {  	[smem:$0x3FB7] =	sst s9;
	s0 =	simm.s32 @!p0 $0x0  }
0x12: {  	s1 =	sld [smem:$0x3F9D];
	s0 =	simm.s32 @p0 $0x1  }
0x13: {  	[smem:$0x3FB8] =	sst s0;
	s0 =	simm.s32 @!p1 $0x0  }
0x14: {  	s2 =	sld [smem:$0x3F9C];
	s0 =	simm.s32 @p1 $0x1  }
0x15: {  	[smem:$0x3FB9] =	sst s0;
	s0 =	simm.s32 @!p2 $0x0  }
0x16: {  	s3 =	sld [smem:$0x3FDB];
	s0 =	simm.s32 @p2 $0x1  }
0x17: {  	s4 =	simm.s32 $0x1BF5;
	[smem:$0x3FBB] =	sst s0  }
0x18: {  	s0 =	sld [smem:$0x3F9E];
	_ =	swait.ge [sflag:s4], $0x0  }
0x19: {  	s7 =	sld [smem:$0x3F9F]  }
0x1a: {  	s8 =	sadd.s32 $0xFFFFE003, lr  }
0x1b: {  	s9 =	sadd.s32 $0xFFFFFEF7, lr;
	s5 =	simm.s32 $0xFFFFFFFF;
	p2 =	slt.u32 s8, $0xFFFFF086  }
0x1c: {  	p1 =	slt.u32 s9, $0xF7A;
	s5 =	simm.s32 @!p2 $0x0  }
0x1d: {  	s5 =	simm.s32 @p1 $0x1;
	p0 =	seq.s32 s7, s2  }
0x1e: {  	s7 =	smul.u32 @!p0 $0xF7A, s2;
	p2 =	seq.s32 @!p0 s5, $0x0  }
0x1f: {  	s9 =	smul.u32 $0xF7A, s1;
	s8 =	simm.s32 @!p0 $0x1BF5;
	p2 =	por !p2, p0  }
0x20: {  	[sflag:s8] =	ssyncset.s32 @!p0 $0xFFFFF086;
	s6 =	sadd.s32 @!p0 s3, s7;
	s7 =	simm.s32 @!p0 $0x108  }
0x21: {  	s3 =	sadd.s32 s3, s9;
	s6 =	sadd.s32 @!p0 $0x88, s6;
	s7 =	simm.s32 @p2 $0x1082  }
0x22: {  	[simem:s7], [sflag:s8] =	dma.local @!p0 [hbm:s6], $0xF7A  }
0x23: {  	s9 =	sor.u32 $0xD0000000, s2;
	s6 =	simm.s32 $0x108;
	_ =	swait.ge @!p0 [sflag:s8], $0x0  }
0x24: {  	s3 =	sadd.s32 $0x88, s3;
	s6 =	simm.s32 @!p1 $0x1082;
	[sflag:s4] =	ssyncset.s32 $0xFFFFF086  }
0x25: {  	[simem:s6], [sflag:s4] =	dma.local [hbm:s3], $0xF7A  }
0x26: {  	[smem:$0x3F9F] =	sst s1;
	(tag) =	ssettag s2;
	_ =	strace s9  }
0x27: {  	s1 =	sld [smem:$0x3FAF]  }
0x28: {  	s2 =	sld [smem:$0x3FB0]  }
0x29: {  	s4 =	sld [smem:$0x3FB2]  }
0x2a: {  	p0 =	seq.s32 s5, $0x0;
	s5 =	sld [smem:$0x3FB3]  }
0x2b: {  	s6 =	sld [smem:$0x3FB4]  }
0x2c: {  	s7 =	sld [smem:$0x3FB5]  }
0x2d: {  	s3 =	simm.s32 $0x108;
	s8 =	sld [smem:$0x3FB6]  }
0x2e: {  	s3 =	simm.s32 @!p0 $0x1082;
	s9 =	sld [smem:$0x3FB7]  }
0x2f: {  	lr =	sadd.s32 s0, s3;
	s0 =	sld [smem:$0x3FAE]  }
0x30: {  	s3 =	sld [smem:$0x3FB1]  }
0x31: {  	[smem:$0x3FBA] =	sst s10  }
0x32: {  	s10 =	sld [smem:$0x3FB8];
	_ =	sdelay $0x3  }
0x33: {  	p0 =	seq.s32 s10, $0x1;
	s10 =	sld [smem:$0x3FBA];
	_ =	sdelay $0x3  }
0x34: {  	[smem:$0x3FBA] =	sst s10  }
0x35: {  	s10 =	sld [smem:$0x3FB9];
	_ =	sdelay $0x3  }
0x36: {  	p1 =	seq.s32 s10, $0x1;
	s10 =	sld [smem:$0x3FBA];
	_ =	sdelay $0x3  }
0x37: {  	[smem:$0x3FBA] =	sst s10  }
0x38: {  	s10 =	sld [smem:$0x3FBB]  }
0x39: {  	_ = 	snop;
	(pc) =	sbr.ind lr, $3  }
0x3a: {  	_ = 	snop  }
0x3b: {  	_ = 	snop  }
0x3c: {  	p2 =	seq.s32 s10, $0x1;
	s10 =	sld [smem:$0x3FBA]  }
0x3d: {  	_ =	shalt  }
0x3e: {  	_ =	shalt  }
0x3f: {  	_ =	shalt  }
0x40: {  	_ =	shalt  }
0x41: {  	_ =	shalt  }
0x42: {  	_ =	shalt  }
0x43: {  	_ =	shalt  }
0x44: {  	_ =	shalt  }
0x45: {  	_ =	shalt  }
0x46: {  	_ =	shalt  }
0x47: {  	_ =	shalt  }
0x48: {  	_ =	shalt  }
0x49: {  	_ =	shalt  }
0x4a: {  	_ =	shalt  }
0x4b: {  	_ =	shalt  }
0x4c: {  	_ =	shalt  }
0x4d: {  	_ =	shalt  }
0x4e: {  	_ =	shalt  }
0x4f: {  	_ =	shalt  }
0x50: {  	_ =	shalt  }
0x51: {  	_ =	shalt  }
0x52: {  	_ =	shalt  }
0x53: {  	_ =	shalt  }
0x54: {  	_ =	shalt  }
0x55: {  	_ =	shalt  }
0x56: {  	_ =	shalt  }
0x57: {  	_ =	shalt  }
0x58: {  	_ =	shalt  }
0x59: {  	_ =	shalt  }
0x5a: {  	_ =	shalt  }
0x5b: {  	_ =	shalt  }
0x5c: {  	_ =	shalt  }
0x5d: {  	_ =	shalt  }
0x5e: {  	_ =	shalt  }
0x5f: {  	_ =	shalt  }
0x60: {  	_ =	shalt  }
0x61: {  	_ =	shalt  }
0x62: {  	_ =	shalt  }
0x63: {  	_ =	shalt  }
0x64: {  	_ =	shalt  }
0x65: {  	_ =	shalt  }
0x66: {  	_ =	shalt  }
0x67: {  	_ =	shalt  }
0x68: {  	_ =	shalt  }
0x69: {  	_ =	shalt  }
0x6a: {  	_ =	shalt  }
0x6b: {  	_ =	shalt  }
0x6c: {  	_ =	shalt  }
0x6d: {  	_ =	shalt  }
0x6e: {  	_ =	shalt  }
0x6f: {  	_ =	shalt  }
0x70: {  	_ =	shalt  }
0x71: {  	_ =	shalt  }
0x72: {  	_ =	shalt  }
0x73: {  	_ =	shalt  }
0x74: {  	_ =	shalt  }
0x75: {  	_ =	shalt  }
0x76: {  	_ =	shalt  }
0x77: {  	_ =	shalt  }
0x78: {  	_ =	shalt  }
0x79: {  	_ =	shalt  }
0x7a: {  	_ =	shalt  }
0x7b: {  	_ =	shalt  }
0x7c: {  	_ =	shalt  }
0x7d: {  	_ =	shalt  }
0x7e: {  	_ =	shalt  }
0x7f: {  	_ =	shalt  }
0x80: {  	_ =	shalt  }
0x81: {  	_ =	shalt  }
0x82: {  	_ =	shalt  }
0x83: {  	_ =	shalt  }
0x84: {  	_ =	shalt  }
0x85: {  	_ =	shalt  }
0x86: {  	_ =	shalt  }
0x87: {  	_ =	shalt  }
.Lfunc_end0:
.L_simem_size_0:
called_computation.1_lowered:
.L_overlay_start_0:
0x88: {  	s2 =	sld [smem:$0x3FD9]  }
0x89: {  	s3 =	sld [smem:$0x3FFE];
	_ =	sdelay $0x1  }
0x8a: {  	s1 =	srdreg.scid  }
0x8b: {  	s0 =	sand.u32 $0x1, s1  }
0x8c: {  	s16 =	sshll.u32 s0, $0xA;
	s2 =	sadd.s32 s3, s2  }
0x8d: {  	s2 =	sadd.s32 s2, s16  }
0x8e: {  	[smem:$0x3FC6] =	sst s2  }
0x8f: {  	_ = 	snop  }
0x90: {  	(tm) =	ssettm $0x1  }
0x91: {  	s17 =	sld [smem:$0x3FFB];
	_ =	sdelay $0x3  }
0x92: {  	_ =	strace s17  }
0x93: {  	s2 =	sld [smem:$0x3FFC];
	_ =	sdelay $0x3  }
0x94: {  	_ =	strace s2  }
0x95: {  	s2 =	sld [smem:$0x3FFD];
	_ =	sdelay $0x3  }
0x96: {  	_ =	strace s2  }
0x97: {  	_ =	strace $0x8FFFFFFF  }
0x98: {  	s18 =	sld [smem:$0x3FDB];
	_ =	sdelay $0x1  }
0x99: {  	s19 =	simm.s32 $_scs_section_size  }
0x9a: {  	s4 =	simm.s32 $_size__tile_overlayer_lowered;
	s5 =	simm.s32 $_tile_overlayer_lowered  }
0x9b: {  	s22 =	simm.s32 $0x1BFF;
	s21 =	sshll.u32 s5, $0x1;
	s2 =	sadd.s32 s19, s18  }
0x9c: {  	s6 =	simm.s32 $0x0;
	s20 =	sshll.u32 s4, $0x1;
	s4 =	sadd.s32 s21, s2  }
0x9d: {  	[timem:s6], [sflag:s22] =	dma.local [hbm:s4], s20  }
0x9e: {  	_ =	swait.ge [sflag:s22], s20  }
0x9f: {  	s3 =	ssub.s32 $0x0, s20;
	[sflag:s22] =	ssyncset.done $0x0  }
0xa0: {  	[sflag:s22] =	ssyncadd.s32 s3;
	_ =	sdelay $0x1  }
0xa1: {  	s23 =	simm.s32 $0x1B8B  }
0xa2: {  	_ =	swait.ge [sflag:s23], $0x1  }
0xa3: {  	[sflag:s23] =	ssyncset.done $0x0  }
0xa4: {  	s25 =	simm.s32 $0x1B8E;
	s24 =	sld [smem:$0x3FFE];
	[sflag:s23] =	ssyncadd.s32 $0xFFFFFFFF  }
0xa5: {  	s26 =	simm.s32 $execute0_lowered;
	[smem:$0x3FD2] =	sst s25  }
0xa6: {  	s4 =	sshll.u32 s26, $0x1;
	_ =	strace $0x80000046;
	[dreg:$0x1] =	wrdreg $0xFFFFFFFF  }
0xa7: {  	s28 =	simm.s32 $_size_execute0_lowered;
	s2 =	sadd.s32 s2, s4;
	[dreg:$0x0] =	wrdreg $0x0  }
0xa8: {  	s4 =	sshll.u32 s28, $0x1;
	[dreg:$0x2] =	wrdreg s2  }
0xa9: {  	[dreg:$0x3] =	wrdreg s4  }
0xaa: {  	[dreg:$0x4] =	wrdreg $0xC0  }
0xab: {  	_ =	task [dreg:s6], $0x5FFFF  }
0xac: {  	[dreg:$0x1] =	wrdreg $0xFFFFFFFF  }
0xad: {  	[dreg:$0x0] =	wrdreg $0x60  }
0xae: {  	[dreg:$0x2] =	wrdreg s24  }
0xaf: {  	[dreg:$0x3] =	wrdreg $0x9  }
0xb0: {  	_ =	task.clear_ibuf [dreg:s6], $0x4FFFF;
	_ =	strace $0x90000046  }
0xb1: {  	s29 =	simm.s32 $0x9;
	_ =	strace $0x80000048  }
0xb2: {  	_ =	swait.ge [sflag:s29], $0x1  }
0xb3: {  	[sflag:s29] =	ssyncadd.s32 $0xFFFFFFFF  }
0xb4: {  	_ =	strace $0x90000048  }
0xb5: {  	_ =	sfence  }
0xb6: {  	s30 =	sld [smem:$0x0];
	_ =	sdelay $0x2  }
0xb7: {  	s31 =	sshll.u32 s1, $0xD;
	s1 =	sshrl.u32 s1, $0x2  }
0xb8: {  	s3 =	sand.u32 $0x4000, s31;
	s1 =	sadd.s32 s1, s30  }
0xb9: {  	s0 =	sor.u32 s3, s0;
	s1 =	sshll.u32 s1, $0x11  }
0xba: {  	s0 =	sor.u32 s1, s0  }
0xbb: {  	s0 =	sadd.s32 $0x8F2B, s0  }
0xbc: {  	[sflag:s0] =	ssyncadd.remote.s32 $0x1  }
0xbd: {  	_ =	sfence.sel $0xFFFF  }
0xbe: {  	[dreg:$0x0] =	wrdreg $0xFFFFFFFF;
	(pc) =	sbr.abs _section_cstart, $3  }
0xbf: {  	[dreg:$0x1] =	wrdreg $0xFFFFFFFF  }
0xc0: {  	_ =	task.clear_ibuf [dreg:s6], $0x2FFFF;
	_ =	strace $0x9FFFFFFF  }
0xc1: {  	(tm) =	ssettm $0x7FFFFFFF  }
tec
execute0_lowered:
.L_overlay_start_1:
0x0: {  	(tag) =	ssettag $0x1  }
0x1: {  	s0 =	srdreg.scid  }
0x2: {  	s9 =	stileid.u32;
	s5 =	rddreg [dreg:$0x0];
	s3 =	simm.s32 $0x0  }
0x3: {  	s17 =	simm.s32 $0x200;
	s19 =	simm.s32 $0x280;
	s20 =	simm.s32 $0x300  }
0x4: {  	s21 =	simm.s32 $0x380;
	s23 =	simm.s32 $0x400;
	[smem:$0x7FF] =	sst s3  }
0x5: {  	s24 =	simm.s32 $0x480;
	_ =	strace $0x80000047;
	[dreg:$0x9] =	wrdreg s17  }
0x6: {  	s26 =	simm.s32 $0x500;
	s31 =	simm.s32 $0x580;
	[dreg:$0xa] =	wrdreg s19  }
0x7: {  	s28 =	simm.s32 $0x6;
	s29 =	simm.s32 $0x2;
	[dreg:$0xb] =	wrdreg s20  }
0x8: {  	s0 =	sand.u32 $0x1, s0;
	s4 =	smul.u32 $0x32000, s9;
	[dreg:$0xc] =	wrdreg s21  }
0x9: {  	s1 =	sshll.u32 s9, $0x1;
	s7 =	smul.u32 $0x320000, s9;
	[dreg:$0xd] =	wrdreg s23  }
0xa: {  	s9 =	smul.u32 $0x1900000, s9;
	s3 =	sadd.s32 $0x805A00, s5;
	[dreg:$0xe] =	wrdreg s24  }
0xb: {  	s1 =	sor.u32 s0, s1;
	s6 =	smul.u32 $0x19000, s0;
	[dreg:$0xf] =	wrdreg s26  }
0xc: {  	s8 =	smul.u32 $0x190000, s0;
	[dreg:$0x10] =	wrdreg s31;
	s17 =	simm.s32 $0xA00  }
0xd: {  	s19 =	simm.s32 $0xB00;
	s20 =	simm.s32 $0xB80;
	[dreg:$0x18] =	wrdreg s17  }
0xe: {  	s21 =	simm.s32 $0xC00;
	s23 =	simm.s32 $0xD00;
	[dreg:$0x1a] =	wrdreg s19  }
0xf: {  	s24 =	simm.s32 $0xD80;
	s26 =	simm.s32 $0xE80;
	[dreg:$0x1b] =	wrdreg s20  }
0x10: {  	s31 =	simm.s32 $0xF80;
	s2 =	smul.u32 $0x19000, s1;
	[dreg:$0x1c] =	wrdreg s21  }
0x11: {  	s17 =	simm.s32 $0xD000;
	s19 =	simm.s32 $0x3;
	[dreg:$0x1e] =	wrdreg s23  }
0x12: {  	s20 =	simm.s32 $0x40;
	s21 =	simm.s32 $0x1000;
	[dreg:$0x1f] =	wrdreg s24  }
0x13: {  	s23 =	simm.s32 $0x3000;
	[smem:$0x7FB] =	sst s26;
	s24 =	simm.s32 $0x5000  }
0x14: {  	[smem:$0x7FD] =	sst s31;
	s26 =	simm.s32 $0x4;
	s10 =	sor.u32 $0x200, s2  }
0x15: {  	s12 =	sadd.s32 s8, s7;
	s11 =	sor.u32 $0x400, s2;
	[dreg:$0x2] =	wrdreg s10  }
0x16: {  	s6 =	sadd.s32 s6, s4;
	s4 =	sadd.s32 $0x1FFFE000, s12;
	[dreg:$0x3] =	wrdreg s11  }
0x17: {  	s14 =	sshll.u32 s6, $0x4;
	s12 =	simm.s32 $0x780;
	[dreg:$0x5] =	wrdreg s4  }
0x18: {  	s10 =	sadd.s32 $0x1FFFE00, s2;
	s11 =	smul.u32 $0xC80000, s0;
	[dreg:$0x14] =	wrdreg s12  }
0x19: {  	s8 =	sadd.s32 s14, s3;
	s14 =	simm.s32 $0x900;
	[dreg:$0x4] =	wrdreg s10  }
0x1a: {  	s4 =	sadd.s32 $0x800, s5;
	s15 =	sadd.s32 $0x4000, s8;
	[dreg:$0x16] =	wrdreg s14  }
0x1b: {  	s2 =	sshrl.u32 s2, $0x3;
	s16 =	sadd.s32 $0x2000, s8;
	[dreg:$0x7] =	wrdreg s15  }
0x1c: {  	s5 =	sadd.s32 $0x64800, s5;
	s22 =	sadd.s32 s4, s2;
	[dreg:$0x8] =	wrdreg s16  }
0x1d: {  	s0 =	ssub.s32 $0x2, s0;
	s8 =	simm.s32 $0x600;
	[smem:$0x7F4] =	sst s22  }
0x1e: {  	s18 =	sshrl.u32 s0, $0x1;
	s10 =	simm.s32 $0x700;
	[dreg:$0x11] =	wrdreg s8  }
0x1f: {  	s14 =	simm.s32 $0x80;
	s25 =	sadd.s32 $0x100, s22;
	[dreg:$0x13] =	wrdreg s10  }
0x20: {  	s13 =	sadd.s32 s11, s9;
	s9 =	simm.s32 $0x680;
	[smem:$0x7F5] =	sst s25  }
0x21: {  	s0 =	ssub.s32 s0, s18;
	s15 =	sadd.s32 $0x1000, s6;
	[dreg:$0x12] =	wrdreg s9  }
0x22: {  	s11 =	sor.u32 $0x800, s6;
	s16 =	simm.s32 $0x980;
	[smem:$0x7F9] =	sst s15  }
0x23: {  	s18 =	simm.s32 $0xA80;
	s22 =	simm.s32 $0xC80;
	[dreg:$0x17] =	wrdreg s16  }
0x24: {  	s7 =	sshrl.u32 s13, $0x3;
	s0 =	smax.u32 s0, $0x1;
	[dreg:$0x19] =	wrdreg s18  }
0x25: {  	s13 =	simm.s32 $0x880;
	s15 =	simm.s32 $0x9000;
	[dreg:$0x1d] =	wrdreg s22  }
0x26: {  	s16 =	simm.s32 $0xB000;
	s7 =	sadd.s32 s7, s3;
	[smem:$0x7F7] =	sst s0  }
0x27: {  	s18 =	simm.s32 $0xF000;
	[dreg:$0x6] =	wrdreg s7;
	s7 =	smul.u32 $0xC80000, s1  }
0x28: {  	s25 =	simm.s32 $0xE00;
	[dreg:$0x15] =	wrdreg s13;
	s1 =	sshrl.u32 s11, $0x3  }
0x29: {  	[smem:$0x7FA] =	sst s25;
	s1 =	sadd.s32 s1, s4;
	s30 =	sshrl.u32 s7, $0x3  }
0x2a: {  	[smem:$0x7F8] =	sst s1;
	s2 =	sadd.s32 s3, s30;
	s30 =	simm.s32 $0xF00  }
0x2b: {  	s22 =	simm.s32 $0x5;
	s2 =	sadd.s32 $0x18E000, s2;
	[smem:$0x7FC] =	sst s30  }
0x2c: {  	s25 =	simm.s32 $0x7000;
	s1 =	simm.s32 $0x0;
	[smem:$0x7F6] =	sst s2  }
.LBB2_1:
0x2d: {  	s11 =	sld [smem:$0x7F4];
	_ =	sdelay $0x1  }
0x2e: {  	s0 =	simm.s32 $0x0;
	s12 =	sld [smem:$0x7F5]  }
0x2f: {  	[tilespmem:s0], [sflag:$0x1] =	stream.linear.gather [hbm4b:s11+s0], $0x800, $0x38;
	[tilespmem:$0x11000] =	vst v63  }
0x30: {  	s11 =	simm.s32 $0x800  }
0x31: {  	[tilespmem:s11], [sflag:$0x2] =	stream.linear.gather [hbm4b:s12+s0], $0x800, $0x38;
	[tilespmem:$0x11000] =	vst v63  }
0x32: {  	[smem:$0x7F3] =	sst s1;
	s0 =	simm.s32 $0x1  }
0x33: {  	p0 =	por $0x1, $0x1;
	_ =	swait.ge [sflag:s0], $0x800  }
0x34: {  	s1 =	simm.s32 @p0 $0x80;
	[sflag:s0] =	ssyncset.done $0x0  }
0x35: {  	s2 =	simm.s32 @p0 $0x0;
	s6 =	simm.s32 @p0 $0x1000;
	[sflag:s0] =	ssyncadd.s32 $0xFFFFF800  }
0x36: {  	[tilespmem:s6], [sflag:$0x3] =	stream.indirect.gather @p0 [hbm4b:s5+s1], $0x40, s2, s1, $0xb8;
	[tilespmem:$0x11000] =	vst v63  }
0x37: {  	s2 =	simm.s32 @p0 $0x3000  }
0x38: {  	[tilespmem:s2], [sflag:$0x3] =	stream.indirect.gather @p0 [hbm4b:s5+s1], $0x40, s1, s1, $0xb8;
	[tilespmem:$0x11000] =	vst v63  }
0x39: {  	s6 =	simm.s32 @p0 $0x5000;
	s2 =	simm.s32 @p0 $0x100  }
0x3a: {  	[tilespmem:s6], [sflag:$0x3] =	stream.indirect.gather @p0 [hbm4b:s5+s1], $0x40, s2, s1, $0xb8;
	[tilespmem:$0x11000] =	vst v63  }
0x3b: {  	s8 =	simm.s32 @!p0 $0x1;
	s2 =	simm.s32 @p0 $0x180;
	s6 =	simm.s32 @p0 $0x7000  }
0x3c: {  	[tilespmem:s6], [sflag:$0x3] =	stream.indirect.gather @p0 [hbm4b:s5+s1], $0x40, s2, s1, $0xb8;
	[tilespmem:$0x11000] =	vst v63  }
0x3d: {  	_ =	swait.ge @!p0 [sflag:s8], $0x800  }
0x3e: {  	[sflag:s8] =	ssyncset.done @!p0 $0x0  }
0x3f: {  	s1 =	simm.s32 @!p0 $0x5;
	[sflag:s8] =	ssyncadd.s32 @!p0 $0xFFFFF800  }
0x40: {  	_ =	swait.ge @!p0 [sflag:s1], $0x8000  }
0x41: {  	s2 =	simm.s32 @!p0 $0x1000;
	[sflag:s1] =	ssyncset.done @!p0 $0x0  }
0x42: {  	s6 =	simm.s32 @!p0 $0x80;
	s8 =	simm.s32 @!p0 $0x0;
	[sflag:s1] =	ssyncadd.s32 @!p0 $0xFFFF8000  }
0x43: {  	[tilespmem:s2], [sflag:$0x3] =	stream.indirect.gather @!p0 [hbm4b:s5+s6], $0x40, s8, s6, $0xb8;
	[tilespmem:$0x11000] =	vst v63  }
0x44: {  	s1 =	simm.s32 @!p0 $0x3000  }
0x45: {  	[tilespmem:s1], [sflag:$0x3] =	stream.indirect.gather @!p0 [hbm4b:s5+s6], $0x40, s6, s6, $0xb8;
	[tilespmem:$0x11000] =	vst v63  }
0x46: {  	s2 =	simm.s32 @!p0 $0x5000;
	s1 =	simm.s32 @!p0 $0x100  }
0x47: {  	[tilespmem:s2], [sflag:$0x3] =	stream.indirect.gather @!p0 [hbm4b:s5+s6], $0x40, s1, s6, $0xb8;
	[tilespmem:$0x11000] =	vst v63  }
0x48: {  	s9 =	simm.s32 @!p0 $0x4;
	s1 =	simm.s32 @!p0 $0x180;
	s2 =	simm.s32 @!p0 $0x7000  }
0x49: {  	[tilespmem:s2], [sflag:$0x3] =	stream.indirect.gather @!p0 [hbm4b:s5+s6], $0x40, s1, s6, $0xb8;
	[tilespmem:$0x11000] =	vst v63  }
0x4a: {  	_ =	swait.ge @!p0 [sflag:s9], $0x2000  }
0x4b: {  	[sflag:s9] =	ssyncset.done @!p0 $0x0  }
0x4c: {  	[sflag:s9] =	ssyncadd.s32 @!p0 $0xFFFFE000  }
0x4d: {  	_ =	swait.ge @!p0 [sflag:s9], $0x2000  }
0x4e: {  	[sflag:s9] =	ssyncset.done @!p0 $0x0  }
0x4f: {  	[sflag:s9] =	ssyncadd.s32 @!p0 $0xFFFFE000  }
0x50: {  	_ =	swait.ge @!p0 [sflag:s9], $0x2000  }
0x51: {  	[sflag:s9] =	ssyncset.done @!p0 $0x0  }
0x52: {  	[sflag:s9] =	ssyncadd.s32 @!p0 $0xFFFFE000  }
0x53: {  	_ =	swait.ge @!p0 [sflag:s9], $0x2000  }
0x54: {  	s1 =	rddreg [dreg:$0x5]  }
0x55: {  	s2 =	simm.s32 @!p0 $0x9000;
	s1 =	sadd.s32 @!p0 $0x0, s1  }
0x56: {  	[sflag:s9] =	ssyncset.done @!p0 $0x0;
	s10 =	sld [smem:$0x7F8];
	s1 =	sand.u32 @!p0 $0x1FFFE000, s1  }
0x57: {  	[sflag:s9] =	ssyncadd.s32 @!p0 $0xFFFFE000;
	s9 =	simm.s32 @!p0 $0x40;
	s1 =	sadd.s32 @!p0 s3, s1  }
0x58: {  	[hbm4b:s1+s9] =	stream.strided.scatter @!p0 [tilespmem:s2], [sflag:$0x6], $0x8000, s6, s9, $0x38;
	[tilespmem:$0x11000] =	vst v63  }
0x59: {  	s1 =	simm.s32 @!p0 $0x800;
	s2 =	simm.s32 @!p0 $0x6  }
0x5a: {  	[tilespmem:s1], [sflag:$0x2] =	stream.linear.gather @!p0 [hbm4b:s10+s8], $0x800, $0x38;
	[tilespmem:$0x11000] =	vst v63  }
0x5b: {  	_ =	swait.ge @!p0 [sflag:s2], $0x8000  }
0x5c: {  	[sflag:s2] =	ssyncset.done @!p0 $0x0  }
0x5d: {  	s13 =	rddreg [dreg:$0x9];
	[sflag:s2] =	ssyncadd.s32 @!p0 $0xFFFF8000  }
0x5e: {  	[tilespmem:s15], [sflag:$0x4] =	stream.indirect.gather [hbm4b:s5+s14], $0x40, s13, s14, $0xb8;
	[tilespmem:$0x11000] =	vst v63  }
0x5f: {  	s30 =	rddreg [dreg:$0xa]  }
0x60: {  	[tilespmem:s16], [sflag:$0x4] =	stream.indirect.gather [hbm4b:s5+s14], $0x40, s30, s14, $0xb8;
	[tilespmem:$0x11000] =	vst v63  }
0x61: {  	s6 =	rddreg [dreg:$0xb]  }
0x62: {  	[tilespmem:s17], [sflag:$0x4] =	stream.indirect.gather [hbm4b:s5+s14], $0x40, s6, s14, $0xb8;
	[tilespmem:$0x11000] =	vst v63  }
0x63: {  	s8 =	rddreg [dreg:$0xc]  }
0x64: {  	[tilespmem:s18], [sflag:$0x4] =	stream.indirect.gather [hbm4b:s5+s14], $0x40, s8, s14, $0xb8;
	[tilespmem:$0x11000] =	vst v63  }
0x65: {  	_ =	swait.ge [sflag:s19], $0x2000  }
0x66: {  	[sflag:s19] =	ssyncset.done $0x0  }
0x67: {  	[sflag:s19] =	ssyncadd.s32 $0xFFFFE000  }
0x68: {  	_ =	swait.ge [sflag:s19], $0x2000  }
0x69: {  	[sflag:s19] =	ssyncset.done $0x0  }
0x6a: {  	[sflag:s19] =	ssyncadd.s32 $0xFFFFE000  }
0x6b: {  	_ =	swait.ge [sflag:s19], $0x2000  }
0x6c: {  	[sflag:s19] =	ssyncset.done $0x0  }
0x6d: {  	[sflag:s19] =	ssyncadd.s32 $0xFFFFE000  }
0x6e: {  	_ =	swait.ge [sflag:s19], $0x2000  }
0x6f: {  	s9 =	rddreg [dreg:$0x6];
	[sflag:s19] =	ssyncset.done $0x0  }
0x70: {  	[sflag:s19] =	ssyncadd.s32 $0xFFFFE000;
	s1 =	sadd.s32 $0x0, s9  }
0x71: {  	[hbm4b:s1+s20] =	stream.strided.scatter [tilespmem:s21], [sflag:$0x5], $0x8000, s14, s20, $0x38;
	[tilespmem:$0x11000] =	vst v63  }
0x72: {  	_ =	swait.ge [sflag:s22], $0x8000  }
0x73: {  	[sflag:s22] =	ssyncset.done $0x0  }
0x74: {  	s12 =	rddreg [dreg:$0xd];
	[sflag:s22] =	ssyncadd.s32 $0xFFFF8000  }
0x75: {  	[tilespmem:s21], [sflag:$0x3] =	stream.indirect.gather [hbm4b:s5+s14], $0x40, s12, s14, $0xb8;
	[tilespmem:$0x11000] =	vst v63  }
0x76: {  	s13 =	rddreg [dreg:$0xe]  }
0x77: {  	[tilespmem:s23], [sflag:$0x3] =	stream.indirect.gather [hbm4b:s5+s14], $0x40, s13, s14, $0xb8;
	[tilespmem:$0x11000] =	vst v63  }
0x78: {  	s30 =	rddreg [dreg:$0xf]  }
0x79: {  	[tilespmem:s24], [sflag:$0x3] =	stream.indirect.gather [hbm4b:s5+s14], $0x40, s30, s14, $0xb8;
	[tilespmem:$0x11000] =	vst v63  }
0x7a: {  	s6 =	rddreg [dreg:$0x10]  }
0x7b: {  	[tilespmem:s25], [sflag:$0x3] =	stream.indirect.gather [hbm4b:s5+s14], $0x40, s6, s14, $0xb8;
	[tilespmem:$0x11000] =	vst v63  }
0x7c: {  	_ =	swait.ge [sflag:s26], $0x2000  }
0x7d: {  	[sflag:s26] =	ssyncset.done $0x0  }
0x7e: {  	[sflag:s26] =	ssyncadd.s32 $0xFFFFE000  }
0x7f: {  	_ =	swait.ge [sflag:s26], $0x2000  }
0x80: {  	[sflag:s26] =	ssyncset.done $0x0  }
0x81: {  	[sflag:s26] =	ssyncadd.s32 $0xFFFFE000  }
0x82: {  	_ =	swait.ge [sflag:s26], $0x2000  }
0x83: {  	[sflag:s26] =	ssyncset.done $0x0  }
0x84: {  	[sflag:s26] =	ssyncadd.s32 $0xFFFFE000  }
0x85: {  	_ =	swait.ge [sflag:s26], $0x2000  }
0x86: {  	s8 =	rddreg [dreg:$0x8];
	[sflag:s26] =	ssyncset.done $0x0  }
0x87: {  	[sflag:s26] =	ssyncadd.s32 $0xFFFFE000;
	s1 =	sadd.s32 $0x0, s8  }
0x88: {  	[hbm4b:s1+s20] =	stream.strided.scatter [tilespmem:s15], [sflag:$0x6], $0x8000, s14, s20, $0x38;
	[tilespmem:$0x11000] =	vst v63  }
0x89: {  	_ =	swait.ge [sflag:s28], $0x8000  }
0x8a: {  	[sflag:s28] =	ssyncset.done $0x0  }
0x8b: {  	s9 =	rddreg [dreg:$0x11];
	[sflag:s28] =	ssyncadd.s32 $0xFFFF8000  }
0x8c: {  	[tilespmem:s15], [sflag:$0x4] =	stream.indirect.gather [hbm4b:s5+s14], $0x40, s9, s14, $0xb8;
	[tilespmem:$0x11000] =	vst v63  }
0x8d: {  	s12 =	rddreg [dreg:$0x12]  }
0x8e: {  	[tilespmem:s16], [sflag:$0x4] =	stream.indirect.gather [hbm4b:s5+s14], $0x40, s12, s14, $0xb8;
	[tilespmem:$0x11000] =	vst v63  }
0x8f: {  	s13 =	rddreg [dreg:$0x13]  }
0x90: {  	[tilespmem:s17], [sflag:$0x4] =	stream.indirect.gather [hbm4b:s5+s14], $0x40, s13, s14, $0xb8;
	[tilespmem:$0x11000] =	vst v63  }
0x91: {  	s30 =	rddreg [dreg:$0x14]  }
0x92: {  	[tilespmem:s18], [sflag:$0x4] =	stream.indirect.gather [hbm4b:s5+s14], $0x40, s30, s14, $0xb8;
	[tilespmem:$0x11000] =	vst v63  }
0x93: {  	_ =	swait.ge [sflag:s19], $0x2000  }
0x94: {  	[sflag:s19] =	ssyncset.done $0x0  }
0x95: {  	[sflag:s19] =	ssyncadd.s32 $0xFFFFE000  }
0x96: {  	_ =	swait.ge [sflag:s19], $0x2000  }
0x97: {  	[sflag:s19] =	ssyncset.done $0x0  }
0x98: {  	[sflag:s19] =	ssyncadd.s32 $0xFFFFE000  }
0x99: {  	_ =	swait.ge [sflag:s19], $0x2000  }
0x9a: {  	[sflag:s19] =	ssyncset.done $0x0  }
0x9b: {  	[sflag:s19] =	ssyncadd.s32 $0xFFFFE000  }
0x9c: {  	_ =	swait.ge [sflag:s19], $0x2000  }
0x9d: {  	s2 =	rddreg [dreg:$0x7];
	[sflag:s19] =	ssyncset.done $0x0  }
0x9e: {  	[sflag:s19] =	ssyncadd.s32 $0xFFFFE000;
	s1 =	sadd.s32 $0x0, s2  }
0x9f: {  	[hbm4b:s1+s20] =	stream.strided.scatter [tilespmem:s21], [sflag:$0x5], $0x8000, s14, s20, $0x38;
	[tilespmem:$0x11000] =	vst v63  }
0xa0: {  	_ =	swait.ge [sflag:s29], $0x800  }
0xa1: {  	[sflag:s29] =	ssyncset.done $0x0  }
0xa2: {  	[sflag:s29] =	ssyncadd.s32 $0xFFFFF800  }
0xa3: {  	_ =	swait.ge [sflag:s22], $0x8000  }
0xa4: {  	[sflag:s22] =	ssyncset.done $0x0  }
0xa5: {  	[sflag:s22] =	ssyncadd.s32 $0xFFFF8000  }
0xa6: {  	[tilespmem:s21], [sflag:$0x3] =	stream.indirect.gather [hbm4b:s5+s14], $0x40, s11, s14, $0xb8;
	[tilespmem:$0x11000] =	vst v63  }
0xa7: {  	s6 =	rddreg [dreg:$0x15]  }
0xa8: {  	[tilespmem:s23], [sflag:$0x3] =	stream.indirect.gather [hbm4b:s5+s14], $0x40, s6, s14, $0xb8;
	[tilespmem:$0x11000] =	vst v63  }
0xa9: {  	s8 =	rddreg [dreg:$0x16]  }
0xaa: {  	[tilespmem:s24], [sflag:$0x3] =	stream.indirect.gather [hbm4b:s5+s14], $0x40, s8, s14, $0xb8;
	[tilespmem:$0x11000] =	vst v63  }
0xab: {  	s9 =	rddreg [dreg:$0x17]  }
0xac: {  	[tilespmem:s25], [sflag:$0x3] =	stream.indirect.gather [hbm4b:s5+s14], $0x40, s9, s14, $0xb8;
	[tilespmem:$0x11000] =	vst v63  }
0xad: {  	_ =	swait.ge [sflag:s26], $0x2000  }
0xae: {  	[sflag:s26] =	ssyncset.done $0x0  }
0xaf: {  	[sflag:s26] =	ssyncadd.s32 $0xFFFFE000  }
0xb0: {  	_ =	swait.ge [sflag:s26], $0x2000  }
0xb1: {  	[sflag:s26] =	ssyncset.done $0x0  }
0xb2: {  	[sflag:s26] =	ssyncadd.s32 $0xFFFFE000  }
0xb3: {  	_ =	swait.ge [sflag:s26], $0x2000  }
0xb4: {  	[sflag:s26] =	ssyncset.done $0x0  }
0xb5: {  	[sflag:s26] =	ssyncadd.s32 $0xFFFFE000  }
0xb6: {  	s0 =	simm.s32 @p0 $0x1;
	_ =	swait.ge [sflag:s26], $0x2000  }
0xb7: {  	s1 =	sshll.u32 s0, $0xB;
	s11 =	rddreg [dreg:$0x4]  }
0xb8: {  	s9 =	sld [smem:$0x7F9];
	s2 =	sadd.s32 s1, s11  }
0xb9: {  	s2 =	sshll.u32 s2, $0x4  }
0xba: {  	p0 =	por $0x0, $0x0;
	[sflag:s26] =	ssyncset.done $0x0;
	s2 =	sand.u32 $0x1FFF6000, s2  }
0xbb: {  	[sflag:s26] =	ssyncadd.s32 $0xFFFFE000;
	s6 =	sshrl.u32 @!p0 s9, $0x3;
	s2 =	sadd.s32 s3, s2  }
0xbc: {  	[hbm4b:s2+s20] =	stream.strided.scatter [tilespmem:s15], [sflag:$0x6], $0x8000, s14, s20, $0x38;
	[tilespmem:$0x11000] =	vst v63  }
0xbd: {  	s6 =	sadd.s32 @!p0 s4, s6;
	s2 =	simm.s32 @!p0 $0x0  }
0xbe: {  	[tilespmem:s2], [sflag:$0x1] =	stream.linear.gather @!p0 [hbm4b:s6+s2], $0x800, $0x38;
	[tilespmem:$0x11000] =	vst v63  }
0xbf: {  	_ =	swait.ge [sflag:s28], $0x8000  }
0xc0: {  	[sflag:s28] =	ssyncset.done $0x0  }
0xc1: {  	s12 =	rddreg [dreg:$0x18];
	[sflag:s28] =	ssyncadd.s32 $0xFFFF8000  }
0xc2: {  	[tilespmem:s15], [sflag:$0x4] =	stream.indirect.gather [hbm4b:s5+s14], $0x40, s12, s14, $0xb8;
	[tilespmem:$0x11000] =	vst v63  }
0xc3: {  	s13 =	rddreg [dreg:$0x19]  }
0xc4: {  	[tilespmem:s16], [sflag:$0x4] =	stream.indirect.gather [hbm4b:s5+s14], $0x40, s13, s14, $0xb8;
	[tilespmem:$0x11000] =	vst v63  }
0xc5: {  	s30 =	rddreg [dreg:$0x1a]  }
0xc6: {  	[tilespmem:s17], [sflag:$0x4] =	stream.indirect.gather [hbm4b:s5+s14], $0x40, s30, s14, $0xb8;
	[tilespmem:$0x11000] =	vst v63  }
0xc7: {  	s8 =	rddreg [dreg:$0x1b]  }
0xc8: {  	[tilespmem:s18], [sflag:$0x4] =	stream.indirect.gather [hbm4b:s5+s14], $0x40, s8, s14, $0xb8;
	[tilespmem:$0x11000] =	vst v63  }
0xc9: {  	_ =	swait.ge [sflag:s19], $0x2000  }
0xca: {  	[sflag:s19] =	ssyncset.done $0x0  }
0xcb: {  	[sflag:s19] =	ssyncadd.s32 $0xFFFFE000  }
0xcc: {  	_ =	swait.ge [sflag:s19], $0x2000  }
0xcd: {  	[sflag:s19] =	ssyncset.done $0x0  }
0xce: {  	[sflag:s19] =	ssyncadd.s32 $0xFFFFE000  }
0xcf: {  	_ =	swait.ge [sflag:s19], $0x2000  }
0xd0: {  	[sflag:s19] =	ssyncset.done $0x0  }
0xd1: {  	s0 =	sshll.u32 s0, $0x12;
	[sflag:s19] =	ssyncadd.s32 $0xFFFFE000  }
0xd2: {  	s0 =	sadd.s32 s7, s0;
	_ =	swait.ge [sflag:s19], $0x2000  }
0xd3: {  	s0 =	sshrl.u32 s0, $0x3;
	[sflag:s19] =	ssyncset.done $0x0  }
0xd4: {  	s0 =	sadd.s32 s3, s0;
	[sflag:s19] =	ssyncadd.s32 $0xFFFFE000  }
0xd5: {  	[hbm4b:s0+s20] =	stream.strided.scatter [tilespmem:s21], [sflag:$0x5], $0x8000, s14, s20, $0x38;
	[tilespmem:$0x11000] =	vst v63  }
0xd6: {  	_ =	swait.ge [sflag:s22], $0x8000  }
0xd7: {  	[sflag:s22] =	ssyncset.done $0x0  }
0xd8: {  	s11 =	rddreg [dreg:$0x1c];
	[sflag:s22] =	ssyncadd.s32 $0xFFFF8000  }
0xd9: {  	[tilespmem:s21], [sflag:$0x3] =	stream.indirect.gather [hbm4b:s5+s14], $0x40, s11, s14, $0xb8;
	[tilespmem:$0x11000] =	vst v63  }
0xda: {  	s12 =	rddreg [dreg:$0x1d]  }
0xdb: {  	[tilespmem:s23], [sflag:$0x3] =	stream.indirect.gather [hbm4b:s5+s14], $0x40, s12, s14, $0xb8;
	[tilespmem:$0x11000] =	vst v63  }
0xdc: {  	s13 =	rddreg [dreg:$0x1e]  }
0xdd: {  	[tilespmem:s24], [sflag:$0x3] =	stream.indirect.gather [hbm4b:s5+s14], $0x40, s13, s14, $0xb8;
	[tilespmem:$0x11000] =	vst v63  }
0xde: {  	s30 =	rddreg [dreg:$0x1f]  }
0xdf: {  	[tilespmem:s25], [sflag:$0x3] =	stream.indirect.gather [hbm4b:s5+s14], $0x40, s30, s14, $0xb8;
	[tilespmem:$0x11000] =	vst v63  }
0xe0: {  	_ =	swait.ge [sflag:s26], $0x2000  }
0xe1: {  	[sflag:s26] =	ssyncset.done $0x0  }
0xe2: {  	[sflag:s26] =	ssyncadd.s32 $0xFFFFE000  }
0xe3: {  	_ =	swait.ge [sflag:s26], $0x2000  }
0xe4: {  	[sflag:s26] =	ssyncset.done $0x0  }
0xe5: {  	[sflag:s26] =	ssyncadd.s32 $0xFFFFE000  }
0xe6: {  	_ =	swait.ge [sflag:s26], $0x2000  }
0xe7: {  	[sflag:s26] =	ssyncset.done $0x0  }
0xe8: {  	[sflag:s26] =	ssyncadd.s32 $0xFFFFE000  }
0xe9: {  	_ =	swait.ge [sflag:s26], $0x2000  }
0xea: {  	s6 =	rddreg [dreg:$0x2]  }
0xeb: {  	s0 =	sadd.s32 s1, s6  }
0xec: {  	s0 =	sshll.u32 s0, $0x4  }
0xed: {  	[sflag:s26] =	ssyncset.done $0x0;
	s0 =	sand.u32 $0x1FFFA000, s0  }
0xee: {  	[sflag:s26] =	ssyncadd.s32 $0xFFFFE000;
	s0 =	sadd.s32 s3, s0  }
0xef: {  	[hbm4b:s0+s20] =	stream.strided.scatter [tilespmem:s15], [sflag:$0x6], $0x8000, s14, s20, $0x38;
	[tilespmem:$0x11000] =	vst v63  }
0xf0: {  	_ =	swait.ge [sflag:s28], $0x8000  }
0xf1: {  	s8 =	sld [smem:$0x7FA]  }
0xf2: {  	[sflag:s28] =	ssyncset.done $0x0  }
0xf3: {  	s11 =	sld [smem:$0x7FB];
	[sflag:s28] =	ssyncadd.s32 $0xFFFF8000  }
0xf4: {  	[tilespmem:s15], [sflag:$0x4] =	stream.indirect.gather [hbm4b:s5+s14], $0x40, s8, s14, $0xb8;
	[tilespmem:$0x11000] =	vst v63  }
0xf5: {  	s12 =	sld [smem:$0x7FC]  }
0xf6: {  	[tilespmem:s16], [sflag:$0x4] =	stream.indirect.gather [hbm4b:s5+s14], $0x40, s11, s14, $0xb8;
	[tilespmem:$0x11000] =	vst v63  }
0xf7: {  	s13 =	sld [smem:$0x7FD]  }
0xf8: {  	[tilespmem:s17], [sflag:$0x4] =	stream.indirect.gather [hbm4b:s5+s14], $0x40, s12, s14, $0xb8;
	[tilespmem:$0x11000] =	vst v63  }
0xf9: {  	_ = 	snop  }
0xfa: {  	[tilespmem:s18], [sflag:$0x4] =	stream.indirect.gather [hbm4b:s5+s14], $0x40, s13, s14, $0xb8;
	[tilespmem:$0x11000] =	vst v63  }
0xfb: {  	_ =	swait.ge [sflag:s19], $0x2000  }
0xfc: {  	[sflag:s19] =	ssyncset.done $0x0  }
0xfd: {  	[sflag:s19] =	ssyncadd.s32 $0xFFFFE000  }
0xfe: {  	_ =	swait.ge [sflag:s19], $0x2000  }
0xff: {  	[sflag:s19] =	ssyncset.done $0x0  }
0x100: {  	[sflag:s19] =	ssyncadd.s32 $0xFFFFE000  }
0x101: {  	_ =	swait.ge [sflag:s19], $0x2000  }
0x102: {  	[sflag:s19] =	ssyncset.done $0x0  }
0x103: {  	[sflag:s19] =	ssyncadd.s32 $0xFFFFE000  }
0x104: {  	_ =	swait.ge [sflag:s19], $0x2000  }
0x105: {  	s31 =	simm.s32 $0x3;
	s0 =	simm.s32 $0x10000;
	s30 =	rddreg [dreg:$0x3]  }
0x106: {  	s8 =	simm.s32 $0x20000;
	[sflag:s19] =	ssyncset.done $0x0;
	s1 =	sadd.s32 s1, s30  }
0x107: {  	[sflag:s19] =	ssyncadd.s32 $0xFFFFE000;
	s2 =	sshll.u32 s1, $0x4;
	s1 =	sadd.s32 $0x1000, s9  }
0x108: {  	s9 =	simm.s32 $0x5;
	s6 =	sand.u32 $0x1FFFC000, s2;
	s2 =	sadd.s32 $0x200, s10  }
.LBB2_2:
0x109: {  	p1 =	seq.s32 s0, $0x0;
	s6 =	sadd.s32 s3, s6  }
0x10a: {  	[hbm4b:s6+s20] =	stream.strided.scatter [tilespmem:s21], [sflag:$0x5], $0x8000, s14, s20, $0x38;
	[tilespmem:$0x11000] =	vst v63  }
0x10b: {  	s6 =	simm.s32 @p1 $0x80;
	s11 =	simm.s32 @p1 $0x0;
	s12 =	simm.s32 @p1 $0x1000  }
0x10c: {  	[tilespmem:s12], [sflag:$0x3] =	stream.indirect.gather @p1 [hbm4b:s5+s6], $0x40, s11, s6, $0xb8;
	[tilespmem:$0x11000] =	vst v63  }
0x10d: {  	s11 =	simm.s32 @p1 $0x3000  }
0x10e: {  	[tilespmem:s11], [sflag:$0x3] =	stream.indirect.gather @p1 [hbm4b:s5+s6], $0x40, s6, s6, $0xb8;
	[tilespmem:$0x11000] =	vst v63  }
0x10f: {  	s12 =	simm.s32 @p1 $0x5000;
	s11 =	simm.s32 @p1 $0x100  }
0x110: {  	[tilespmem:s12], [sflag:$0x3] =	stream.indirect.gather @p1 [hbm4b:s5+s6], $0x40, s11, s6, $0xb8;
	[tilespmem:$0x11000] =	vst v63  }
0x111: {  	s30 =	simm.s32 @!p1 $0x1;
	s11 =	simm.s32 @p1 $0x180;
	s12 =	simm.s32 @p1 $0x7000  }
0x112: {  	[tilespmem:s12], [sflag:$0x3] =	stream.indirect.gather @p1 [hbm4b:s5+s6], $0x40, s11, s6, $0xb8;
	[tilespmem:$0x11000] =	vst v63  }
0x113: {  	_ =	swait.ge @!p1 [sflag:s30], $0x800  }
0x114: {  	[sflag:s30] =	ssyncset.done @!p1 $0x0  }
0x115: {  	s6 =	simm.s32 @!p1 $0x5;
	[sflag:s30] =	ssyncadd.s32 @!p1 $0xFFFFF800  }
0x116: {  	_ =	swait.ge @!p1 [sflag:s6], $0x8000  }
0x117: {  	s11 =	simm.s32 @!p1 $0x1000;
	[sflag:s6] =	ssyncset.done @!p1 $0x0  }
0x118: {  	s12 =	simm.s32 @!p1 $0x80;
	s30 =	simm.s32 @!p1 $0x0;
	[sflag:s6] =	ssyncadd.s32 @!p1 $0xFFFF8000  }
0x119: {  	[tilespmem:s11], [sflag:$0x3] =	stream.indirect.gather @!p1 [hbm4b:s5+s12], $0x40, s30, s12, $0xb8;
	[tilespmem:$0x11000] =	vst v63  }
0x11a: {  	s6 =	simm.s32 @!p1 $0x3000  }
0x11b: {  	[tilespmem:s6], [sflag:$0x3] =	stream.indirect.gather @!p1 [hbm4b:s5+s12], $0x40, s12, s12, $0xb8;
	[tilespmem:$0x11000] =	vst v63  }
0x11c: {  	s11 =	simm.s32 @!p1 $0x5000;
	s6 =	simm.s32 @!p1 $0x100  }
0x11d: {  	[tilespmem:s11], [sflag:$0x3] =	stream.indirect.gather @!p1 [hbm4b:s5+s12], $0x40, s6, s12, $0xb8;
	[tilespmem:$0x11000] =	vst v63  }
0x11e: {  	s13 =	simm.s32 @!p1 $0x4;
	s6 =	simm.s32 @!p1 $0x180;
	s11 =	simm.s32 @!p1 $0x7000  }
0x11f: {  	[tilespmem:s11], [sflag:$0x3] =	stream.indirect.gather @!p1 [hbm4b:s5+s12], $0x40, s6, s12, $0xb8;
	[tilespmem:$0x11000] =	vst v63  }
0x120: {  	_ =	swait.ge @!p1 [sflag:s13], $0x2000  }
0x121: {  	[sflag:s13] =	ssyncset.done @!p1 $0x0  }
0x122: {  	[sflag:s13] =	ssyncadd.s32 @!p1 $0xFFFFE000  }
0x123: {  	_ =	swait.ge @!p1 [sflag:s13], $0x2000  }
0x124: {  	[sflag:s13] =	ssyncset.done @!p1 $0x0  }
0x125: {  	[sflag:s13] =	ssyncadd.s32 @!p1 $0xFFFFE000  }
0x126: {  	_ =	swait.ge @!p1 [sflag:s13], $0x2000  }
0x127: {  	[sflag:s13] =	ssyncset.done @!p1 $0x0  }
0x128: {  	[sflag:s13] =	ssyncadd.s32 @!p1 $0xFFFFE000  }
0x129: {  	_ =	swait.ge @!p1 [sflag:s13], $0x2000  }
0x12a: {  	s6 =	rddreg [dreg:$0x5]  }
0x12b: {  	s6 =	sadd.s32 @!p1 s0, s6  }
0x12c: {  	s11 =	simm.s32 @!p1 $0x9000;
	[sflag:s13] =	ssyncset.done @!p1 $0x0;
	s6 =	sand.u32 @!p1 $0x1FFFE000, s6  }
0x12d: {  	[sflag:s13] =	ssyncadd.s32 @!p1 $0xFFFFE000;
	s13 =	simm.s32 @!p1 $0x40;
	s6 =	sadd.s32 @!p1 s3, s6  }
0x12e: {  	[hbm4b:s6+s13] =	stream.strided.scatter @!p1 [tilespmem:s11], [sflag:$0x6], $0x8000, s12, s13, $0x38;
	[tilespmem:$0x11000] =	vst v63  }
0x12f: {  	s6 =	simm.s32 @!p1 $0x800;
	s11 =	simm.s32 @!p1 $0x6  }
0x130: {  	[tilespmem:s6], [sflag:$0x2] =	stream.linear.gather @!p1 [hbm4b:s2+s30], $0x800, $0x38;
	[tilespmem:$0x11000] =	vst v63  }
0x131: {  	_ =	swait.ge @!p1 [sflag:s11], $0x8000  }
0x132: {  	[sflag:s11] =	ssyncset.done @!p1 $0x0  }
0x133: {  	s30 =	rddreg [dreg:$0x9];
	[sflag:s11] =	ssyncadd.s32 @!p1 $0xFFFF8000  }
0x134: {  	[tilespmem:s15], [sflag:$0x4] =	stream.indirect.gather [hbm4b:s5+s14], $0x40, s30, s14, $0xb8;
	[tilespmem:$0x11000] =	vst v63  }
0x135: {  	s12 =	rddreg [dreg:$0xa]  }
0x136: {  	[tilespmem:s16], [sflag:$0x4] =	stream.indirect.gather [hbm4b:s5+s14], $0x40, s12, s14, $0xb8;
	[tilespmem:$0x11000] =	vst v63  }
0x137: {  	s13 =	rddreg [dreg:$0xb]  }
0x138: {  	[tilespmem:s17], [sflag:$0x4] =	stream.indirect.gather [hbm4b:s5+s14], $0x40, s13, s14, $0xb8;
	[tilespmem:$0x11000] =	vst v63  }
0x139: {  	s30 =	rddreg [dreg:$0xc]  }
0x13a: {  	[tilespmem:s18], [sflag:$0x4] =	stream.indirect.gather [hbm4b:s5+s14], $0x40, s30, s14, $0xb8;
	[tilespmem:$0x11000] =	vst v63  }
0x13b: {  	_ =	swait.ge [sflag:s19], $0x2000  }
0x13c: {  	[sflag:s19] =	ssyncset.done $0x0  }
0x13d: {  	[sflag:s19] =	ssyncadd.s32 $0xFFFFE000  }
0x13e: {  	_ =	swait.ge [sflag:s19], $0x2000  }
0x13f: {  	[sflag:s19] =	ssyncset.done $0x0  }
0x140: {  	[sflag:s19] =	ssyncadd.s32 $0xFFFFE000  }
0x141: {  	_ =	swait.ge [sflag:s19], $0x2000  }
0x142: {  	[sflag:s19] =	ssyncset.done $0x0  }
0x143: {  	[sflag:s19] =	ssyncadd.s32 $0xFFFFE000  }
0x144: {  	_ =	swait.ge [sflag:s19], $0x2000  }
0x145: {  	s12 =	rddreg [dreg:$0x6];
	[sflag:s19] =	ssyncset.done $0x0  }
0x146: {  	[sflag:s19] =	ssyncadd.s32 $0xFFFFE000;
	s6 =	sadd.s32 s0, s12  }
0x147: {  	[hbm4b:s6+s20] =	stream.strided.scatter [tilespmem:s21], [sflag:$0x5], $0x8000, s14, s20, $0x38;
	[tilespmem:$0x11000] =	vst v63  }
0x148: {  	_ =	swait.ge [sflag:s22], $0x8000  }
0x149: {  	[sflag:s22] =	ssyncset.done $0x0  }
0x14a: {  	s13 =	rddreg [dreg:$0xd];
	[sflag:s22] =	ssyncadd.s32 $0xFFFF8000  }
0x14b: {  	[tilespmem:s21], [sflag:$0x3] =	stream.indirect.gather [hbm4b:s5+s14], $0x40, s13, s14, $0xb8;
	[tilespmem:$0x11000] =	vst v63  }
0x14c: {  	s30 =	rddreg [dreg:$0xe]  }
0x14d: {  	[tilespmem:s23], [sflag:$0x3] =	stream.indirect.gather [hbm4b:s5+s14], $0x40, s30, s14, $0xb8;
	[tilespmem:$0x11000] =	vst v63  }
0x14e: {  	s12 =	rddreg [dreg:$0xf]  }
0x14f: {  	[tilespmem:s24], [sflag:$0x3] =	stream.indirect.gather [hbm4b:s5+s14], $0x40, s12, s14, $0xb8;
	[tilespmem:$0x11000] =	vst v63  }
0x150: {  	s13 =	rddreg [dreg:$0x10]  }
0x151: {  	[tilespmem:s25], [sflag:$0x3] =	stream.indirect.gather [hbm4b:s5+s14], $0x40, s13, s14, $0xb8;
	[tilespmem:$0x11000] =	vst v63  }
0x152: {  	_ =	swait.ge [sflag:s26], $0x2000  }
0x153: {  	[sflag:s26] =	ssyncset.done $0x0  }
0x154: {  	[sflag:s26] =	ssyncadd.s32 $0xFFFFE000  }
0x155: {  	_ =	swait.ge [sflag:s26], $0x2000  }
0x156: {  	[sflag:s26] =	ssyncset.done $0x0  }
0x157: {  	[sflag:s26] =	ssyncadd.s32 $0xFFFFE000  }
0x158: {  	_ =	swait.ge [sflag:s26], $0x2000  }
0x159: {  	[sflag:s26] =	ssyncset.done $0x0  }
0x15a: {  	[sflag:s26] =	ssyncadd.s32 $0xFFFFE000  }
0x15b: {  	_ =	swait.ge [sflag:s26], $0x2000  }
0x15c: {  	s30 =	rddreg [dreg:$0x8];
	[sflag:s26] =	ssyncset.done $0x0  }
0x15d: {  	[sflag:s26] =	ssyncadd.s32 $0xFFFFE000;
	s6 =	sadd.s32 s0, s30  }
0x15e: {  	[hbm4b:s6+s20] =	stream.strided.scatter [tilespmem:s15], [sflag:$0x6], $0x8000, s14, s20, $0x38;
	[tilespmem:$0x11000] =	vst v63  }
0x15f: {  	_ =	swait.ge [sflag:s28], $0x8000  }
0x160: {  	[sflag:s28] =	ssyncset.done $0x0  }
0x161: {  	s11 =	rddreg [dreg:$0x11];
	[sflag:s28] =	ssyncadd.s32 $0xFFFF8000  }
0x162: {  	[tilespmem:s15], [sflag:$0x4] =	stream.indirect.gather [hbm4b:s5+s14], $0x40, s11, s14, $0xb8;
	[tilespmem:$0x11000] =	vst v63  }
0x163: {  	s12 =	rddreg [dreg:$0x12]  }
0x164: {  	[tilespmem:s16], [sflag:$0x4] =	stream.indirect.gather [hbm4b:s5+s14], $0x40, s12, s14, $0xb8;
	[tilespmem:$0x11000] =	vst v63  }
0x165: {  	s13 =	rddreg [dreg:$0x13]  }
0x166: {  	[tilespmem:s17], [sflag:$0x4] =	stream.indirect.gather [hbm4b:s5+s14], $0x40, s13, s14, $0xb8;
	[tilespmem:$0x11000] =	vst v63  }
0x167: {  	s30 =	rddreg [dreg:$0x14]  }
0x168: {  	[tilespmem:s18], [sflag:$0x4] =	stream.indirect.gather [hbm4b:s5+s14], $0x40, s30, s14, $0xb8;
	[tilespmem:$0x11000] =	vst v63  }
0x169: {  	_ =	swait.ge [sflag:s19], $0x2000  }
0x16a: {  	[sflag:s19] =	ssyncset.done $0x0  }
0x16b: {  	[sflag:s19] =	ssyncadd.s32 $0xFFFFE000  }
0x16c: {  	_ =	swait.ge [sflag:s19], $0x2000  }
0x16d: {  	[sflag:s19] =	ssyncset.done $0x0  }
0x16e: {  	[sflag:s19] =	ssyncadd.s32 $0xFFFFE000  }
0x16f: {  	_ =	swait.ge [sflag:s19], $0x2000  }
0x170: {  	[sflag:s19] =	ssyncset.done $0x0  }
0x171: {  	[sflag:s19] =	ssyncadd.s32 $0xFFFFE000  }
0x172: {  	_ =	swait.ge [sflag:s19], $0x2000  }
0x173: {  	s11 =	rddreg [dreg:$0x7];
	[sflag:s19] =	ssyncset.done $0x0  }
0x174: {  	[sflag:s19] =	ssyncadd.s32 $0xFFFFE000;
	s6 =	sadd.s32 s0, s11  }
0x175: {  	[hbm4b:s6+s20] =	stream.strided.scatter [tilespmem:s21], [sflag:$0x5], $0x8000, s14, s20, $0x38;
	[tilespmem:$0x11000] =	vst v63  }
0x176: {  	_ =	swait.ge [sflag:s29], $0x800  }
0x177: {  	[sflag:s29] =	ssyncset.done $0x0  }
0x178: {  	[sflag:s29] =	ssyncadd.s32 $0xFFFFF800  }
0x179: {  	_ =	swait.ge [sflag:s22], $0x8000  }
0x17a: {  	[sflag:s22] =	ssyncset.done $0x0  }
0x17b: {  	s13 =	simm.s32 $0x800;
	[sflag:s22] =	ssyncadd.s32 $0xFFFF8000  }
0x17c: {  	[tilespmem:s21], [sflag:$0x3] =	stream.indirect.gather [hbm4b:s5+s14], $0x40, s13, s14, $0xb8;
	[tilespmem:$0x11000] =	vst v63  }
0x17d: {  	s12 =	rddreg [dreg:$0x15]  }
0x17e: {  	[tilespmem:s23], [sflag:$0x3] =	stream.indirect.gather [hbm4b:s5+s14], $0x40, s12, s14, $0xb8;
	[tilespmem:$0x11000] =	vst v63  }
0x17f: {  	s30 =	rddreg [dreg:$0x16]  }
0x180: {  	[tilespmem:s24], [sflag:$0x3] =	stream.indirect.gather [hbm4b:s5+s14], $0x40, s30, s14, $0xb8;
	[tilespmem:$0x11000] =	vst v63  }
0x181: {  	s12 =	rddreg [dreg:$0x17]  }
0x182: {  	[tilespmem:s25], [sflag:$0x3] =	stream.indirect.gather [hbm4b:s5+s14], $0x40, s12, s14, $0xb8;
	[tilespmem:$0x11000] =	vst v63  }
0x183: {  	_ =	swait.ge [sflag:s26], $0x2000  }
0x184: {  	[sflag:s26] =	ssyncset.done $0x0  }
0x185: {  	[sflag:s26] =	ssyncadd.s32 $0xFFFFE000  }
0x186: {  	_ =	swait.ge [sflag:s26], $0x2000  }
0x187: {  	[sflag:s26] =	ssyncset.done $0x0  }
0x188: {  	[sflag:s26] =	ssyncadd.s32 $0xFFFFE000  }
0x189: {  	_ =	swait.ge [sflag:s26], $0x2000  }
0x18a: {  	[sflag:s26] =	ssyncset.done $0x0  }
0x18b: {  	s11 =	smov.u32 s31;
	[sflag:s26] =	ssyncadd.s32 $0xFFFFE000  }
0x18c: {  	s11 =	simm.s32 @p1 $0x1;
	_ =	swait.ge [sflag:s26], $0x2000  }
0x18d: {  	s6 =	sshll.u32 s11, $0xB;
	s13 =	rddreg [dreg:$0x4]  }
0x18e: {  	s12 =	sadd.s32 s6, s13  }
0x18f: {  	s12 =	sshll.u32 s12, $0x4  }
0x190: {  	p1 =	seq.s32 s0, $0x180000;
	[sflag:s26] =	ssyncset.done $0x0;
	s12 =	sand.u32 $0x1FFF6000, s12  }
0x191: {  	[sflag:s26] =	ssyncadd.s32 $0xFFFFE000;
	s30 =	sadd.s32 s3, s12;
	s12 =	sshrl.u32 @!p1 s1, $0x3  }
0x192: {  	[hbm4b:s30+s20] =	stream.strided.scatter [tilespmem:s15], [sflag:$0x6], $0x8000, s14, s20, $0x38;
	[tilespmem:$0x11000] =	vst v63  }
0x193: {  	s13 =	simm.s32 @!p1 $0x0;
	s12 =	sadd.s32 @!p1 s4, s12  }
0x194: {  	[tilespmem:s13], [sflag:$0x1] =	stream.linear.gather @!p1 [hbm4b:s12+s13], $0x800, $0x38;
	[tilespmem:$0x11000] =	vst v63  }
0x195: {  	_ =	swait.ge [sflag:s28], $0x8000  }
0x196: {  	[sflag:s28] =	ssyncset.done $0x0  }
0x197: {  	s30 =	rddreg [dreg:$0x18];
	[sflag:s28] =	ssyncadd.s32 $0xFFFF8000  }
0x198: {  	[tilespmem:s15], [sflag:$0x4] =	stream.indirect.gather [hbm4b:s5+s14], $0x40, s30, s14, $0xb8;
	[tilespmem:$0x11000] =	vst v63  }
0x199: {  	s12 =	rddreg [dreg:$0x19]  }
0x19a: {  	[tilespmem:s16], [sflag:$0x4] =	stream.indirect.gather [hbm4b:s5+s14], $0x40, s12, s14, $0xb8;
	[tilespmem:$0x11000] =	vst v63  }
0x19b: {  	s13 =	rddreg [dreg:$0x1a]  }
0x19c: {  	[tilespmem:s17], [sflag:$0x4] =	stream.indirect.gather [hbm4b:s5+s14], $0x40, s13, s14, $0xb8;
	[tilespmem:$0x11000] =	vst v63  }
0x19d: {  	s30 =	rddreg [dreg:$0x1b]  }
0x19e: {  	[tilespmem:s18], [sflag:$0x4] =	stream.indirect.gather [hbm4b:s5+s14], $0x40, s30, s14, $0xb8;
	[tilespmem:$0x11000] =	vst v63  }
0x19f: {  	_ =	swait.ge [sflag:s19], $0x2000  }
0x1a0: {  	[sflag:s19] =	ssyncset.done $0x0  }
0x1a1: {  	[sflag:s19] =	ssyncadd.s32 $0xFFFFE000  }
0x1a2: {  	_ =	swait.ge [sflag:s19], $0x2000  }
0x1a3: {  	[sflag:s19] =	ssyncset.done $0x0  }
0x1a4: {  	[sflag:s19] =	ssyncadd.s32 $0xFFFFE000  }
0x1a5: {  	_ =	swait.ge [sflag:s19], $0x2000  }
0x1a6: {  	[sflag:s19] =	ssyncset.done $0x0  }
0x1a7: {  	s11 =	sshll.u32 s11, $0x12;
	[sflag:s19] =	ssyncadd.s32 $0xFFFFE000  }
0x1a8: {  	s11 =	sadd.s32 s7, s11;
	_ =	swait.ge [sflag:s19], $0x2000  }
0x1a9: {  	s11 =	sshrl.u32 s11, $0x3;
	[sflag:s19] =	ssyncset.done $0x0  }
0x1aa: {  	s30 =	sadd.s32 s3, s11;
	[sflag:s19] =	ssyncadd.s32 $0xFFFFE000  }
0x1ab: {  	[hbm4b:s30+s20] =	stream.strided.scatter [tilespmem:s21], [sflag:$0x5], $0x8000, s14, s20, $0x38;
	[tilespmem:$0x11000] =	vst v63  }
0x1ac: {  	_ =	swait.ge [sflag:s22], $0x8000  }
0x1ad: {  	[sflag:s22] =	ssyncset.done $0x0  }
0x1ae: {  	s11 =	rddreg [dreg:$0x1c];
	[sflag:s22] =	ssyncadd.s32 $0xFFFF8000  }
0x1af: {  	[tilespmem:s21], [sflag:$0x3] =	stream.indirect.gather [hbm4b:s5+s14], $0x40, s11, s14, $0xb8;
	[tilespmem:$0x11000] =	vst v63  }
0x1b0: {  	s12 =	rddreg [dreg:$0x1d]  }
0x1b1: {  	[tilespmem:s23], [sflag:$0x3] =	stream.indirect.gather [hbm4b:s5+s14], $0x40, s12, s14, $0xb8;
	[tilespmem:$0x11000] =	vst v63  }
0x1b2: {  	s30 =	rddreg [dreg:$0x1e]  }
0x1b3: {  	[tilespmem:s24], [sflag:$0x3] =	stream.indirect.gather [hbm4b:s5+s14], $0x40, s30, s14, $0xb8;
	[tilespmem:$0x11000] =	vst v63  }
0x1b4: {  	s13 =	rddreg [dreg:$0x1f]  }
0x1b5: {  	[tilespmem:s25], [sflag:$0x3] =	stream.indirect.gather [hbm4b:s5+s14], $0x40, s13, s14, $0xb8;
	[tilespmem:$0x11000] =	vst v63  }
0x1b6: {  	_ =	swait.ge [sflag:s26], $0x2000  }
0x1b7: {  	[sflag:s26] =	ssyncset.done $0x0  }
0x1b8: {  	[sflag:s26] =	ssyncadd.s32 $0xFFFFE000  }
0x1b9: {  	_ =	swait.ge [sflag:s26], $0x2000  }
0x1ba: {  	[sflag:s26] =	ssyncset.done $0x0  }
0x1bb: {  	[sflag:s26] =	ssyncadd.s32 $0xFFFFE000  }
0x1bc: {  	_ =	swait.ge [sflag:s26], $0x2000  }
0x1bd: {  	[sflag:s26] =	ssyncset.done $0x0  }
0x1be: {  	[sflag:s26] =	ssyncadd.s32 $0xFFFFE000  }
0x1bf: {  	_ =	swait.ge [sflag:s26], $0x2000  }
0x1c0: {  	s10 =	smov.u32 s8;
	s30 =	rddreg [dreg:$0x2]  }
0x1c1: {  	s0 =	smov.u32 s10;
	s10 =	sadd.s32 s6, s30  }
0x1c2: {  	s10 =	sshll.u32 s10, $0x4  }
0x1c3: {  	[sflag:s26] =	ssyncset.done $0x0;
	s10 =	sand.u32 $0x1FFFA000, s10  }
0x1c4: {  	[sflag:s26] =	ssyncadd.s32 $0xFFFFE000;
	s10 =	sadd.s32 s3, s10  }
0x1c5: {  	[hbm4b:s10+s20] =	stream.strided.scatter [tilespmem:s15], [sflag:$0x6], $0x8000, s14, s20, $0x38;
	[tilespmem:$0x11000] =	vst v63  }
0x1c6: {  	_ =	swait.ge [sflag:s28], $0x8000  }
0x1c7: {  	s11 =	sld [smem:$0x7FA]  }
0x1c8: {  	[sflag:s28] =	ssyncset.done $0x0  }
0x1c9: {  	s12 =	sld [smem:$0x7FB];
	[sflag:s28] =	ssyncadd.s32 $0xFFFF8000  }
0x1ca: {  	[tilespmem:s15], [sflag:$0x4] =	stream.indirect.gather [hbm4b:s5+s14], $0x40, s11, s14, $0xb8;
	[tilespmem:$0x11000] =	vst v63  }
0x1cb: {  	s30 =	sld [smem:$0x7FC]  }
0x1cc: {  	[tilespmem:s16], [sflag:$0x4] =	stream.indirect.gather [hbm4b:s5+s14], $0x40, s12, s14, $0xb8;
	[tilespmem:$0x11000] =	vst v63  }
0x1cd: {  	s13 =	sld [smem:$0x7FD]  }
0x1ce: {  	[tilespmem:s17], [sflag:$0x4] =	stream.indirect.gather [hbm4b:s5+s14], $0x40, s30, s14, $0xb8;
	[tilespmem:$0x11000] =	vst v63  }
0x1cf: {  	_ = 	snop  }
0x1d0: {  	[tilespmem:s18], [sflag:$0x4] =	stream.indirect.gather [hbm4b:s5+s14], $0x40, s13, s14, $0xb8;
	[tilespmem:$0x11000] =	vst v63  }
0x1d1: {  	_ =	swait.ge [sflag:s19], $0x2000  }
0x1d2: {  	[sflag:s19] =	ssyncset.done $0x0  }
0x1d3: {  	[sflag:s19] =	ssyncadd.s32 $0xFFFFE000  }
0x1d4: {  	_ =	swait.ge [sflag:s19], $0x2000  }
0x1d5: {  	[sflag:s19] =	ssyncset.done $0x0  }
0x1d6: {  	[sflag:s19] =	ssyncadd.s32 $0xFFFFE000  }
0x1d7: {  	_ =	swait.ge [sflag:s19], $0x2000  }
0x1d8: {  	s8 =	sadd.s32 $0x10000, s8;
	[sflag:s19] =	ssyncset.done $0x0  }
0x1d9: {  	p0 =	sne.s32 s8, $0x190000;
	[sflag:s19] =	ssyncadd.s32 $0xFFFFE000  }
.Ltmp0:
0x1da: {  	_ =	swait.ge [sflag:s19], $0x2000;
	(pc) =	sbr.rel @p0 .LBB2_2-.Ltmp0, $4  }
0x1db: {  	s30 =	rddreg [dreg:$0x3]  }
0x1dc: {  	s2 =	sadd.s32 $0x200, s2;
	s31 =	smov.u32 s9;
	s6 =	sadd.s32 s6, s30  }
0x1dd: {  	s9 =	sadd.s32 $0x2, s9;
	[sflag:s19] =	ssyncset.done $0x0;
	s6 =	sshll.u32 s6, $0x4  }
0x1de: {  	s1 =	sadd.s32 $0x1000, s1;
	[sflag:s19] =	ssyncadd.s32 $0xFFFFE000;
	s6 =	sand.u32 $0x1FFFC000, s6  }
0x1df: {  	p0 =	seq.s32 s0, $0x0;
	s6 =	sadd.s32 s3, s6  }
0x1e0: {  	[hbm4b:s6+s20] =	stream.strided.scatter [tilespmem:s21], [sflag:$0x5], $0x8000, s14, s20, $0x38;
	[tilespmem:$0x11000] =	vst v63  }
0x1e1: {  	s6 =	simm.s32 @p0 $0x80;
	s8 =	simm.s32 @p0 $0x0;
	s9 =	simm.s32 @p0 $0x1000  }
0x1e2: {  	[tilespmem:s9], [sflag:$0x3] =	stream.indirect.gather @p0 [hbm4b:s5+s6], $0x40, s8, s6, $0xb8;
	[tilespmem:$0x11000] =	vst v63  }
0x1e3: {  	s8 =	simm.s32 @p0 $0x3000  }
0x1e4: {  	[tilespmem:s8], [sflag:$0x3] =	stream.indirect.gather @p0 [hbm4b:s5+s6], $0x40, s6, s6, $0xb8;
	[tilespmem:$0x11000] =	vst v63  }
0x1e5: {  	s9 =	simm.s32 @p0 $0x5000;
	s8 =	simm.s32 @p0 $0x100  }
0x1e6: {  	[tilespmem:s9], [sflag:$0x3] =	stream.indirect.gather @p0 [hbm4b:s5+s6], $0x40, s8, s6, $0xb8;
	[tilespmem:$0x11000] =	vst v63  }
0x1e7: {  	s10 =	simm.s32 @!p0 $0x1;
	s8 =	simm.s32 @p0 $0x180;
	s9 =	simm.s32 @p0 $0x7000  }
0x1e8: {  	[tilespmem:s9], [sflag:$0x3] =	stream.indirect.gather @p0 [hbm4b:s5+s6], $0x40, s8, s6, $0xb8;
	[tilespmem:$0x11000] =	vst v63  }
0x1e9: {  	_ =	swait.ge @!p0 [sflag:s10], $0x800  }
0x1ea: {  	[sflag:s10] =	ssyncset.done @!p0 $0x0  }
0x1eb: {  	s6 =	simm.s32 @!p0 $0x5;
	[sflag:s10] =	ssyncadd.s32 @!p0 $0xFFFFF800  }
0x1ec: {  	_ =	swait.ge @!p0 [sflag:s6], $0x8000  }
0x1ed: {  	s8 =	simm.s32 @!p0 $0x1000;
	[sflag:s6] =	ssyncset.done @!p0 $0x0  }
0x1ee: {  	s9 =	simm.s32 @!p0 $0x80;
	s10 =	simm.s32 @!p0 $0x0;
	[sflag:s6] =	ssyncadd.s32 @!p0 $0xFFFF8000  }
0x1ef: {  	[tilespmem:s8], [sflag:$0x3] =	stream.indirect.gather @!p0 [hbm4b:s5+s9], $0x40, s10, s9, $0xb8;
	[tilespmem:$0x11000] =	vst v63  }
0x1f0: {  	s6 =	simm.s32 @!p0 $0x3000  }
0x1f1: {  	[tilespmem:s6], [sflag:$0x3] =	stream.indirect.gather @!p0 [hbm4b:s5+s9], $0x40, s9, s9, $0xb8;
	[tilespmem:$0x11000] =	vst v63  }
0x1f2: {  	s8 =	simm.s32 @!p0 $0x5000;
	s6 =	simm.s32 @!p0 $0x100  }
0x1f3: {  	[tilespmem:s8], [sflag:$0x3] =	stream.indirect.gather @!p0 [hbm4b:s5+s9], $0x40, s6, s9, $0xb8;
	[tilespmem:$0x11000] =	vst v63  }
0x1f4: {  	s11 =	simm.s32 @!p0 $0x4;
	s6 =	simm.s32 @!p0 $0x180;
	s8 =	simm.s32 @!p0 $0x7000  }
0x1f5: {  	[tilespmem:s8], [sflag:$0x3] =	stream.indirect.gather @!p0 [hbm4b:s5+s9], $0x40, s6, s9, $0xb8;
	[tilespmem:$0x11000] =	vst v63  }
0x1f6: {  	_ =	swait.ge @!p0 [sflag:s11], $0x2000  }
0x1f7: {  	[sflag:s11] =	ssyncset.done @!p0 $0x0  }
0x1f8: {  	[sflag:s11] =	ssyncadd.s32 @!p0 $0xFFFFE000  }
0x1f9: {  	_ =	swait.ge @!p0 [sflag:s11], $0x2000  }
0x1fa: {  	[sflag:s11] =	ssyncset.done @!p0 $0x0  }
0x1fb: {  	[sflag:s11] =	ssyncadd.s32 @!p0 $0xFFFFE000  }
0x1fc: {  	_ =	swait.ge @!p0 [sflag:s11], $0x2000  }
0x1fd: {  	[sflag:s11] =	ssyncset.done @!p0 $0x0  }
0x1fe: {  	[sflag:s11] =	ssyncadd.s32 @!p0 $0xFFFFE000  }
0x1ff: {  	_ =	swait.ge @!p0 [sflag:s11], $0x2000  }
0x200: {  	s6 =	rddreg [dreg:$0x5]  }
0x201: {  	s6 =	sadd.s32 @!p0 s0, s6  }
0x202: {  	s8 =	simm.s32 @!p0 $0x9000;
	[sflag:s11] =	ssyncset.done @!p0 $0x0;
	s6 =	sand.u32 @!p0 $0x1FFFE000, s6  }
0x203: {  	[sflag:s11] =	ssyncadd.s32 @!p0 $0xFFFFE000;
	s11 =	simm.s32 @!p0 $0x40;
	s6 =	sadd.s32 @!p0 s3, s6  }
0x204: {  	[hbm4b:s6+s11] =	stream.strided.scatter @!p0 [tilespmem:s8], [sflag:$0x6], $0x8000, s9, s11, $0x38;
	[tilespmem:$0x11000] =	vst v63  }
0x205: {  	s6 =	simm.s32 @!p0 $0x800  }
0x206: {  	[tilespmem:s6], [sflag:$0x2] =	stream.linear.gather @!p0 [hbm4b:s2+s10], $0x800, $0x38;
	[tilespmem:$0x11000] =	vst v63  }
0x207: {  	s2 =	simm.s32 @!p0 $0x6  }
0x208: {  	_ =	swait.ge @!p0 [sflag:s2], $0x8000  }
0x209: {  	[sflag:s2] =	ssyncset.done @!p0 $0x0  }
0x20a: {  	s8 =	rddreg [dreg:$0x9];
	[sflag:s2] =	ssyncadd.s32 @!p0 $0xFFFF8000  }
0x20b: {  	[tilespmem:s15], [sflag:$0x4] =	stream.indirect.gather [hbm4b:s5+s14], $0x40, s8, s14, $0xb8;
	[tilespmem:$0x11000] =	vst v63  }
0x20c: {  	s9 =	rddreg [dreg:$0xa]  }
0x20d: {  	[tilespmem:s16], [sflag:$0x4] =	stream.indirect.gather [hbm4b:s5+s14], $0x40, s9, s14, $0xb8;
	[tilespmem:$0x11000] =	vst v63  }
0x20e: {  	s10 =	rddreg [dreg:$0xb]  }
0x20f: {  	[tilespmem:s17], [sflag:$0x4] =	stream.indirect.gather [hbm4b:s5+s14], $0x40, s10, s14, $0xb8;
	[tilespmem:$0x11000] =	vst v63  }
0x210: {  	s11 =	rddreg [dreg:$0xc]  }
0x211: {  	[tilespmem:s18], [sflag:$0x4] =	stream.indirect.gather [hbm4b:s5+s14], $0x40, s11, s14, $0xb8;
	[tilespmem:$0x11000] =	vst v63  }
0x212: {  	_ =	swait.ge [sflag:s19], $0x2000  }
0x213: {  	[sflag:s19] =	ssyncset.done $0x0  }
0x214: {  	[sflag:s19] =	ssyncadd.s32 $0xFFFFE000  }
0x215: {  	_ =	swait.ge [sflag:s19], $0x2000  }
0x216: {  	[sflag:s19] =	ssyncset.done $0x0  }
0x217: {  	[sflag:s19] =	ssyncadd.s32 $0xFFFFE000  }
0x218: {  	_ =	swait.ge [sflag:s19], $0x2000  }
0x219: {  	[sflag:s19] =	ssyncset.done $0x0  }
0x21a: {  	[sflag:s19] =	ssyncadd.s32 $0xFFFFE000  }
0x21b: {  	_ =	swait.ge [sflag:s19], $0x2000  }
0x21c: {  	s12 =	rddreg [dreg:$0x6];
	[sflag:s19] =	ssyncset.done $0x0  }
0x21d: {  	[sflag:s19] =	ssyncadd.s32 $0xFFFFE000;
	s2 =	sadd.s32 s0, s12  }
0x21e: {  	[hbm4b:s2+s20] =	stream.strided.scatter [tilespmem:s21], [sflag:$0x5], $0x8000, s14, s20, $0x38;
	[tilespmem:$0x11000] =	vst v63  }
0x21f: {  	_ =	swait.ge [sflag:s22], $0x8000  }
0x220: {  	[sflag:s22] =	ssyncset.done $0x0  }
0x221: {  	s13 =	rddreg [dreg:$0xd];
	[sflag:s22] =	ssyncadd.s32 $0xFFFF8000  }
0x222: {  	[tilespmem:s21], [sflag:$0x3] =	stream.indirect.gather [hbm4b:s5+s14], $0x40, s13, s14, $0xb8;
	[tilespmem:$0x11000] =	vst v63  }
0x223: {  	s30 =	rddreg [dreg:$0xe]  }
0x224: {  	[tilespmem:s23], [sflag:$0x3] =	stream.indirect.gather [hbm4b:s5+s14], $0x40, s30, s14, $0xb8;
	[tilespmem:$0x11000] =	vst v63  }
0x225: {  	s8 =	rddreg [dreg:$0xf]  }
0x226: {  	[tilespmem:s24], [sflag:$0x3] =	stream.indirect.gather [hbm4b:s5+s14], $0x40, s8, s14, $0xb8;
	[tilespmem:$0x11000] =	vst v63  }
0x227: {  	s9 =	rddreg [dreg:$0x10]  }
0x228: {  	[tilespmem:s25], [sflag:$0x3] =	stream.indirect.gather [hbm4b:s5+s14], $0x40, s9, s14, $0xb8;
	[tilespmem:$0x11000] =	vst v63  }
0x229: {  	_ =	swait.ge [sflag:s26], $0x2000  }
0x22a: {  	[sflag:s26] =	ssyncset.done $0x0  }
0x22b: {  	[sflag:s26] =	ssyncadd.s32 $0xFFFFE000  }
0x22c: {  	_ =	swait.ge [sflag:s26], $0x2000  }
0x22d: {  	[sflag:s26] =	ssyncset.done $0x0  }
0x22e: {  	[sflag:s26] =	ssyncadd.s32 $0xFFFFE000  }
0x22f: {  	_ =	swait.ge [sflag:s26], $0x2000  }
0x230: {  	[sflag:s26] =	ssyncset.done $0x0  }
0x231: {  	[sflag:s26] =	ssyncadd.s32 $0xFFFFE000  }
0x232: {  	_ =	swait.ge [sflag:s26], $0x2000  }
0x233: {  	s10 =	rddreg [dreg:$0x8];
	[sflag:s26] =	ssyncset.done $0x0  }
0x234: {  	[sflag:s26] =	ssyncadd.s32 $0xFFFFE000;
	s2 =	sadd.s32 s0, s10  }
0x235: {  	[hbm4b:s2+s20] =	stream.strided.scatter [tilespmem:s15], [sflag:$0x6], $0x8000, s14, s20, $0x38;
	[tilespmem:$0x11000] =	vst v63  }
0x236: {  	_ =	swait.ge [sflag:s28], $0x8000  }
0x237: {  	[sflag:s28] =	ssyncset.done $0x0  }
0x238: {  	s11 =	rddreg [dreg:$0x11];
	[sflag:s28] =	ssyncadd.s32 $0xFFFF8000  }
0x239: {  	[tilespmem:s15], [sflag:$0x4] =	stream.indirect.gather [hbm4b:s5+s14], $0x40, s11, s14, $0xb8;
	[tilespmem:$0x11000] =	vst v63  }
0x23a: {  	s12 =	rddreg [dreg:$0x12]  }
0x23b: {  	[tilespmem:s16], [sflag:$0x4] =	stream.indirect.gather [hbm4b:s5+s14], $0x40, s12, s14, $0xb8;
	[tilespmem:$0x11000] =	vst v63  }
0x23c: {  	s13 =	rddreg [dreg:$0x13]  }
0x23d: {  	[tilespmem:s17], [sflag:$0x4] =	stream.indirect.gather [hbm4b:s5+s14], $0x40, s13, s14, $0xb8;
	[tilespmem:$0x11000] =	vst v63  }
0x23e: {  	s30 =	rddreg [dreg:$0x14]  }
0x23f: {  	[tilespmem:s18], [sflag:$0x4] =	stream.indirect.gather [hbm4b:s5+s14], $0x40, s30, s14, $0xb8;
	[tilespmem:$0x11000] =	vst v63  }
0x240: {  	_ =	swait.ge [sflag:s19], $0x2000  }
0x241: {  	[sflag:s19] =	ssyncset.done $0x0  }
0x242: {  	[sflag:s19] =	ssyncadd.s32 $0xFFFFE000  }
0x243: {  	_ =	swait.ge [sflag:s19], $0x2000  }
0x244: {  	[sflag:s19] =	ssyncset.done $0x0  }
0x245: {  	[sflag:s19] =	ssyncadd.s32 $0xFFFFE000  }
0x246: {  	_ =	swait.ge [sflag:s19], $0x2000  }
0x247: {  	[sflag:s19] =	ssyncset.done $0x0  }
0x248: {  	[sflag:s19] =	ssyncadd.s32 $0xFFFFE000  }
0x249: {  	_ =	swait.ge [sflag:s19], $0x2000  }
0x24a: {  	s8 =	rddreg [dreg:$0x7];
	[sflag:s19] =	ssyncset.done $0x0  }
0x24b: {  	[sflag:s19] =	ssyncadd.s32 $0xFFFFE000;
	s2 =	sadd.s32 s0, s8  }
0x24c: {  	[hbm4b:s2+s20] =	stream.strided.scatter [tilespmem:s21], [sflag:$0x5], $0x8000, s14, s20, $0x38;
	[tilespmem:$0x11000] =	vst v63  }
0x24d: {  	_ =	swait.ge [sflag:s29], $0x800  }
0x24e: {  	[sflag:s29] =	ssyncset.done $0x0  }
0x24f: {  	[sflag:s29] =	ssyncadd.s32 $0xFFFFF800  }
0x250: {  	_ =	swait.ge [sflag:s22], $0x8000  }
0x251: {  	[sflag:s22] =	ssyncset.done $0x0  }
0x252: {  	s10 =	simm.s32 $0x800;
	[sflag:s22] =	ssyncadd.s32 $0xFFFF8000  }
0x253: {  	[tilespmem:s21], [sflag:$0x3] =	stream.indirect.gather [hbm4b:s5+s14], $0x40, s10, s14, $0xb8;
	[tilespmem:$0x11000] =	vst v63  }
0x254: {  	s9 =	rddreg [dreg:$0x15]  }
0x255: {  	[tilespmem:s23], [sflag:$0x3] =	stream.indirect.gather [hbm4b:s5+s14], $0x40, s9, s14, $0xb8;
	[tilespmem:$0x11000] =	vst v63  }
0x256: {  	s11 =	rddreg [dreg:$0x16]  }
0x257: {  	[tilespmem:s24], [sflag:$0x3] =	stream.indirect.gather [hbm4b:s5+s14], $0x40, s11, s14, $0xb8;
	[tilespmem:$0x11000] =	vst v63  }
0x258: {  	s12 =	rddreg [dreg:$0x17]  }
0x259: {  	[tilespmem:s25], [sflag:$0x3] =	stream.indirect.gather [hbm4b:s5+s14], $0x40, s12, s14, $0xb8;
	[tilespmem:$0x11000] =	vst v63  }
0x25a: {  	_ =	swait.ge [sflag:s26], $0x2000  }
0x25b: {  	[sflag:s26] =	ssyncset.done $0x0  }
0x25c: {  	[sflag:s26] =	ssyncadd.s32 $0xFFFFE000  }
0x25d: {  	_ =	swait.ge [sflag:s26], $0x2000  }
0x25e: {  	[sflag:s26] =	ssyncset.done $0x0  }
0x25f: {  	[sflag:s26] =	ssyncadd.s32 $0xFFFFE000  }
0x260: {  	_ =	swait.ge [sflag:s26], $0x2000  }
0x261: {  	[sflag:s26] =	ssyncset.done $0x0  }
0x262: {  	[sflag:s26] =	ssyncadd.s32 $0xFFFFE000  }
0x263: {  	s31 =	simm.s32 @p0 $0x1;
	_ =	swait.ge [sflag:s26], $0x2000  }
0x264: {  	s2 =	sshll.u32 s31, $0xB;
	s13 =	rddreg [dreg:$0x4]  }
0x265: {  	s6 =	sadd.s32 s2, s13  }
0x266: {  	s6 =	sshll.u32 s6, $0x4  }
0x267: {  	p0 =	seq.s32 s0, $0x180000;
	[sflag:s26] =	ssyncset.done $0x0;
	s30 =	sand.u32 $0x1FFF6000, s6  }
0x268: {  	s1 =	sshrl.u32 @!p0 s1, $0x3;
	[sflag:s26] =	ssyncadd.s32 $0xFFFFE000;
	s0 =	sadd.s32 s3, s30  }
0x269: {  	[hbm4b:s0+s20] =	stream.strided.scatter [tilespmem:s15], [sflag:$0x6], $0x8000, s14, s20, $0x38;
	[tilespmem:$0x11000] =	vst v63  }
0x26a: {  	s1 =	sadd.s32 @!p0 s4, s1;
	s0 =	simm.s32 @!p0 $0x0  }
0x26b: {  	[tilespmem:s0], [sflag:$0x1] =	stream.linear.gather @!p0 [hbm4b:s1+s0], $0x800, $0x38;
	[tilespmem:$0x11000] =	vst v63  }
0x26c: {  	_ =	swait.ge [sflag:s28], $0x8000  }
0x26d: {  	[sflag:s28] =	ssyncset.done $0x0  }
0x26e: {  	s6 =	rddreg [dreg:$0x18];
	[sflag:s28] =	ssyncadd.s32 $0xFFFF8000  }
0x26f: {  	[tilespmem:s15], [sflag:$0x4] =	stream.indirect.gather [hbm4b:s5+s14], $0x40, s6, s14, $0xb8;
	[tilespmem:$0x11000] =	vst v63  }
0x270: {  	s8 =	rddreg [dreg:$0x19]  }
0x271: {  	[tilespmem:s16], [sflag:$0x4] =	stream.indirect.gather [hbm4b:s5+s14], $0x40, s8, s14, $0xb8;
	[tilespmem:$0x11000] =	vst v63  }
0x272: {  	s9 =	rddreg [dreg:$0x1a]  }
0x273: {  	[tilespmem:s17], [sflag:$0x4] =	stream.indirect.gather [hbm4b:s5+s14], $0x40, s9, s14, $0xb8;
	[tilespmem:$0x11000] =	vst v63  }
0x274: {  	s10 =	rddreg [dreg:$0x1b]  }
0x275: {  	[tilespmem:s18], [sflag:$0x4] =	stream.indirect.gather [hbm4b:s5+s14], $0x40, s10, s14, $0xb8;
	[tilespmem:$0x11000] =	vst v63  }
0x276: {  	_ =	swait.ge [sflag:s19], $0x2000  }
0x277: {  	[sflag:s19] =	ssyncset.done $0x0  }
0x278: {  	[sflag:s19] =	ssyncadd.s32 $0xFFFFE000  }
0x279: {  	_ =	swait.ge [sflag:s19], $0x2000  }
0x27a: {  	[sflag:s19] =	ssyncset.done $0x0  }
0x27b: {  	[sflag:s19] =	ssyncadd.s32 $0xFFFFE000  }
0x27c: {  	_ =	swait.ge [sflag:s19], $0x2000  }
0x27d: {  	[sflag:s19] =	ssyncset.done $0x0  }
0x27e: {  	s11 =	sshll.u32 s31, $0x12;
	[sflag:s19] =	ssyncadd.s32 $0xFFFFE000  }
0x27f: {  	s0 =	sadd.s32 s7, s11;
	_ =	swait.ge [sflag:s19], $0x2000  }
0x280: {  	s0 =	sshrl.u32 s0, $0x3;
	[sflag:s19] =	ssyncset.done $0x0  }
0x281: {  	s0 =	sadd.s32 s3, s0;
	[sflag:s19] =	ssyncadd.s32 $0xFFFFE000  }
0x282: {  	[hbm4b:s0+s20] =	stream.strided.scatter [tilespmem:s21], [sflag:$0x5], $0x8000, s14, s20, $0x38;
	[tilespmem:$0x11000] =	vst v63  }
0x283: {  	_ =	swait.ge [sflag:s22], $0x8000  }
0x284: {  	[sflag:s22] =	ssyncset.done $0x0  }
0x285: {  	s12 =	rddreg [dreg:$0x1c];
	[sflag:s22] =	ssyncadd.s32 $0xFFFF8000  }
0x286: {  	[tilespmem:s21], [sflag:$0x3] =	stream.indirect.gather [hbm4b:s5+s14], $0x40, s12, s14, $0xb8;
	[tilespmem:$0x11000] =	vst v63  }
0x287: {  	s13 =	rddreg [dreg:$0x1d]  }
0x288: {  	[tilespmem:s23], [sflag:$0x3] =	stream.indirect.gather [hbm4b:s5+s14], $0x40, s13, s14, $0xb8;
	[tilespmem:$0x11000] =	vst v63  }
0x289: {  	s30 =	rddreg [dreg:$0x1e]  }
0x28a: {  	[tilespmem:s24], [sflag:$0x3] =	stream.indirect.gather [hbm4b:s5+s14], $0x40, s30, s14, $0xb8;
	[tilespmem:$0x11000] =	vst v63  }
0x28b: {  	s31 =	rddreg [dreg:$0x1f]  }
0x28c: {  	[tilespmem:s25], [sflag:$0x3] =	stream.indirect.gather [hbm4b:s5+s14], $0x40, s31, s14, $0xb8;
	[tilespmem:$0x11000] =	vst v63  }
0x28d: {  	_ =	swait.ge [sflag:s26], $0x2000  }
0x28e: {  	[sflag:s26] =	ssyncset.done $0x0  }
0x28f: {  	[sflag:s26] =	ssyncadd.s32 $0xFFFFE000  }
0x290: {  	_ =	swait.ge [sflag:s26], $0x2000  }
0x291: {  	[sflag:s26] =	ssyncset.done $0x0  }
0x292: {  	[sflag:s26] =	ssyncadd.s32 $0xFFFFE000  }
0x293: {  	_ =	swait.ge [sflag:s26], $0x2000  }
0x294: {  	[sflag:s26] =	ssyncset.done $0x0  }
0x295: {  	[sflag:s26] =	ssyncadd.s32 $0xFFFFE000  }
0x296: {  	_ =	swait.ge [sflag:s26], $0x2000  }
0x297: {  	s6 =	rddreg [dreg:$0x2]  }
0x298: {  	s0 =	sadd.s32 s2, s6  }
0x299: {  	s0 =	sshll.u32 s0, $0x4  }
0x29a: {  	[sflag:s26] =	ssyncset.done $0x0;
	s0 =	sand.u32 $0x1FFFA000, s0  }
0x29b: {  	[sflag:s26] =	ssyncadd.s32 $0xFFFFE000;
	s0 =	sadd.s32 s3, s0  }
0x29c: {  	[hbm4b:s0+s20] =	stream.strided.scatter [tilespmem:s15], [sflag:$0x6], $0x8000, s14, s20, $0x38;
	[tilespmem:$0x11000] =	vst v63  }
0x29d: {  	_ =	swait.ge [sflag:s28], $0x8000  }
0x29e: {  	s8 =	sld [smem:$0x7FA]  }
0x29f: {  	[sflag:s28] =	ssyncset.done $0x0  }
0x2a0: {  	s9 =	sld [smem:$0x7FB];
	[sflag:s28] =	ssyncadd.s32 $0xFFFF8000  }
0x2a1: {  	[tilespmem:s15], [sflag:$0x4] =	stream.indirect.gather [hbm4b:s5+s14], $0x40, s8, s14, $0xb8;
	[tilespmem:$0x11000] =	vst v63  }
0x2a2: {  	s10 =	sld [smem:$0x7FC]  }
0x2a3: {  	[tilespmem:s16], [sflag:$0x4] =	stream.indirect.gather [hbm4b:s5+s14], $0x40, s9, s14, $0xb8;
	[tilespmem:$0x11000] =	vst v63  }
0x2a4: {  	s11 =	sld [smem:$0x7FD]  }
0x2a5: {  	[tilespmem:s17], [sflag:$0x4] =	stream.indirect.gather [hbm4b:s5+s14], $0x40, s10, s14, $0xb8;
	[tilespmem:$0x11000] =	vst v63  }
0x2a6: {  	_ = 	snop  }
0x2a7: {  	[tilespmem:s18], [sflag:$0x4] =	stream.indirect.gather [hbm4b:s5+s14], $0x40, s11, s14, $0xb8;
	[tilespmem:$0x11000] =	vst v63  }
0x2a8: {  	_ =	swait.ge [sflag:s19], $0x2000  }
0x2a9: {  	[sflag:s19] =	ssyncset.done $0x0  }
0x2aa: {  	[sflag:s19] =	ssyncadd.s32 $0xFFFFE000  }
0x2ab: {  	_ =	swait.ge [sflag:s19], $0x2000  }
0x2ac: {  	[sflag:s19] =	ssyncset.done $0x0  }
0x2ad: {  	[sflag:s19] =	ssyncadd.s32 $0xFFFFE000  }
0x2ae: {  	_ =	swait.ge [sflag:s19], $0x2000  }
0x2af: {  	[sflag:s19] =	ssyncset.done $0x0  }
0x2b0: {  	[sflag:s19] =	ssyncadd.s32 $0xFFFFE000  }
0x2b1: {  	_ =	swait.ge [sflag:s19], $0x2000  }
0x2b2: {  	s12 =	rddreg [dreg:$0x3]  }
0x2b3: {  	s0 =	sadd.s32 s2, s12  }
0x2b4: {  	s0 =	sshll.u32 s0, $0x4  }
0x2b5: {  	[sflag:s19] =	ssyncset.done $0x0;
	s0 =	sand.u32 $0x1FFFC000, s0  }
0x2b6: {  	[sflag:s19] =	ssyncadd.s32 $0xFFFFE000;
	s0 =	sadd.s32 s3, s0  }
0x2b7: {  	[hbm4b:s0+s20] =	stream.strided.scatter [tilespmem:s21], [sflag:$0x5], $0x8000, s14, s20, $0x38;
	[tilespmem:$0x11000] =	vst v63  }
0x2b8: {  	_ =	swait.ge [sflag:s26], $0x2000  }
0x2b9: {  	[sflag:s26] =	ssyncset.done $0x0  }
0x2ba: {  	[sflag:s26] =	ssyncadd.s32 $0xFFFFE000  }
0x2bb: {  	_ =	swait.ge [sflag:s26], $0x2000  }
0x2bc: {  	[sflag:s26] =	ssyncset.done $0x0  }
0x2bd: {  	[sflag:s26] =	ssyncadd.s32 $0xFFFFE000  }
0x2be: {  	_ =	swait.ge [sflag:s26], $0x2000  }
0x2bf: {  	[sflag:s26] =	ssyncset.done $0x0  }
0x2c0: {  	[sflag:s26] =	ssyncadd.s32 $0xFFFFE000  }
0x2c1: {  	_ =	swait.ge [sflag:s26], $0x2000  }
0x2c2: {  	s13 =	sld [smem:$0x7F6]  }
0x2c3: {  	[sflag:s26] =	ssyncset.done $0x0  }
0x2c4: {  	[sflag:s26] =	ssyncadd.s32 $0xFFFFE000  }
0x2c5: {  	[hbm4b:s13+s20] =	stream.strided.scatter [tilespmem:s15], [sflag:$0x6], $0x8000, s14, s20, $0x38;
	[tilespmem:$0x11000] =	vst v63  }
0x2c6: {  	_ =	swait.ge [sflag:s22], $0x8000  }
0x2c7: {  	[sflag:s22] =	ssyncset.done $0x0  }
0x2c8: {  	[sflag:s22] =	ssyncadd.s32 $0xFFFF8000  }
0x2c9: {  	_ =	swait.ge [sflag:s28], $0x8000  }
0x2ca: {  	s30 =	sld [smem:$0x7F3]  }
0x2cb: {  	s31 =	sld [smem:$0x7F7];
	_ =	sdelay $0x1  }
0x2cc: {  	s1 =	sadd.s32 $0x1, s30  }
0x2cd: {  	p0 =	sne.s32 s1, s31  }
.Ltmp1:
0x2ce: {  	_ = 	snop;
	(pc) =	sbr.rel @p0 .LBB2_1-.Ltmp1, $3  }
0x2cf: {  	_ =	sdelay $0x1  }
0x2d0: {  	[sflag:s28] =	ssyncset.done $0x0  }
0x2d1: {  	[sflag:s28] =	ssyncadd.s32 $0xFFFF8000  }
0x2d2: {  	_ =	sfence.sel $0x180000  }
0x2d3: {  	[bflag:$0x0] =	sbarrier.arrive $0xFFFF  }
0x2d4: {  	_ =	strace $0x90000047  }
0x2d5: {  	s0 =	stileid.u32;
	[bflag:$0x2] =	sbarrier.arrive $0xFFFF  }
0x2d6: {  	p0 =	sne.s32 s0, $0x0;
	s0 =	rddreg [dreg:$0x1]  }
0x2d7: {  	s0 =	sadd.s32 @!p0 $0x100000, s0  }
0x2d8: {  	[sflag:s0] =	ssyncadd.tile.s32 @!p0 $0x1;
	_ =	shalt  }
.Lfunc_end2:
_tile_overlayer_lowered:
.L_overlay_start_2:
0x2d9: {  	(tag) =	ssettag $0x2  }
0x2da: {  	s0 =	rddreg [dreg:$0x0];
	s2 =	stileid.u32  }
0x2db: {  	s1 =	rddreg [dreg:$0x1];
	p0 =	sne.s32 s2, $0x0  }
0x2dc: {  	s3 =	rddreg [dreg:$0x2];
	[bflag:$0x3] =	sbarrier.arrive $0xFFFF;
	s2 =	simm.s32 @!p0 $0x1C07  }
0x2dd: {  	[timem:s3], [sflag:s2] =	dma.local @!p0 [hbm:s0], s1  }
0x2de: {  	s0 =	simm.s32 @!p0 $0x7  }
0x2df: {  	_ =	swait.ge @!p0 [sflag:s0], s1  }
0x2e0: {  	s1 =	ssub.s32 @!p0 $0x0, s1;
	[sflag:s0] =	ssyncset.done @!p0 $0x0  }
0x2e1: {  	[sflag:s0] =	ssyncadd.s32 @!p0 s1  }
0x2e2: {  	[bflag:$0x3] =	sbarrier.arrive $0xFFFF  }
0x2e3: {  	_ =	shalt  }

// kernel: sparse-core-data-format-call.cloned.1.call-start
scs
called_computation_lowered:
.L_overlay_start_0:
0x0: {  	s2 =	sld [smem:$0x3FD9]  }
0x1: {  	s3 =	sld [smem:$0x3FFE];
	_ =	sdelay $0x1  }
0x2: {  	s1 =	srdreg.scid  }
0x3: {  	s0 =	sand.u32 $0x1, s1  }
0x4: {  	s18 =	sshll.u32 s0, $0xA;
	s2 =	sadd.s32 s3, s2  }
0x5: {  	s2 =	sadd.s32 s2, s18  }
0x6: {  	[smem:$0x3FC6] =	sst s2  }
0x7: {  	_ = 	snop  }
0x8: {  	s2 =	sld [smem:$0x3FD0];
	(tm) =	ssettm $0x1  }
0x9: {  	s19 =	sld [smem:$0x3FFB];
	_ =	sdelay $0x3  }
0xa: {  	_ =	strace s19  }
0xb: {  	s3 =	sld [smem:$0x3FFC];
	_ =	sdelay $0x3  }
0xc: {  	_ =	strace s3  }
0xd: {  	s3 =	sld [smem:$0x3FFD];
	_ =	sdelay $0x3  }
0xe: {  	_ =	strace s3  }
0xf: {  	_ =	strace $0x8FFFFFFF  }
0x10: {  	s20 =	sld [smem:$0x3FDB];
	_ =	sdelay $0x1  }
0x11: {  	s4 =	simm.s32 $_scs_section_size  }
0x12: {  	s5 =	simm.s32 $_size__tile_overlayer_lowered;
	s6 =	simm.s32 $_tile_overlayer_lowered  }
0x13: {  	s23 =	simm.s32 $0x1BFF;
	s22 =	sshll.u32 s6, $0x1;
	s3 =	sadd.s32 s4, s20  }
0x14: {  	s7 =	simm.s32 $0x0;
	s21 =	sshll.u32 s5, $0x1;
	s5 =	sadd.s32 s22, s3  }
0x15: {  	[timem:s7], [sflag:s23] =	dma.local [hbm:s5], s21  }
0x16: {  	_ =	swait.ge [sflag:s23], s21  }
0x17: {  	s4 =	ssub.s32 $0x0, s21;
	[sflag:s23] =	ssyncset.done $0x0  }
0x18: {  	[sflag:s23] =	ssyncadd.s32 s4;
	_ =	sdelay $0x1  }
0x19: {  	s24 =	simm.s32 $0x1B8B  }
0x1a: {  	_ =	swait.ge [sflag:s24], $0x1  }
0x1b: {  	[sflag:s24] =	ssyncset.done $0x0  }
0x1c: {  	s26 =	simm.s32 $0x1B8E;
	s25 =	sld [smem:$0x3FFE];
	[sflag:s24] =	ssyncadd.s32 $0xFFFFFFFF  }
0x1d: {  	s27 =	simm.s32 $execute0_lowered;
	[smem:$0x3FD2] =	sst s26  }
0x1e: {  	s5 =	sshll.u32 s27, $0x1;
	_ =	strace $0x80000049;
	[dreg:$0x1] =	wrdreg $0xFFFFFFFF  }
0x1f: {  	s28 =	simm.s32 $_size_execute0_lowered;
	s3 =	sadd.s32 s3, s5;
	[dreg:$0x0] =	wrdreg $0x0  }
0x20: {  	s5 =	sshll.u32 s28, $0x1;
	[dreg:$0x2] =	wrdreg s3  }
0x21: {  	[dreg:$0x3] =	wrdreg s5  }
0x22: {  	[dreg:$0x4] =	wrdreg $0xC0  }
0x23: {  	_ =	task [dreg:s7], $0x5FFFF  }
0x24: {  	[dreg:$0x1] =	wrdreg $0xFFFFFFFF  }
0x25: {  	[dreg:$0x0] =	wrdreg $0x60  }
0x26: {  	[dreg:$0x2] =	wrdreg s25  }
0x27: {  	[dreg:$0x3] =	wrdreg s2  }
0x28: {  	[dreg:$0x4] =	wrdreg $0x9  }
0x29: {  	_ =	task.clear_ibuf [dreg:s7], $0x5FFFF;
	_ =	strace $0x90000049  }
0x2a: {  	s29 =	simm.s32 $0x9;
	_ =	strace $0x8000004B  }
0x2b: {  	_ =	swait.ge [sflag:s29], $0x1  }
0x2c: {  	[sflag:s29] =	ssyncadd.s32 $0xFFFFFFFF  }
0x2d: {  	_ =	strace $0x9000004B  }
0x2e: {  	_ =	sfence  }
0x2f: {  	s30 =	sld [smem:$0x0];
	_ =	sdelay $0x2  }
0x30: {  	s31 =	sshll.u32 s1, $0xD;
	s1 =	sshrl.u32 s1, $0x2  }
0x31: {  	s3 =	sand.u32 $0x4000, s31;
	s1 =	sadd.s32 s1, s30  }
0x32: {  	s0 =	sor.u32 s3, s0;
	s1 =	sshll.u32 s1, $0x11  }
0x33: {  	s0 =	sor.u32 s1, s0  }
0x34: {  	s0 =	sadd.s32 $0x8F2B, s0  }
0x35: {  	[sflag:s0] =	ssyncadd.remote.s32 $0x1  }
0x36: {  	_ =	sfence.sel $0xFFFF  }
0x37: {  	[dreg:$0x0] =	wrdreg $0xFFFFFFFF;
	(pc) =	sbr.abs _section_cstart, $3  }
0x38: {  	[dreg:$0x1] =	wrdreg $0xFFFFFFFF  }
0x39: {  	_ =	task.clear_ibuf [dreg:s7], $0x2FFFF;
	_ =	strace $0x9FFFFFFF  }
0x3a: {  	(tm) =	ssettm $0x7FFFFFFF  }
0x3b: {  	_ =	shalt  }
tec
execute0_lowered:
.L_overlay_start_1:
0x0: {  	(tag) =	ssettag $0x1  }
0x1: {  	s0 =	srdreg.scid  }
0x2: {  	s1 =	sshll.u32 s0, $0x4  }
0x3: {  	s0 =	stileid.u32;
	s1 =	sand.u32 $0x10, s1  }
0x4: {  	s1 =	sor.u32 s0, s1  }
0x5: {  	s6 =	rddreg [dreg:$0x0];
	s4 =	simm.s32 $0x1;
	s2 =	sshll.u32 s1, $0x7  }
0x6: {  	s7 =	simm.s32 $0x2;
	s12 =	simm.s32 $0x0;
	s1 =	ssub.s32 $0x4000, s2  }
0x7: {  	s8 =	simm.s32 $0x20000;
	s13 =	simm.s32 $0x0;
	s3 =	sand.u32 $0xF80, s1  }
0x8: {  	s9 =	simm.s32 $0x0;
	s5 =	sshrl.u32 s1, $0xC;
	p0 =	sne.s32 s3, $0x0  }
.Ltmp0:
0x9: {  	s1 =	rddreg [dreg:$0x2];
	s4 =	simm.s32 @!p0 $0x0;
	(pc) =	sbr.rel .LBB1_1-.Ltmp0, $4  }
0xa: {  	s11 =	simm.s32 $0x0;
	s3 =	rddreg [dreg:$0x1];
	s5 =	sadd.s32 s4, s5  }
0xb: {  	_ =	strace $0x8000004A;
	s4 =	simm.s32 $0x1;
	s5 =	smul.u32 $0xC8, s5  }
0xc: {  	s6 =	sadd.s32 $0x805A00, s6;
	s10 =	smov.u32 s2;
	[sflag:s4] =	ssyncpa.u1 $0x0  }
0xd: {  	p0 =	por $0x0, $0x0;
	[sflag:s7] =	ssyncpa.u1 $0x0;
	s7 =	sor.u32 $0x1, s5  }
.LBB1_4:
0xe: {  	s16 =	sshll.u32 s13, $0x3;
	s17 =	sand.u32 $0x78, s13  }
0xf: {  	s30 =	sand.u32 $0x1F800, s13;
	s12 =	sshll.u32 s12, $0x11;
	s16 =	sand.u32 $0x3C00, s16  }
0x10: {  	[tilespmem:s15+$0x810 ss:$0x81] =	vst.msk $0xffff, v2;
	s31 =	sand.u32 $0x7, s13;
	s16 =	sor.u32 s17, s16;
	s17 =	sadd.s32 s3, s30  }
0x11: {  	[tilespmem:s15+$0x1020 ss:$0x81] =	vst.msk $0xffff, v0;
	s13 =	sshll.u32 s31, $0x12;
	s12 =	sadd.s32 s12, s17;
	s16 =	sshrl.u32 s16, $0x3  }
0x12: {  	[tilespmem:s15+$0x0 ss:$0x81] =	vst.msk $0xffff, v1;
	s13 =	sor.u32 $0x400, s13;
	s12 =	sadd.s32 s16, s12  }
0x13: {  	[hbm4b:s12+s13] =	stream.strided.scatter [tilespmem:s14], [sflag:$0x2], $0x2000, s8, s13, $0x20;
	[tilespmem:$0x8080] =	vst v63  }
.LBB1_5:
0x14: {  	s14 =	sadd.s32 $0x1, s9  }
0x15: {  	s12 =	sadd.s32 $0x1000, s10;
	s16 =	smov.u32 s10;
	p2 =	sgt.s32 s14, $0xC7  }
0x16: {  	s16 =	smov.u32 @p2 s12  }
0x17: {  	s14 =	simm.s32 @p2 $0x0;
	p2 =	sgt.s32 s16, $0x3FFF  }
0x18: {  	s16 =	smov.u32 @p2 s2;
	p2 =	sne.s32 s11, s7  }
.Ltmp1:
0x19: {  	p1 =	slt.u32 s11, $0x2;
	(pc) =	sbr.rel @!p2 .LBB1_6-.Ltmp1, $4  }
0x1a: {  	s15 =	simm.s32 @!p1 $0x2  }
0x1b: {  	s13 =	smov.u32 s10;
	p0 =	por !p0, !p0;
	_ =	swait.ge @!p1 [sflag:s15], $0x2000  }
0x1c: {  	s12 =	smov.u32 s9;
	[sflag:s15] =	ssyncset.done @!p1 $0x0;
	s9 =	smov.u32 s14  }
0x1d: {  	s11 =	sadd.s32 $0x1, s11;
	[sflag:s15] =	ssyncadd.s32 @!p1 $0xFFFFE000;
	s10 =	smov.u32 s16  }
.LBB1_1:
0x1e: {  	p1 =	sge.u32 s11, s5  }
0x1f: {  	s14 =	sand.u32 @!p1 $0x1FFFFFF, s9  }
0x20: {  	s15 =	smulhi.u32 @!p1 $0x147AE15, s14;
	_ =	sdelay $0x1  }
0x21: {  	s15 =	smul.u32 @!p1 $0xC8, s15  }
0x22: {  	s16 =	sxor.u32 @!p1 $0xFFFFFFFF, s11;
	s17 =	smul.u32 @!p1 $0xC80, s10  }
0x23: {  	s31 =	sadd.s32 $0xFFFFFFFF, s11;
	s16 =	sshll.u32 @!p1 s16, $0xD;
	s14 =	ssub.s32 @!p1 s14, s15  }
0x24: {  	s15 =	sand.u32 @!p1 $0x2000, s16;
	s16 =	sadd.s32 @!p1 s6, s17;
	s14 =	sshll.u32 @!p1 s14, $0x4  }
0x25: {  	s17 =	simm.s32 @!p1 $0x6400;
	s14 =	sadd.s32 @!p1 s14, s16;
	s16 =	simm.s32 @!p1 $0x40  }
0x26: {  	[tilespmem:s15], [sflag:$0x1] =	stream.strided.gather @!p1 [hbm4b:s14+s16], $0x2000, s17, s16, $0x38;
	[tilespmem:$0x8080] =	vst v63  }
0x27: {  	p1 =	sge.u32 s31, s5  }
.Ltmp2:
0x28: {  	_ = 	snop;
	(pc) =	sbr.rel @p1 .LBB1_5-.Ltmp2, $1  }
0x29: {  	_ =	sdelay $0x3  }
0x2a: {  	s14 =	simm.s32 $0x1  }
0x2b: {  	_ =	swait.ge [sflag:s4], $0x2000;
	s14 =	simm.s32 @!p0 $0x0  }
0x2c: {  	[sflag:s4] =	ssyncset.done $0x0;
	s15 =	sshll.u32 s14, $0xD  }
0x2d: {  	[sflag:s4] =	ssyncadd.s32 $0xFFFFE000;
	s18 =	sor.u32 $0x20, s15  }
0x2e: {  	s14 =	smul.u32 $0x8100, s14;
	v3 =	vld [tilespmem:s18+$0x10]  }
0x2f: {  	s30 =	sand.u32 $0x1, s11;
	v2 =	vld [tilespmem:s18+$0xFFFFFFF0]  }
0x30: {  	s15 =	smul.u32 $0x8100, s30;
	s14 =	sshrl.u32 s14, $0x2;
	v0 =	vld [tilespmem:s18+$0x0]  }
0x31: {  	v1 =	vld [tilespmem:s18+$0xFFFFFFE0];
	s16 =	sor.u32 $0x4000, s14  }
0x32: {  	s31 =	sshrl.u32 s15, $0x2;
	s15 =	sadd.s32 $0x0, s16  }
0x33: {  	s17 =	simm.s32 $0x4;
	s18 =	sadd.s32 $0x40, s18;
	s14 =	sor.u32 $0x4000, s31;
	[tilespmem:s15+$0x1830 ss:$0x81] =	vst.msk $0xffff, v3  }
.LBB1_3:
0x34: {  	v3 =	vld [tilespmem:s18+$0x10];
	p1 =	sne.s32 s17, $0x1FC;
	[tilespmem:s15+$0x810 ss:$0x81] =	vst.msk $0xffff, v2;
	s19 =	smov.u32 s17;
	s17 =	sadd.s32 $0x4, s17  }
.Ltmp3:
0x35: {  	v2 =	vld [tilespmem:s18+$0xFFFFFFF0];
	[tilespmem:s15+$0x1020 ss:$0x81] =	vst.msk $0xffff, v0;
	(pc) =	sbr.rel @p1 .LBB1_3-.Ltmp3, $4  }
0x36: {  	v0 =	vld [tilespmem:s18+$0x0];
	[tilespmem:s15+$0x0 ss:$0x81] =	vst.msk $0xffff, v1  }
0x37: {  	s15 =	sshra.s32 s19, $0x2;
	v1 =	vld [tilespmem:s18+$0xFFFFFFE0]  }
0x38: {  	s15 =	sadd.s32 s15, s16  }
0x39: {  	s18 =	sadd.s32 $0x40, s18;
	[tilespmem:s15+$0x1830 ss:$0x81] =	vst.msk $0xffff, v3  }
.Ltmp4:
0x3a: {  	_ = 	snop;
	(pc) =	sbr.rel .LBB1_4-.Ltmp4, $1  }
0x3b: {  	_ =	sdelay $0x3  }
.LBB1_6:
0x3c: {  	_ =	sfence.sel $0x180000  }
0x3d: {  	s2 =	simm.s32 $0x1;
	[bflag:$0x0] =	sbarrier.arrive $0xFFFF  }
0x3e: {  	s31 =	simm.s32 $0x2;
	[sflag:s2] =	ssyncpa.u1 $0x1  }
0x3f: {  	[sflag:s31] =	ssyncpa.u1 $0x1  }
0x40: {  	p0 =	sne.s32 s0, $0x0;
	_ =	strace $0x9000004A  }
0x41: {  	s0 =	sadd.s32 @!p0 $0x100000, s1;
	[bflag:$0x2] =	sbarrier.arrive $0xFFFF  }
0x42: {  	[sflag:s0] =	ssyncadd.tile.s32 @!p0 $0x1;
	_ =	shalt  }
.Lfunc_end1:
_tile_overlayer_lowered:
.L_overlay_start_2:
0x43: {  	(tag) =	ssettag $0x2  }
0x44: {  	s0 =	rddreg [dreg:$0x0];
	s2 =	stileid.u32  }
0x45: {  	s1 =	rddreg [dreg:$0x1];
	p0 =	sne.s32 s2, $0x0  }
0x46: {  	s3 =	rddreg [dreg:$0x2];
	[bflag:$0x3] =	sbarrier.arrive $0xFFFF;
	s2 =	simm.s32 @!p0 $0x1C01  }
0x47: {  	[timem:s3], [sflag:s2] =	dma.local @!p0 [hbm:s0], s1  }
0x48: {  	s0 =	simm.s32 @!p0 $0x1  }
0x49: {  	_ =	swait.ge @!p0 [sflag:s0], s1  }
0x4a: {  	s1 =	ssub.s32 @!p0 $0x0, s1;
	[sflag:s0] =	ssyncset.done @!p0 $0x0  }
0x4b: {  	[sflag:s0] =	ssyncadd.s32 @!p0 s1  }
0x4c: {  	[bflag:$0x3] =	sbarrier.arrive $0xFFFF  }
0x4d: {  	_ =	shalt  }

</sc_bundles>
